<compile_context>
chip_gen: v7x
topology: tpu7x:2x2x1
jax: 0.10.2.dev20260603
libtpu: 0.0.44.dev20260713+nightly
codegen_flags: <defaults>
</compile_context>

<pallas_src>
import functools

import jax
import jax.numpy as jnp
from jax import lax
from jax.experimental import pallas as pl
from jax.experimental.pallas import tpu as pltpu
from jax.experimental.pallas import tpu_sc as plsc

EMB = 50
BATCH = 16384
NC, NS, L = 2, 16, 16
NW = NC * NS
BPW = BATCH // NW
HALF = BPW // 2
HCHUNKS = HALF // L
IG = 128
NG = BPW // IG
NSEM = 8


def _sc_body(gidx_hbm, pidx_hbm, emb1_hbm, emb2_hbm, b1_hbm, b2_hbm,
             out_hbm, gidx_v, pidx_v, g_v, p_v, b1_v, b2_v,
             out_v, sem, *rsems):
    wid = lax.axis_index("s") * NC + lax.axis_index("c")
    base = wid * BPW

    for k in range(NG):
        pltpu.sync_copy(gidx_hbm.at[pl.ds(base + k * IG, IG)], gidx_v.at[k])
        pltpu.sync_copy(pidx_hbm.at[pl.ds(base + k * IG, IG)], pidx_v.at[k])

    bias_copies = []
    for k in range(NG):
        sl = pl.ds(k * IG, IG)
        bias_copies.append(pltpu.async_copy(
            b1_hbm.at[gidx_v.at[k]], b1_v.at[sl], sem))
        bias_copies.append(pltpu.async_copy(
            b2_hbm.at[pidx_v.at[k]], b2_v.at[sl], sem))
    for cp in bias_copies:
        cp.wait()

    lanes = lax.iota(jnp.int32, L)

    def half(h, carry):
        hbase = h * HALF

        def fire(grp, c):
            k = (hbase // IG) + grp // (IG // L)
            i = (grp % (IG // L)) * L
            gv16 = gidx_v[k, pl.ds(i, L)]
            pv16 = pidx_v[k, pl.ds(i, L)]
            r0 = grp * L
            for t in range(L):
                q = t % NSEM
                pltpu.async_copy(
                    emb1_hbm.at[gv16[t]], g_v.at[r0 + t], rsems[q])
                pltpu.async_copy(
                    emb2_hbm.at[pv16[t]], p_v.at[r0 + t], rsems[q])
            return c

        lax.fori_loop(0, HALF // L, fire, 0)

        per_sem = 2 * HALF // NSEM
        for q in range(NSEM):
            pltpu.make_async_copy(
                emb1_hbm.at[pl.ds(0, per_sem)],
                g_v.at[pl.ds(0, per_sem)], rsems[q]).wait()

        def chunk(c, carry2):
            r0 = c * L
            rows = r0 + lanes
            acc = (b1_v[pl.ds(hbase + r0, L)] + b2_v[pl.ds(hbase + r0, L)])
            for j in range(EMB):
                jv = jnp.full((L,), j, jnp.int32)
                gv = plsc.load_gather(g_v, [rows, jv])
                pv = plsc.load_gather(p_v, [rows, jv])
                acc = acc + gv * pv
            out_v[pl.ds(hbase + r0, L)] = acc
            return carry2

        lax.fori_loop(0, HCHUNKS, chunk, 0)
        return carry

    lax.fori_loop(0, 2, half, 0)

    pltpu.sync_copy(out_v, out_hbm.at[pl.ds(base, BPW)])


def _sc_call(gidx, pidx, emb_1, emb_2, b1, b2):
    mesh = plsc.VectorSubcoreMesh(core_axis_name="c", subcore_axis_name="s")
    k = functools.partial(
        pl.kernel,
        mesh=mesh,
        out_type=jax.ShapeDtypeStruct((BATCH,), jnp.float32),
        scratch_types=[
            pltpu.VMEM((NG, IG), jnp.int32),
            pltpu.VMEM((NG, IG), jnp.int32),
            pltpu.VMEM((HALF, EMB), jnp.float32),
            pltpu.VMEM((HALF, EMB), jnp.float32),
            pltpu.VMEM((BPW,), jnp.float32),
            pltpu.VMEM((BPW,), jnp.float32),
            pltpu.VMEM((BPW,), jnp.float32),
            pltpu.SemaphoreType.DMA,
        ] + [pltpu.SemaphoreType.DMA] * NSEM,
        compiler_params=pltpu.CompilerParams(needs_layout_passes=False),
    )(_sc_body)
    return k(gidx, pidx, emb_1, emb_2, b1, b2)


def kernel(x, emb_1, emb_2, emb_1_bias, emb_2_bias):
    gidx = x[:, 0].astype(jnp.int32)
    pidx = x[:, 1].astype(jnp.int32)
    b1 = emb_1_bias.reshape(-1)
    b2 = emb_2_bias.reshape(-1)
    return _sc_call(gidx, pidx, emb_1, emb_2, b1, b2)

# --- scband reference (transcript-rebuilt; emitter-appended) ---
"""Pipeline reference for scband-choy-embedding-38680475468297 (READ-ONLY COPY).

The authoritative reference and input builder live on the scoring server;
editing this copy changes nothing except your own understanding.
"""

import jax, jax.numpy as jnp
import numpy as np

VOCAB1 = 1000000
VOCAB2 = 1000000
EMB = 50
BATCH = 16384

def setup_inputs(seed: int = 0) -> dict:
    key = jax.random.key(seed)
    k1, k2, k3, k4, k5 = jax.random.split(key, 5)
    x = jax.random.randint(k1, (BATCH, 2), 0, VOCAB1, dtype=jnp.int64)
    emb_1 = jax.random.normal(k2, (VOCAB1, EMB), dtype=jnp.float32)
    emb_2 = jax.random.normal(k3, (VOCAB2, EMB), dtype=jnp.float32)
    emb_1_bias = jax.random.normal(k4, (VOCAB1, 1), dtype=jnp.float32)
    emb_2_bias = jax.random.normal(k5, (VOCAB2, 1), dtype=jnp.float32)
    return {"x": x, "emb_1": emb_1, "emb_2": emb_2, "emb_1_bias": emb_1_bias, "emb_2_bias": emb_2_bias}

def reference(x, emb_1, emb_2, emb_1_bias, emb_2_bias):
    gene_idx = x[:, 0]
    patient_idx = x[:, 1]
    # embedding lookups (gather)
    g = jnp.take(emb_1, gene_idx, axis=0)            # [B, 50]
    p = jnp.take(emb_2, patient_idx, axis=0)         # [B, 50]
    b1 = jnp.take(emb_1_bias, gene_idx, axis=0)      # [B, 1]
    b2 = jnp.take(emb_2_bias, patient_idx, axis=0)   # [B, 1]
    b = g.shape[0]
    m = 50
    t1 = g.reshape(b, 1, m)
    t2 = p.reshape(b, m, 1)
    # bmm [b,1,m] @ [b,m,1] -> [b,1,1] -> squeeze -> [b]
    mlp_output = jnp.einsum('bim,bmj->bij', t1, t2).squeeze()
    mlp_output = mlp_output + jnp.squeeze(b1)
    mlp_output = mlp_output + jnp.squeeze(b2)
    return mlp_output

if __name__ == "__main__":
    import jax
    _d = setup_inputs()
    print(jax.jit(kernel)(*tuple(_d.values())))

</pallas_src>

<mosaic_0001>
#map = affine_map<(d0, d1) -> (0)>
#map1 = affine_map<(d0, d1) -> (0, 0)>
module attributes {stable_mosaic.version = 14 : i64} {
  func.func @_sc_body(%arg0: i32, %arg1: i32, %arg2: memref<16384xi32, #tpu.memory_space<hbm>>, %arg3: memref<16384xi32, #tpu.memory_space<hbm>>, %arg4: memref<1000000x50xf32, #tpu.memory_space<hbm>>, %arg5: memref<1000000x50xf32, #tpu.memory_space<hbm>>, %arg6: memref<1000000xf32, #tpu.memory_space<hbm>>, %arg7: memref<1000000xf32, #tpu.memory_space<hbm>>, %arg8: memref<16384xf32, #tpu.memory_space<hbm>>, %arg9: memref<4x128xi32, #tpu.memory_space<vmem>>, %arg10: memref<4x128xi32, #tpu.memory_space<vmem>>, %arg11: memref<256x50xf32, #tpu.memory_space<vmem>>, %arg12: memref<256x50xf32, #tpu.memory_space<vmem>>, %arg13: memref<512xf32, #tpu.memory_space<vmem>>, %arg14: memref<512xf32, #tpu.memory_space<vmem>>, %arg15: memref<512xf32, #tpu.memory_space<vmem>>, %arg16: memref<!tpu.dma_semaphore, #tpu.memory_space<semaphore_mem>>, %arg17: memref<!tpu.dma_semaphore, #tpu.memory_space<semaphore_mem>>, %arg18: memref<!tpu.dma_semaphore, #tpu.memory_space<semaphore_mem>>, %arg19: memref<!tpu.dma_semaphore, #tpu.memory_space<semaphore_mem>>, %arg20: memref<!tpu.dma_semaphore, #tpu.memory_space<semaphore_mem>>, %arg21: memref<!tpu.dma_semaphore, #tpu.memory_space<semaphore_mem>>, %arg22: memref<!tpu.dma_semaphore, #tpu.memory_space<semaphore_mem>>, %arg23: memref<!tpu.dma_semaphore, #tpu.memory_space<semaphore_mem>>, %arg24: memref<!tpu.dma_semaphore, #tpu.memory_space<semaphore_mem>>) attributes {dimension_semantics = [#tpu.dimension_semantics<core_parallel>, #tpu.dimension_semantics<subcore_parallel>], iteration_bounds = array<i64: 2, 16>, scalar_prefetch = 0 : i64, scratch_operands = 16 : i64, tpu.core_type = #tpu.core_type<sc_vector_subcore>, window_params = [{transform_indices = #map}, {transform_indices = #map}, {transform_indices = #map1}, {transform_indices = #map1}, {transform_indices = #map}, {transform_indices = #map}, {transform_indices = #map}]} {
    %mul3A = arith.constant 2 : i32
    %mul3A_0 = arith.muli %arg1, %mul3A : i32
    %add3A = arith.addi %mul3A_0, %arg0 : i32
    %mul3A_1 = arith.constant 512 : i32
    %mul3A_2 = arith.muli %add3A, %mul3A_1 : i32
    %add3A_3 = arith.constant 0 : i32
    %add3A_4 = arith.addi %mul3A_2, %add3A_3 : i32
    %run_scoped3A = arith.constant 0 : i32
    "tpu.region"() ({
      %run_scoped3A_157 = tpu.sem_alloc : memref<!tpu.dma_semaphore, #tpu.memory_space<semaphore_mem>>
      %dma_start3A_158 = arith.constant 0 : i32
      %dma_start3A_159 = tpu.memref_slice %arg9[%run_scoped3A, %dma_start3A_158] : memref<4x128xi32, #tpu.memory_space<vmem>> -> memref<1x128xi32, #tpu.memory_space<vmem>>
      %dma_start3A_160 = tpu.memref_squeeze %dma_start3A_159 : memref<1x128xi32, #tpu.memory_space<vmem>> -> memref<128xi32, #tpu.memory_space<vmem>>
      %dma_start3A_161 = tpu.memref_slice %arg2[%add3A_4] : memref<16384xi32, #tpu.memory_space<hbm>> -> memref<128xi32, #tpu.memory_space<hbm>>
      %dma_start3A_162 = arith.constant 0 : i32
      %dma_start3A_163 = tpu.memref_slice %arg9[%run_scoped3A, %dma_start3A_162] : memref<4x128xi32, #tpu.memory_space<vmem>> -> memref<1x128xi32, #tpu.memory_space<vmem>>
      %dma_start3A_164 = tpu.memref_squeeze %dma_start3A_163 : memref<1x128xi32, #tpu.memory_space<vmem>> -> memref<128xi32, #tpu.memory_space<vmem>>
      %dma_start3A_165 = tpu.memref_slice %arg2[%add3A_4] : memref<16384xi32, #tpu.memory_space<hbm>> -> memref<128xi32, #tpu.memory_space<hbm>>
      tpu.enqueue_dma source(%dma_start3A_165 : memref<128xi32, #tpu.memory_space<hbm>>) target(%dma_start3A_164 : memref<128xi32, #tpu.memory_space<vmem>>) target_semaphore(%run_scoped3A_157 : memref<!tpu.dma_semaphore, #tpu.memory_space<semaphore_mem>>)
      %dma_wait3A_166 = arith.constant 0 : i32
      %dma_wait3A_167 = tpu.memref_slice %arg9[%run_scoped3A, %dma_wait3A_166] : memref<4x128xi32, #tpu.memory_space<vmem>> -> memref<1x128xi32, #tpu.memory_space<vmem>>
      %dma_wait3A_168 = tpu.memref_squeeze %dma_wait3A_167 : memref<1x128xi32, #tpu.memory_space<vmem>> -> memref<128xi32, #tpu.memory_space<vmem>>
      %dma_wait3A_169 = tpu.memref_slice %arg2[%add3A_4] : memref<16384xi32, #tpu.memory_space<hbm>> -> memref<128xi32, #tpu.memory_space<hbm>>
      %dma_wait3A_170 = arith.constant 0 : i32
      %dma_wait3A_171 = tpu.memref_slice %arg9[%run_scoped3A, %dma_wait3A_170] : memref<4x128xi32, #tpu.memory_space<vmem>> -> memref<1x128xi32, #tpu.memory_space<vmem>>
      %dma_wait3A_172 = tpu.memref_squeeze %dma_wait3A_171 : memref<1x128xi32, #tpu.memory_space<vmem>> -> memref<128xi32, #tpu.memory_space<vmem>>
      %dma_wait3A_173 = tpu.memref_slice %arg2[%add3A_4] : memref<16384xi32, #tpu.memory_space<hbm>> -> memref<128xi32, #tpu.memory_space<hbm>>
      tpu.wait_dma2 semaphore(%run_scoped3A_157 : memref<!tpu.dma_semaphore, #tpu.memory_space<semaphore_mem>>) src(%dma_wait3A_173 : memref<128xi32, #tpu.memory_space<hbm>>) dst(%dma_wait3A_172 : memref<128xi32, #tpu.memory_space<vmem>>)
      tpu.yield
    }) : () -> ()
    %add3A_5 = arith.constant 0 : i32
    %add3A_6 = arith.addi %mul3A_2, %add3A_5 : i32
    %run_scoped3A_7 = arith.constant 0 : i32
    "tpu.region"() ({
      %run_scoped3A_157 = tpu.sem_alloc : memref<!tpu.dma_semaphore, #tpu.memory_space<semaphore_mem>>
      %dma_start3A_158 = arith.constant 0 : i32
      %dma_start3A_159 = tpu.memref_slice %arg10[%run_scoped3A_7, %dma_start3A_158] : memref<4x128xi32, #tpu.memory_space<vmem>> -> memref<1x128xi32, #tpu.memory_space<vmem>>
      %dma_start3A_160 = tpu.memref_squeeze %dma_start3A_159 : memref<1x128xi32, #tpu.memory_space<vmem>> -> memref<128xi32, #tpu.memory_space<vmem>>
      %dma_start3A_161 = tpu.memref_slice %arg3[%add3A_6] : memref<16384xi32, #tpu.memory_space<hbm>> -> memref<128xi32, #tpu.memory_space<hbm>>
      %dma_start3A_162 = arith.constant 0 : i32
      %dma_start3A_163 = tpu.memref_slice %arg10[%run_scoped3A_7, %dma_start3A_162] : memref<4x128xi32, #tpu.memory_space<vmem>> -> memref<1x128xi32, #tpu.memory_space<vmem>>
      %dma_start3A_164 = tpu.memref_squeeze %dma_start3A_163 : memref<1x128xi32, #tpu.memory_space<vmem>> -> memref<128xi32, #tpu.memory_space<vmem>>
      %dma_start3A_165 = tpu.memref_slice %arg3[%add3A_6] : memref<16384xi32, #tpu.memory_space<hbm>> -> memref<128xi32, #tpu.memory_space<hbm>>
      tpu.enqueue_dma source(%dma_start3A_165 : memref<128xi32, #tpu.memory_space<hbm>>) target(%dma_start3A_164 : memref<128xi32, #tpu.memory_space<vmem>>) target_semaphore(%run_scoped3A_157 : memref<!tpu.dma_semaphore, #tpu.memory_space<semaphore_mem>>)
      %dma_wait3A_166 = arith.constant 0 : i32
      %dma_wait3A_167 = tpu.memref_slice %arg10[%run_scoped3A_7, %dma_wait3A_166] : memref<4x128xi32, #tpu.memory_space<vmem>> -> memref<1x128xi32, #tpu.memory_space<vmem>>
      %dma_wait3A_168 = tpu.memref_squeeze %dma_wait3A_167 : memref<1x128xi32, #tpu.memory_space<vmem>> -> memref<128xi32, #tpu.memory_space<vmem>>
      %dma_wait3A_169 = tpu.memref_slice %arg3[%add3A_6] : memref<16384xi32, #tpu.memory_space<hbm>> -> memref<128xi32, #tpu.memory_space<hbm>>
      %dma_wait3A_170 = arith.constant 0 : i32
      %dma_wait3A_171 = tpu.memref_slice %arg10[%run_scoped3A_7, %dma_wait3A_170] : memref<4x128xi32, #tpu.memory_space<vmem>> -> memref<1x128xi32, #tpu.memory_space<vmem>>
      %dma_wait3A_172 = tpu.memref_squeeze %dma_wait3A_171 : memref<1x128xi32, #tpu.memory_space<vmem>> -> memref<128xi32, #tpu.memory_space<vmem>>
      %dma_wait3A_173 = tpu.memref_slice %arg3[%add3A_6] : memref<16384xi32, #tpu.memory_space<hbm>> -> memref<128xi32, #tpu.memory_space<hbm>>
      tpu.wait_dma2 semaphore(%run_scoped3A_157 : memref<!tpu.dma_semaphore, #tpu.memory_space<semaphore_mem>>) src(%dma_wait3A_173 : memref<128xi32, #tpu.memory_space<hbm>>) dst(%dma_wait3A_172 : memref<128xi32, #tpu.memory_space<vmem>>)
      tpu.yield
    }) : () -> ()
    %add3A_8 = arith.constant 128 : i32
    %add3A_9 = arith.addi %mul3A_2, %add3A_8 : i32
    %run_scoped3A_10 = arith.constant 1 : i32
    "tpu.region"() ({
      %run_scoped3A_157 = tpu.sem_alloc : memref<!tpu.dma_semaphore, #tpu.memory_space<semaphore_mem>>
      %dma_start3A_158 = arith.constant 0 : i32
      %dma_start3A_159 = tpu.memref_slice %arg9[%run_scoped3A_10, %dma_start3A_158] : memref<4x128xi32, #tpu.memory_space<vmem>> -> memref<1x128xi32, #tpu.memory_space<vmem>>
      %dma_start3A_160 = tpu.memref_squeeze %dma_start3A_159 : memref<1x128xi32, #tpu.memory_space<vmem>> -> memref<128xi32, #tpu.memory_space<vmem>>
      %dma_start3A_161 = tpu.memref_slice %arg2[%add3A_9] : memref<16384xi32, #tpu.memory_space<hbm>> -> memref<128xi32, #tpu.memory_space<hbm>>
      %dma_start3A_162 = arith.constant 0 : i32
      %dma_start3A_163 = tpu.memref_slice %arg9[%run_scoped3A_10, %dma_start3A_162] : memref<4x128xi32, #tpu.memory_space<vmem>> -> memref<1x128xi32, #tpu.memory_space<vmem>>
      %dma_start3A_164 = tpu.memref_squeeze %dma_start3A_163 : memref<1x128xi32, #tpu.memory_space<vmem>> -> memref<128xi32, #tpu.memory_space<vmem>>
      %dma_start3A_165 = tpu.memref_slice %arg2[%add3A_9] : memref<16384xi32, #tpu.memory_space<hbm>> -> memref<128xi32, #tpu.memory_space<hbm>>
      tpu.enqueue_dma source(%dma_start3A_165 : memref<128xi32, #tpu.memory_space<hbm>>) target(%dma_start3A_164 : memref<128xi32, #tpu.memory_space<vmem>>) target_semaphore(%run_scoped3A_157 : memref<!tpu.dma_semaphore, #tpu.memory_space<semaphore_mem>>)
      %dma_wait3A_166 = arith.constant 0 : i32
      %dma_wait3A_167 = tpu.memref_slice %arg9[%run_scoped3A_10, %dma_wait3A_166] : memref<4x128xi32, #tpu.memory_space<vmem>> -> memref<1x128xi32, #tpu.memory_space<vmem>>
      %dma_wait3A_168 = tpu.memref_squeeze %dma_wait3A_167 : memref<1x128xi32, #tpu.memory_space<vmem>> -> memref<128xi32, #tpu.memory_space<vmem>>
      %dma_wait3A_169 = tpu.memref_slice %arg2[%add3A_9] : memref<16384xi32, #tpu.memory_space<hbm>> -> memref<128xi32, #tpu.memory_space<hbm>>
      %dma_wait3A_170 = arith.constant 0 : i32
      %dma_wait3A_171 = tpu.memref_slice %arg9[%run_scoped3A_10, %dma_wait3A_170] : memref<4x128xi32, #tpu.memory_space<vmem>> -> memref<1x128xi32, #tpu.memory_space<vmem>>
      %dma_wait3A_172 = tpu.memref_squeeze %dma_wait3A_171 : memref<1x128xi32, #tpu.memory_space<vmem>> -> memref<128xi32, #tpu.memory_space<vmem>>
      %dma_wait3A_173 = tpu.memref_slice %arg2[%add3A_9] : memref<16384xi32, #tpu.memory_space<hbm>> -> memref<128xi32, #tpu.memory_space<hbm>>
      tpu.wait_dma2 semaphore(%run_scoped3A_157 : memref<!tpu.dma_semaphore, #tpu.memory_space<semaphore_mem>>) src(%dma_wait3A_173 : memref<128xi32, #tpu.memory_space<hbm>>) dst(%dma_wait3A_172 : memref<128xi32, #tpu.memory_space<vmem>>)
      tpu.yield
    }) : () -> ()
    %add3A_11 = arith.constant 128 : i32
    %add3A_12 = arith.addi %mul3A_2, %add3A_11 : i32
    %run_scoped3A_13 = arith.constant 1 : i32
    "tpu.region"() ({
      %run_scoped3A_157 = tpu.sem_alloc : memref<!tpu.dma_semaphore, #tpu.memory_space<semaphore_mem>>
      %dma_start3A_158 = arith.constant 0 : i32
      %dma_start3A_159 = tpu.memref_slice %arg10[%run_scoped3A_13, %dma_start3A_158] : memref<4x128xi32, #tpu.memory_space<vmem>> -> memref<1x128xi32, #tpu.memory_space<vmem>>
      %dma_start3A_160 = tpu.memref_squeeze %dma_start3A_159 : memref<1x128xi32, #tpu.memory_space<vmem>> -> memref<128xi32, #tpu.memory_space<vmem>>
      %dma_start3A_161 = tpu.memref_slice %arg3[%add3A_12] : memref<16384xi32, #tpu.memory_space<hbm>> -> memref<128xi32, #tpu.memory_space<hbm>>
      %dma_start3A_162 = arith.constant 0 : i32
      %dma_start3A_163 = tpu.memref_slice %arg10[%run_scoped3A_13, %dma_start3A_162] : memref<4x128xi32, #tpu.memory_space<vmem>> -> memref<1x128xi32, #tpu.memory_space<vmem>>
      %dma_start3A_164 = tpu.memref_squeeze %dma_start3A_163 : memref<1x128xi32, #tpu.memory_space<vmem>> -> memref<128xi32, #tpu.memory_space<vmem>>
      %dma_start3A_165 = tpu.memref_slice %arg3[%add3A_12] : memref<16384xi32, #tpu.memory_space<hbm>> -> memref<128xi32, #tpu.memory_space<hbm>>
      tpu.enqueue_dma source(%dma_start3A_165 : memref<128xi32, #tpu.memory_space<hbm>>) target(%dma_start3A_164 : memref<128xi32, #tpu.memory_space<vmem>>) target_semaphore(%run_scoped3A_157 : memref<!tpu.dma_semaphore, #tpu.memory_space<semaphore_mem>>)
      %dma_wait3A_166 = arith.constant 0 : i32
      %dma_wait3A_167 = tpu.memref_slice %arg10[%run_scoped3A_13, %dma_wait3A_166] : memref<4x128xi32, #tpu.memory_space<vmem>> -> memref<1x128xi32, #tpu.memory_space<vmem>>
      %dma_wait3A_168 = tpu.memref_squeeze %dma_wait3A_167 : memref<1x128xi32, #tpu.memory_space<vmem>> -> memref<128xi32, #tpu.memory_space<vmem>>
      %dma_wait3A_169 = tpu.memref_slice %arg3[%add3A_12] : memref<16384xi32, #tpu.memory_space<hbm>> -> memref<128xi32, #tpu.memory_space<hbm>>
      %dma_wait3A_170 = arith.constant 0 : i32
      %dma_wait3A_171 = tpu.memref_slice %arg10[%run_scoped3A_13, %dma_wait3A_170] : memref<4x128xi32, #tpu.memory_space<vmem>> -> memref<1x128xi32, #tpu.memory_space<vmem>>
      %dma_wait3A_172 = tpu.memref_squeeze %dma_wait3A_171 : memref<1x128xi32, #tpu.memory_space<vmem>> -> memref<128xi32, #tpu.memory_space<vmem>>
      %dma_wait3A_173 = tpu.memref_slice %arg3[%add3A_12] : memref<16384xi32, #tpu.memory_space<hbm>> -> memref<128xi32, #tpu.memory_space<hbm>>
      tpu.wait_dma2 semaphore(%run_scoped3A_157 : memref<!tpu.dma_semaphore, #tpu.memory_space<semaphore_mem>>) src(%dma_wait3A_173 : memref<128xi32, #tpu.memory_space<hbm>>) dst(%dma_wait3A_172 : memref<128xi32, #tpu.memory_space<vmem>>)
      tpu.yield
    }) : () -> ()
    %add3A_14 = arith.constant 256 : i32
    %add3A_15 = arith.addi %mul3A_2, %add3A_14 : i32
    %run_scoped3A_16 = arith.constant 2 : i32
    "tpu.region"() ({
      %run_scoped3A_157 = tpu.sem_alloc : memref<!tpu.dma_semaphore, #tpu.memory_space<semaphore_mem>>
      %dma_start3A_158 = arith.constant 0 : i32
      %dma_start3A_159 = tpu.memref_slice %arg9[%run_scoped3A_16, %dma_start3A_158] : memref<4x128xi32, #tpu.memory_space<vmem>> -> memref<1x128xi32, #tpu.memory_space<vmem>>
      %dma_start3A_160 = tpu.memref_squeeze %dma_start3A_159 : memref<1x128xi32, #tpu.memory_space<vmem>> -> memref<128xi32, #tpu.memory_space<vmem>>
      %dma_start3A_161 = tpu.memref_slice %arg2[%add3A_15] : memref<16384xi32, #tpu.memory_space<hbm>> -> memref<128xi32, #tpu.memory_space<hbm>>
      %dma_start3A_162 = arith.constant 0 : i32
      %dma_start3A_163 = tpu.memref_slice %arg9[%run_scoped3A_16, %dma_start3A_162] : memref<4x128xi32, #tpu.memory_space<vmem>> -> memref<1x128xi32, #tpu.memory_space<vmem>>
      %dma_start3A_164 = tpu.memref_squeeze %dma_start3A_163 : memref<1x128xi32, #tpu.memory_space<vmem>> -> memref<128xi32, #tpu.memory_space<vmem>>
      %dma_start3A_165 = tpu.memref_slice %arg2[%add3A_15] : memref<16384xi32, #tpu.memory_space<hbm>> -> memref<128xi32, #tpu.memory_space<hbm>>
      tpu.enqueue_dma source(%dma_start3A_165 : memref<128xi32, #tpu.memory_space<hbm>>) target(%dma_start3A_164 : memref<128xi32, #tpu.memory_space<vmem>>) target_semaphore(%run_scoped3A_157 : memref<!tpu.dma_semaphore, #tpu.memory_space<semaphore_mem>>)
      %dma_wait3A_166 = arith.constant 0 : i32
      %dma_wait3A_167 = tpu.memref_slice %arg9[%run_scoped3A_16, %dma_wait3A_166] : memref<4x128xi32, #tpu.memory_space<vmem>> -> memref<1x128xi32, #tpu.memory_space<vmem>>
      %dma_wait3A_168 = tpu.memref_squeeze %dma_wait3A_167 : memref<1x128xi32, #tpu.memory_space<vmem>> -> memref<128xi32, #tpu.memory_space<vmem>>
      %dma_wait3A_169 = tpu.memref_slice %arg2[%add3A_15] : memref<16384xi32, #tpu.memory_space<hbm>> -> memref<128xi32, #tpu.memory_space<hbm>>
      %dma_wait3A_170 = arith.constant 0 : i32
      %dma_wait3A_171 = tpu.memref_slice %arg9[%run_scoped3A_16, %dma_wait3A_170] : memref<4x128xi32, #tpu.memory_space<vmem>> -> memref<1x128xi32, #tpu.memory_space<vmem>>
      %dma_wait3A_172 = tpu.memref_squeeze %dma_wait3A_171 : memref<1x128xi32, #tpu.memory_space<vmem>> -> memref<128xi32, #tpu.memory_space<vmem>>
      %dma_wait3A_173 = tpu.memref_slice %arg2[%add3A_15] : memref<16384xi32, #tpu.memory_space<hbm>> -> memref<128xi32, #tpu.memory_space<hbm>>
      tpu.wait_dma2 semaphore(%run_scoped3A_157 : memref<!tpu.dma_semaphore, #tpu.memory_space<semaphore_mem>>) src(%dma_wait3A_173 : memref<128xi32, #tpu.memory_space<hbm>>) dst(%dma_wait3A_172 : memref<128xi32, #tpu.memory_space<vmem>>)
      tpu.yield
    }) : () -> ()
    %add3A_17 = arith.constant 256 : i32
    %add3A_18 = arith.addi %mul3A_2, %add3A_17 : i32
    %run_scoped3A_19 = arith.constant 2 : i32
    "tpu.region"() ({
      %run_scoped3A_157 = tpu.sem_alloc : memref<!tpu.dma_semaphore, #tpu.memory_space<semaphore_mem>>
      %dma_start3A_158 = arith.constant 0 : i32
      %dma_start3A_159 = tpu.memref_slice %arg10[%run_scoped3A_19, %dma_start3A_158] : memref<4x128xi32, #tpu.memory_space<vmem>> -> memref<1x128xi32, #tpu.memory_space<vmem>>
      %dma_start3A_160 = tpu.memref_squeeze %dma_start3A_159 : memref<1x128xi32, #tpu.memory_space<vmem>> -> memref<128xi32, #tpu.memory_space<vmem>>
      %dma_start3A_161 = tpu.memref_slice %arg3[%add3A_18] : memref<16384xi32, #tpu.memory_space<hbm>> -> memref<128xi32, #tpu.memory_space<hbm>>
      %dma_start3A_162 = arith.constant 0 : i32
      %dma_start3A_163 = tpu.memref_slice %arg10[%run_scoped3A_19, %dma_start3A_162] : memref<4x128xi32, #tpu.memory_space<vmem>> -> memref<1x128xi32, #tpu.memory_space<vmem>>
      %dma_start3A_164 = tpu.memref_squeeze %dma_start3A_163 : memref<1x128xi32, #tpu.memory_space<vmem>> -> memref<128xi32, #tpu.memory_space<vmem>>
      %dma_start3A_165 = tpu.memref_slice %arg3[%add3A_18] : memref<16384xi32, #tpu.memory_space<hbm>> -> memref<128xi32, #tpu.memory_space<hbm>>
      tpu.enqueue_dma source(%dma_start3A_165 : memref<128xi32, #tpu.memory_space<hbm>>) target(%dma_start3A_164 : memref<128xi32, #tpu.memory_space<vmem>>) target_semaphore(%run_scoped3A_157 : memref<!tpu.dma_semaphore, #tpu.memory_space<semaphore_mem>>)
      %dma_wait3A_166 = arith.constant 0 : i32
      %dma_wait3A_167 = tpu.memref_slice %arg10[%run_scoped3A_19, %dma_wait3A_166] : memref<4x128xi32, #tpu.memory_space<vmem>> -> memref<1x128xi32, #tpu.memory_space<vmem>>
      %dma_wait3A_168 = tpu.memref_squeeze %dma_wait3A_167 : memref<1x128xi32, #tpu.memory_space<vmem>> -> memref<128xi32, #tpu.memory_space<vmem>>
      %dma_wait3A_169 = tpu.memref_slice %arg3[%add3A_18] : memref<16384xi32, #tpu.memory_space<hbm>> -> memref<128xi32, #tpu.memory_space<hbm>>
      %dma_wait3A_170 = arith.constant 0 : i32
      %dma_wait3A_171 = tpu.memref_slice %arg10[%run_scoped3A_19, %dma_wait3A_170] : memref<4x128xi32, #tpu.memory_space<vmem>> -> memref<1x128xi32, #tpu.memory_space<vmem>>
      %dma_wait3A_172 = tpu.memref_squeeze %dma_wait3A_171 : memref<1x128xi32, #tpu.memory_space<vmem>> -> memref<128xi32, #tpu.memory_space<vmem>>
      %dma_wait3A_173 = tpu.memref_slice %arg3[%add3A_18] : memref<16384xi32, #tpu.memory_space<hbm>> -> memref<128xi32, #tpu.memory_space<hbm>>
      tpu.wait_dma2 semaphore(%run_scoped3A_157 : memref<!tpu.dma_semaphore, #tpu.memory_space<semaphore_mem>>) src(%dma_wait3A_173 : memref<128xi32, #tpu.memory_space<hbm>>) dst(%dma_wait3A_172 : memref<128xi32, #tpu.memory_space<vmem>>)
      tpu.yield
    }) : () -> ()
    %add3A_20 = arith.constant 384 : i32
    %add3A_21 = arith.addi %mul3A_2, %add3A_20 : i32
    %run_scoped3A_22 = arith.constant 3 : i32
    "tpu.region"() ({
      %run_scoped3A_157 = tpu.sem_alloc : memref<!tpu.dma_semaphore, #tpu.memory_space<semaphore_mem>>
      %dma_start3A_158 = arith.constant 0 : i32
      %dma_start3A_159 = tpu.memref_slice %arg9[%run_scoped3A_22, %dma_start3A_158] : memref<4x128xi32, #tpu.memory_space<vmem>> -> memref<1x128xi32, #tpu.memory_space<vmem>>
      %dma_start3A_160 = tpu.memref_squeeze %dma_start3A_159 : memref<1x128xi32, #tpu.memory_space<vmem>> -> memref<128xi32, #tpu.memory_space<vmem>>
      %dma_start3A_161 = tpu.memref_slice %arg2[%add3A_21] : memref<16384xi32, #tpu.memory_space<hbm>> -> memref<128xi32, #tpu.memory_space<hbm>>
      %dma_start3A_162 = arith.constant 0 : i32
      %dma_start3A_163 = tpu.memref_slice %arg9[%run_scoped3A_22, %dma_start3A_162] : memref<4x128xi32, #tpu.memory_space<vmem>> -> memref<1x128xi32, #tpu.memory_space<vmem>>
      %dma_start3A_164 = tpu.memref_squeeze %dma_start3A_163 : memref<1x128xi32, #tpu.memory_space<vmem>> -> memref<128xi32, #tpu.memory_space<vmem>>
      %dma_start3A_165 = tpu.memref_slice %arg2[%add3A_21] : memref<16384xi32, #tpu.memory_space<hbm>> -> memref<128xi32, #tpu.memory_space<hbm>>
      tpu.enqueue_dma source(%dma_start3A_165 : memref<128xi32, #tpu.memory_space<hbm>>) target(%dma_start3A_164 : memref<128xi32, #tpu.memory_space<vmem>>) target_semaphore(%run_scoped3A_157 : memref<!tpu.dma_semaphore, #tpu.memory_space<semaphore_mem>>)
      %dma_wait3A_166 = arith.constant 0 : i32
      %dma_wait3A_167 = tpu.memref_slice %arg9[%run_scoped3A_22, %dma_wait3A_166] : memref<4x128xi32, #tpu.memory_space<vmem>> -> memref<1x128xi32, #tpu.memory_space<vmem>>
      %dma_wait3A_168 = tpu.memref_squeeze %dma_wait3A_167 : memref<1x128xi32, #tpu.memory_space<vmem>> -> memref<128xi32, #tpu.memory_space<vmem>>
      %dma_wait3A_169 = tpu.memref_slice %arg2[%add3A_21] : memref<16384xi32, #tpu.memory_space<hbm>> -> memref<128xi32, #tpu.memory_space<hbm>>
      %dma_wait3A_170 = arith.constant 0 : i32
      %dma_wait3A_171 = tpu.memref_slice %arg9[%run_scoped3A_22, %dma_wait3A_170] : memref<4x128xi32, #tpu.memory_space<vmem>> -> memref<1x128xi32, #tpu.memory_space<vmem>>
      %dma_wait3A_172 = tpu.memref_squeeze %dma_wait3A_171 : memref<1x128xi32, #tpu.memory_space<vmem>> -> memref<128xi32, #tpu.memory_space<vmem>>
      %dma_wait3A_173 = tpu.memref_slice %arg2[%add3A_21] : memref<16384xi32, #tpu.memory_space<hbm>> -> memref<128xi32, #tpu.memory_space<hbm>>
      tpu.wait_dma2 semaphore(%run_scoped3A_157 : memref<!tpu.dma_semaphore, #tpu.memory_space<semaphore_mem>>) src(%dma_wait3A_173 : memref<128xi32, #tpu.memory_space<hbm>>) dst(%dma_wait3A_172 : memref<128xi32, #tpu.memory_space<vmem>>)
      tpu.yield
    }) : () -> ()
    %add3A_23 = arith.constant 384 : i32
    %add3A_24 = arith.addi %mul3A_2, %add3A_23 : i32
    %run_scoped3A_25 = arith.constant 3 : i32
    "tpu.region"() ({
      %run_scoped3A_157 = tpu.sem_alloc : memref<!tpu.dma_semaphore, #tpu.memory_space<semaphore_mem>>
      %dma_start3A_158 = arith.constant 0 : i32
      %dma_start3A_159 = tpu.memref_slice %arg10[%run_scoped3A_25, %dma_start3A_158] : memref<4x128xi32, #tpu.memory_space<vmem>> -> memref<1x128xi32, #tpu.memory_space<vmem>>
      %dma_start3A_160 = tpu.memref_squeeze %dma_start3A_159 : memref<1x128xi32, #tpu.memory_space<vmem>> -> memref<128xi32, #tpu.memory_space<vmem>>
      %dma_start3A_161 = tpu.memref_slice %arg3[%add3A_24] : memref<16384xi32, #tpu.memory_space<hbm>> -> memref<128xi32, #tpu.memory_space<hbm>>
      %dma_start3A_162 = arith.constant 0 : i32
      %dma_start3A_163 = tpu.memref_slice %arg10[%run_scoped3A_25, %dma_start3A_162] : memref<4x128xi32, #tpu.memory_space<vmem>> -> memref<1x128xi32, #tpu.memory_space<vmem>>
      %dma_start3A_164 = tpu.memref_squeeze %dma_start3A_163 : memref<1x128xi32, #tpu.memory_space<vmem>> -> memref<128xi32, #tpu.memory_space<vmem>>
      %dma_start3A_165 = tpu.memref_slice %arg3[%add3A_24] : memref<16384xi32, #tpu.memory_space<hbm>> -> memref<128xi32, #tpu.memory_space<hbm>>
      tpu.enqueue_dma source(%dma_start3A_165 : memref<128xi32, #tpu.memory_space<hbm>>) target(%dma_start3A_164 : memref<128xi32, #tpu.memory_space<vmem>>) target_semaphore(%run_scoped3A_157 : memref<!tpu.dma_semaphore, #tpu.memory_space<semaphore_mem>>)
      %dma_wait3A_166 = arith.constant 0 : i32
      %dma_wait3A_167 = tpu.memref_slice %arg10[%run_scoped3A_25, %dma_wait3A_166] : memref<4x128xi32, #tpu.memory_space<vmem>> -> memref<1x128xi32, #tpu.memory_space<vmem>>
      %dma_wait3A_168 = tpu.memref_squeeze %dma_wait3A_167 : memref<1x128xi32, #tpu.memory_space<vmem>> -> memref<128xi32, #tpu.memory_space<vmem>>
      %dma_wait3A_169 = tpu.memref_slice %arg3[%add3A_24] : memref<16384xi32, #tpu.memory_space<hbm>> -> memref<128xi32, #tpu.memory_space<hbm>>
      %dma_wait3A_170 = arith.constant 0 : i32
      %dma_wait3A_171 = tpu.memref_slice %arg10[%run_scoped3A_25, %dma_wait3A_170] : memref<4x128xi32, #tpu.memory_space<vmem>> -> memref<1x128xi32, #tpu.memory_space<vmem>>
      %dma_wait3A_172 = tpu.memref_squeeze %dma_wait3A_171 : memref<1x128xi32, #tpu.memory_space<vmem>> -> memref<128xi32, #tpu.memory_space<vmem>>
      %dma_wait3A_173 = tpu.memref_slice %arg3[%add3A_24] : memref<16384xi32, #tpu.memory_space<hbm>> -> memref<128xi32, #tpu.memory_space<hbm>>
      tpu.wait_dma2 semaphore(%run_scoped3A_157 : memref<!tpu.dma_semaphore, #tpu.memory_space<semaphore_mem>>) src(%dma_wait3A_173 : memref<128xi32, #tpu.memory_space<hbm>>) dst(%dma_wait3A_172 : memref<128xi32, #tpu.memory_space<vmem>>)
      tpu.yield
    }) : () -> ()
    %dma_start3A = arith.constant 0 : i32
    %dma_start3A_26 = arith.constant 0 : i32
    %dma_start3A_27 = tpu.memref_slice %arg13[%dma_start3A_26] : memref<512xf32, #tpu.memory_space<vmem>> -> memref<128xf32, #tpu.memory_space<vmem>>
    %dma_start3A_28 = arith.constant 0 : i32
    %dma_start3A_29 = tpu.memref_slice %arg9[%dma_start3A, %dma_start3A_28] : memref<4x128xi32, #tpu.memory_space<vmem>> -> memref<1x128xi32, #tpu.memory_space<vmem>>
    %dma_start3A_30 = tpu.memref_squeeze %dma_start3A_29 : memref<1x128xi32, #tpu.memory_space<vmem>> -> memref<128xi32, #tpu.memory_space<vmem>>
    %dma_start3A_31 = arith.constant 0 : i32
    %dma_start3A_32 = tpu.memref_slice %arg6[%dma_start3A_31] : memref<1000000xf32, #tpu.memory_space<hbm>> -> memref<1000000xf32, #tpu.memory_space<hbm>>
    tpu.enqueue_indirect_dma source(%dma_start3A_32 : memref<1000000xf32, #tpu.memory_space<hbm>>) target(%dma_start3A_27 : memref<128xf32, #tpu.memory_space<vmem>>) offsets(%dma_start3A_30 : memref<128xi32, #tpu.memory_space<vmem>>) semaphore(%arg16 : memref<!tpu.dma_semaphore, #tpu.memory_space<semaphore_mem>>)
    %dma_start3A_33 = arith.constant 0 : i32
    %dma_start3A_34 = arith.constant 0 : i32
    %dma_start3A_35 = tpu.memref_slice %arg14[%dma_start3A_34] : memref<512xf32, #tpu.memory_space<vmem>> -> memref<128xf32, #tpu.memory_space<vmem>>
    %dma_start3A_36 = arith.constant 0 : i32
    %dma_start3A_37 = tpu.memref_slice %arg10[%dma_start3A_33, %dma_start3A_36] : memref<4x128xi32, #tpu.memory_space<vmem>> -> memref<1x128xi32, #tpu.memory_space<vmem>>
    %dma_start3A_38 = tpu.memref_squeeze %dma_start3A_37 : memref<1x128xi32, #tpu.memory_space<vmem>> -> memref<128xi32, #tpu.memory_space<vmem>>
    %dma_start3A_39 = arith.constant 0 : i32
    %dma_start3A_40 = tpu.memref_slice %arg7[%dma_start3A_39] : memref<1000000xf32, #tpu.memory_space<hbm>> -> memref<1000000xf32, #tpu.memory_space<hbm>>
    tpu.enqueue_indirect_dma source(%dma_start3A_40 : memref<1000000xf32, #tpu.memory_space<hbm>>) target(%dma_start3A_35 : memref<128xf32, #tpu.memory_space<vmem>>) offsets(%dma_start3A_38 : memref<128xi32, #tpu.memory_space<vmem>>) semaphore(%arg16 : memref<!tpu.dma_semaphore, #tpu.memory_space<semaphore_mem>>)
    %dma_start3A_41 = arith.constant 1 : i32
    %dma_start3A_42 = arith.constant 128 : i32
    %dma_start3A_43 = tpu.memref_slice %arg13[%dma_start3A_42] : memref<512xf32, #tpu.memory_space<vmem>> -> memref<128xf32, #tpu.memory_space<vmem>>
    %dma_start3A_44 = arith.constant 0 : i32
    %dma_start3A_45 = tpu.memref_slice %arg9[%dma_start3A_41, %dma_start3A_44] : memref<4x128xi32, #tpu.memory_space<vmem>> -> memref<1x128xi32, #tpu.memory_space<vmem>>
    %dma_start3A_46 = tpu.memref_squeeze %dma_start3A_45 : memref<1x128xi32, #tpu.memory_space<vmem>> -> memref<128xi32, #tpu.memory_space<vmem>>
    %dma_start3A_47 = arith.constant 0 : i32
    %dma_start3A_48 = tpu.memref_slice %arg6[%dma_start3A_47] : memref<1000000xf32, #tpu.memory_space<hbm>> -> memref<1000000xf32, #tpu.memory_space<hbm>>
    tpu.enqueue_indirect_dma source(%dma_start3A_48 : memref<1000000xf32, #tpu.memory_space<hbm>>) target(%dma_start3A_43 : memref<128xf32, #tpu.memory_space<vmem>>) offsets(%dma_start3A_46 : memref<128xi32, #tpu.memory_space<vmem>>) semaphore(%arg16 : memref<!tpu.dma_semaphore, #tpu.memory_space<semaphore_mem>>)
    %dma_start3A_49 = arith.constant 1 : i32
    %dma_start3A_50 = arith.constant 128 : i32
    %dma_start3A_51 = tpu.memref_slice %arg14[%dma_start3A_50] : memref<512xf32, #tpu.memory_space<vmem>> -> memref<128xf32, #tpu.memory_space<vmem>>
    %dma_start3A_52 = arith.constant 0 : i32
    %dma_start3A_53 = tpu.memref_slice %arg10[%dma_start3A_49, %dma_start3A_52] : memref<4x128xi32, #tpu.memory_space<vmem>> -> memref<1x128xi32, #tpu.memory_space<vmem>>
    %dma_start3A_54 = tpu.memref_squeeze %dma_start3A_53 : memref<1x128xi32, #tpu.memory_space<vmem>> -> memref<128xi32, #tpu.memory_space<vmem>>
    %dma_start3A_55 = arith.constant 0 : i32
    %dma_start3A_56 = tpu.memref_slice %arg7[%dma_start3A_55] : memref<1000000xf32, #tpu.memory_space<hbm>> -> memref<1000000xf32, #tpu.memory_space<hbm>>
    tpu.enqueue_indirect_dma source(%dma_start3A_56 : memref<1000000xf32, #tpu.memory_space<hbm>>) target(%dma_start3A_51 : memref<128xf32, #tpu.memory_space<vmem>>) offsets(%dma_start3A_54 : memref<128xi32, #tpu.memory_space<vmem>>) semaphore(%arg16 : memref<!tpu.dma_semaphore, #tpu.memory_space<semaphore_mem>>)
    %dma_start3A_57 = arith.constant 2 : i32
    %dma_start3A_58 = arith.constant 256 : i32
    %dma_start3A_59 = tpu.memref_slice %arg13[%dma_start3A_58] : memref<512xf32, #tpu.memory_space<vmem>> -> memref<128xf32, #tpu.memory_space<vmem>>
    %dma_start3A_60 = arith.constant 0 : i32
    %dma_start3A_61 = tpu.memref_slice %arg9[%dma_start3A_57, %dma_start3A_60] : memref<4x128xi32, #tpu.memory_space<vmem>> -> memref<1x128xi32, #tpu.memory_space<vmem>>
    %dma_start3A_62 = tpu.memref_squeeze %dma_start3A_61 : memref<1x128xi32, #tpu.memory_space<vmem>> -> memref<128xi32, #tpu.memory_space<vmem>>
    %dma_start3A_63 = arith.constant 0 : i32
    %dma_start3A_64 = tpu.memref_slice %arg6[%dma_start3A_63] : memref<1000000xf32, #tpu.memory_space<hbm>> -> memref<1000000xf32, #tpu.memory_space<hbm>>
    tpu.enqueue_indirect_dma source(%dma_start3A_64 : memref<1000000xf32, #tpu.memory_space<hbm>>) target(%dma_start3A_59 : memref<128xf32, #tpu.memory_space<vmem>>) offsets(%dma_start3A_62 : memref<128xi32, #tpu.memory_space<vmem>>) semaphore(%arg16 : memref<!tpu.dma_semaphore, #tpu.memory_space<semaphore_mem>>)
    %dma_start3A_65 = arith.constant 2 : i32
    %dma_start3A_66 = arith.constant 256 : i32
    %dma_start3A_67 = tpu.memref_slice %arg14[%dma_start3A_66] : memref<512xf32, #tpu.memory_space<vmem>> -> memref<128xf32, #tpu.memory_space<vmem>>
    %dma_start3A_68 = arith.constant 0 : i32
    %dma_start3A_69 = tpu.memref_slice %arg10[%dma_start3A_65, %dma_start3A_68] : memref<4x128xi32, #tpu.memory_space<vmem>> -> memref<1x128xi32, #tpu.memory_space<vmem>>
    %dma_start3A_70 = tpu.memref_squeeze %dma_start3A_69 : memref<1x128xi32, #tpu.memory_space<vmem>> -> memref<128xi32, #tpu.memory_space<vmem>>
    %dma_start3A_71 = arith.constant 0 : i32
    %dma_start3A_72 = tpu.memref_slice %arg7[%dma_start3A_71] : memref<1000000xf32, #tpu.memory_space<hbm>> -> memref<1000000xf32, #tpu.memory_space<hbm>>
    tpu.enqueue_indirect_dma source(%dma_start3A_72 : memref<1000000xf32, #tpu.memory_space<hbm>>) target(%dma_start3A_67 : memref<128xf32, #tpu.memory_space<vmem>>) offsets(%dma_start3A_70 : memref<128xi32, #tpu.memory_space<vmem>>) semaphore(%arg16 : memref<!tpu.dma_semaphore, #tpu.memory_space<semaphore_mem>>)
    %dma_start3A_73 = arith.constant 3 : i32
    %dma_start3A_74 = arith.constant 384 : i32
    %dma_start3A_75 = tpu.memref_slice %arg13[%dma_start3A_74] : memref<512xf32, #tpu.memory_space<vmem>> -> memref<128xf32, #tpu.memory_space<vmem>>
    %dma_start3A_76 = arith.constant 0 : i32
    %dma_start3A_77 = tpu.memref_slice %arg9[%dma_start3A_73, %dma_start3A_76] : memref<4x128xi32, #tpu.memory_space<vmem>> -> memref<1x128xi32, #tpu.memory_space<vmem>>
    %dma_start3A_78 = tpu.memref_squeeze %dma_start3A_77 : memref<1x128xi32, #tpu.memory_space<vmem>> -> memref<128xi32, #tpu.memory_space<vmem>>
    %dma_start3A_79 = arith.constant 0 : i32
    %dma_start3A_80 = tpu.memref_slice %arg6[%dma_start3A_79] : memref<1000000xf32, #tpu.memory_space<hbm>> -> memref<1000000xf32, #tpu.memory_space<hbm>>
    tpu.enqueue_indirect_dma source(%dma_start3A_80 : memref<1000000xf32, #tpu.memory_space<hbm>>) target(%dma_start3A_75 : memref<128xf32, #tpu.memory_space<vmem>>) offsets(%dma_start3A_78 : memref<128xi32, #tpu.memory_space<vmem>>) semaphore(%arg16 : memref<!tpu.dma_semaphore, #tpu.memory_space<semaphore_mem>>)
    %dma_start3A_81 = arith.constant 3 : i32
    %dma_start3A_82 = arith.constant 384 : i32
    %dma_start3A_83 = tpu.memref_slice %arg14[%dma_start3A_82] : memref<512xf32, #tpu.memory_space<vmem>> -> memref<128xf32, #tpu.memory_space<vmem>>
    %dma_start3A_84 = arith.constant 0 : i32
    %dma_start3A_85 = tpu.memref_slice %arg10[%dma_start3A_81, %dma_start3A_84] : memref<4x128xi32, #tpu.memory_space<vmem>> -> memref<1x128xi32, #tpu.memory_space<vmem>>
    %dma_start3A_86 = tpu.memref_squeeze %dma_start3A_85 : memref<1x128xi32, #tpu.memory_space<vmem>> -> memref<128xi32, #tpu.memory_space<vmem>>
    %dma_start3A_87 = arith.constant 0 : i32
    %dma_start3A_88 = tpu.memref_slice %arg7[%dma_start3A_87] : memref<1000000xf32, #tpu.memory_space<hbm>> -> memref<1000000xf32, #tpu.memory_space<hbm>>
    tpu.enqueue_indirect_dma source(%dma_start3A_88 : memref<1000000xf32, #tpu.memory_space<hbm>>) target(%dma_start3A_83 : memref<128xf32, #tpu.memory_space<vmem>>) offsets(%dma_start3A_86 : memref<128xi32, #tpu.memory_space<vmem>>) semaphore(%arg16 : memref<!tpu.dma_semaphore, #tpu.memory_space<semaphore_mem>>)
    %dma_wait3A = arith.constant 0 : i32
    %dma_wait3A_89 = arith.constant 0 : i32
    %dma_wait3A_90 = tpu.memref_slice %arg13[%dma_wait3A_89] : memref<512xf32, #tpu.memory_space<vmem>> -> memref<128xf32, #tpu.memory_space<vmem>>
    %dma_wait3A_91 = arith.constant 0 : i32
    %dma_wait3A_92 = tpu.memref_slice %arg9[%dma_wait3A, %dma_wait3A_91] : memref<4x128xi32, #tpu.memory_space<vmem>> -> memref<1x128xi32, #tpu.memory_space<vmem>>
    %dma_wait3A_93 = tpu.memref_squeeze %dma_wait3A_92 : memref<1x128xi32, #tpu.memory_space<vmem>> -> memref<128xi32, #tpu.memory_space<vmem>>
    %dma_wait3A_94 = arith.constant 0 : i32
    %dma_wait3A_95 = tpu.memref_slice %arg6[%dma_wait3A_94] : memref<1000000xf32, #tpu.memory_space<hbm>> -> memref<1000000xf32, #tpu.memory_space<hbm>>
    tpu.wait_indirect_dma semaphore(%arg16 : memref<!tpu.dma_semaphore, #tpu.memory_space<semaphore_mem>>) src(%dma_wait3A_95 : memref<1000000xf32, #tpu.memory_space<hbm>>) dst(%dma_wait3A_90 : memref<128xf32, #tpu.memory_space<vmem>>)
    %dma_wait3A_96 = arith.constant 0 : i32
    %dma_wait3A_97 = arith.constant 0 : i32
    %dma_wait3A_98 = tpu.memref_slice %arg14[%dma_wait3A_97] : memref<512xf32, #tpu.memory_space<vmem>> -> memref<128xf32, #tpu.memory_space<vmem>>
    %dma_wait3A_99 = arith.constant 0 : i32
    %dma_wait3A_100 = tpu.memref_slice %arg10[%dma_wait3A_96, %dma_wait3A_99] : memref<4x128xi32, #tpu.memory_space<vmem>> -> memref<1x128xi32, #tpu.memory_space<vmem>>
    %dma_wait3A_101 = tpu.memref_squeeze %dma_wait3A_100 : memref<1x128xi32, #tpu.memory_space<vmem>> -> memref<128xi32, #tpu.memory_space<vmem>>
    %dma_wait3A_102 = arith.constant 0 : i32
    %dma_wait3A_103 = tpu.memref_slice %arg7[%dma_wait3A_102] : memref<1000000xf32, #tpu.memory_space<hbm>> -> memref<1000000xf32, #tpu.memory_space<hbm>>
    tpu.wait_indirect_dma semaphore(%arg16 : memref<!tpu.dma_semaphore, #tpu.memory_space<semaphore_mem>>) src(%dma_wait3A_103 : memref<1000000xf32, #tpu.memory_space<hbm>>) dst(%dma_wait3A_98 : memref<128xf32, #tpu.memory_space<vmem>>)
    %dma_wait3A_104 = arith.constant 1 : i32
    %dma_wait3A_105 = arith.constant 128 : i32
    %dma_wait3A_106 = tpu.memref_slice %arg13[%dma_wait3A_105] : memref<512xf32, #tpu.memory_space<vmem>> -> memref<128xf32, #tpu.memory_space<vmem>>
    %dma_wait3A_107 = arith.constant 0 : i32
    %dma_wait3A_108 = tpu.memref_slice %arg9[%dma_wait3A_104, %dma_wait3A_107] : memref<4x128xi32, #tpu.memory_space<vmem>> -> memref<1x128xi32, #tpu.memory_space<vmem>>
    %dma_wait3A_109 = tpu.memref_squeeze %dma_wait3A_108 : memref<1x128xi32, #tpu.memory_space<vmem>> -> memref<128xi32, #tpu.memory_space<vmem>>
    %dma_wait3A_110 = arith.constant 0 : i32
    %dma_wait3A_111 = tpu.memref_slice %arg6[%dma_wait3A_110] : memref<1000000xf32, #tpu.memory_space<hbm>> -> memref<1000000xf32, #tpu.memory_space<hbm>>
    tpu.wait_indirect_dma semaphore(%arg16 : memref<!tpu.dma_semaphore, #tpu.memory_space<semaphore_mem>>) src(%dma_wait3A_111 : memref<1000000xf32, #tpu.memory_space<hbm>>) dst(%dma_wait3A_106 : memref<128xf32, #tpu.memory_space<vmem>>)
    %dma_wait3A_112 = arith.constant 1 : i32
    %dma_wait3A_113 = arith.constant 128 : i32
    %dma_wait3A_114 = tpu.memref_slice %arg14[%dma_wait3A_113] : memref<512xf32, #tpu.memory_space<vmem>> -> memref<128xf32, #tpu.memory_space<vmem>>
    %dma_wait3A_115 = arith.constant 0 : i32
    %dma_wait3A_116 = tpu.memref_slice %arg10[%dma_wait3A_112, %dma_wait3A_115] : memref<4x128xi32, #tpu.memory_space<vmem>> -> memref<1x128xi32, #tpu.memory_space<vmem>>
    %dma_wait3A_117 = tpu.memref_squeeze %dma_wait3A_116 : memref<1x128xi32, #tpu.memory_space<vmem>> -> memref<128xi32, #tpu.memory_space<vmem>>
    %dma_wait3A_118 = arith.constant 0 : i32
    %dma_wait3A_119 = tpu.memref_slice %arg7[%dma_wait3A_118] : memref<1000000xf32, #tpu.memory_space<hbm>> -> memref<1000000xf32, #tpu.memory_space<hbm>>
    tpu.wait_indirect_dma semaphore(%arg16 : memref<!tpu.dma_semaphore, #tpu.memory_space<semaphore_mem>>) src(%dma_wait3A_119 : memref<1000000xf32, #tpu.memory_space<hbm>>) dst(%dma_wait3A_114 : memref<128xf32, #tpu.memory_space<vmem>>)
    %dma_wait3A_120 = arith.constant 2 : i32
    %dma_wait3A_121 = arith.constant 256 : i32
    %dma_wait3A_122 = tpu.memref_slice %arg13[%dma_wait3A_121] : memref<512xf32, #tpu.memory_space<vmem>> -> memref<128xf32, #tpu.memory_space<vmem>>
    %dma_wait3A_123 = arith.constant 0 : i32
    %dma_wait3A_124 = tpu.memref_slice %arg9[%dma_wait3A_120, %dma_wait3A_123] : memref<4x128xi32, #tpu.memory_space<vmem>> -> memref<1x128xi32, #tpu.memory_space<vmem>>
    %dma_wait3A_125 = tpu.memref_squeeze %dma_wait3A_124 : memref<1x128xi32, #tpu.memory_space<vmem>> -> memref<128xi32, #tpu.memory_space<vmem>>
    %dma_wait3A_126 = arith.constant 0 : i32
    %dma_wait3A_127 = tpu.memref_slice %arg6[%dma_wait3A_126] : memref<1000000xf32, #tpu.memory_space<hbm>> -> memref<1000000xf32, #tpu.memory_space<hbm>>
    tpu.wait_indirect_dma semaphore(%arg16 : memref<!tpu.dma_semaphore, #tpu.memory_space<semaphore_mem>>) src(%dma_wait3A_127 : memref<1000000xf32, #tpu.memory_space<hbm>>) dst(%dma_wait3A_122 : memref<128xf32, #tpu.memory_space<vmem>>)
    %dma_wait3A_128 = arith.constant 2 : i32
    %dma_wait3A_129 = arith.constant 256 : i32
    %dma_wait3A_130 = tpu.memref_slice %arg14[%dma_wait3A_129] : memref<512xf32, #tpu.memory_space<vmem>> -> memref<128xf32, #tpu.memory_space<vmem>>
    %dma_wait3A_131 = arith.constant 0 : i32
    %dma_wait3A_132 = tpu.memref_slice %arg10[%dma_wait3A_128, %dma_wait3A_131] : memref<4x128xi32, #tpu.memory_space<vmem>> -> memref<1x128xi32, #tpu.memory_space<vmem>>
    %dma_wait3A_133 = tpu.memref_squeeze %dma_wait3A_132 : memref<1x128xi32, #tpu.memory_space<vmem>> -> memref<128xi32, #tpu.memory_space<vmem>>
    %dma_wait3A_134 = arith.constant 0 : i32
    %dma_wait3A_135 = tpu.memref_slice %arg7[%dma_wait3A_134] : memref<1000000xf32, #tpu.memory_space<hbm>> -> memref<1000000xf32, #tpu.memory_space<hbm>>
    tpu.wait_indirect_dma semaphore(%arg16 : memref<!tpu.dma_semaphore, #tpu.memory_space<semaphore_mem>>) src(%dma_wait3A_135 : memref<1000000xf32, #tpu.memory_space<hbm>>) dst(%dma_wait3A_130 : memref<128xf32, #tpu.memory_space<vmem>>)
    %dma_wait3A_136 = arith.constant 3 : i32
    %dma_wait3A_137 = arith.constant 384 : i32
    %dma_wait3A_138 = tpu.memref_slice %arg13[%dma_wait3A_137] : memref<512xf32, #tpu.memory_space<vmem>> -> memref<128xf32, #tpu.memory_space<vmem>>
    %dma_wait3A_139 = arith.constant 0 : i32
    %dma_wait3A_140 = tpu.memref_slice %arg9[%dma_wait3A_136, %dma_wait3A_139] : memref<4x128xi32, #tpu.memory_space<vmem>> -> memref<1x128xi32, #tpu.memory_space<vmem>>
    %dma_wait3A_141 = tpu.memref_squeeze %dma_wait3A_140 : memref<1x128xi32, #tpu.memory_space<vmem>> -> memref<128xi32, #tpu.memory_space<vmem>>
    %dma_wait3A_142 = arith.constant 0 : i32
    %dma_wait3A_143 = tpu.memref_slice %arg6[%dma_wait3A_142] : memref<1000000xf32, #tpu.memory_space<hbm>> -> memref<1000000xf32, #tpu.memory_space<hbm>>
    tpu.wait_indirect_dma semaphore(%arg16 : memref<!tpu.dma_semaphore, #tpu.memory_space<semaphore_mem>>) src(%dma_wait3A_143 : memref<1000000xf32, #tpu.memory_space<hbm>>) dst(%dma_wait3A_138 : memref<128xf32, #tpu.memory_space<vmem>>)
    %dma_wait3A_144 = arith.constant 3 : i32
    %dma_wait3A_145 = arith.constant 384 : i32
    %dma_wait3A_146 = tpu.memref_slice %arg14[%dma_wait3A_145] : memref<512xf32, #tpu.memory_space<vmem>> -> memref<128xf32, #tpu.memory_space<vmem>>
    %dma_wait3A_147 = arith.constant 0 : i32
    %dma_wait3A_148 = tpu.memref_slice %arg10[%dma_wait3A_144, %dma_wait3A_147] : memref<4x128xi32, #tpu.memory_space<vmem>> -> memref<1x128xi32, #tpu.memory_space<vmem>>
    %dma_wait3A_149 = tpu.memref_squeeze %dma_wait3A_148 : memref<1x128xi32, #tpu.memory_space<vmem>> -> memref<128xi32, #tpu.memory_space<vmem>>
    %dma_wait3A_150 = arith.constant 0 : i32
    %dma_wait3A_151 = tpu.memref_slice %arg7[%dma_wait3A_150] : memref<1000000xf32, #tpu.memory_space<hbm>> -> memref<1000000xf32, #tpu.memory_space<hbm>>
    tpu.wait_indirect_dma semaphore(%arg16 : memref<!tpu.dma_semaphore, #tpu.memory_space<semaphore_mem>>) src(%dma_wait3A_151 : memref<1000000xf32, #tpu.memory_space<hbm>>) dst(%dma_wait3A_146 : memref<128xf32, #tpu.memory_space<vmem>>)
    %iota3A = tpu.iota {dimensions = array<i32: 0>} : vector<16xi32>
    %scan3A = arith.constant 0 : i32
    %scan3A_152 = arith.constant 0 : i32
    %scan3A_153 = arith.constant 2 : i32
    %scan3A_154 = arith.addi %scan3A_152, %scan3A_153 : i32
    %scan3A_155 = arith.constant 1 : i32
    scf.for %scan3A_157 = %scan3A_152 to %scan3A_154 step %scan3A_155  : i32 {
      %mul3A_158 = arith.constant 256 : i32
      %mul3A_159 = arith.muli %scan3A_157, %mul3A_158 : i32
      %scan3A_160 = arith.constant 0 : i32
      %scan3A_161 = arith.constant 0 : i32
      %scan3A_162 = arith.constant 16 : i32
      %scan3A_163 = arith.addi %scan3A_161, %scan3A_162 : i32
      %scan3A_164 = arith.constant 1 : i32
      scf.for %scan3A_268 = %scan3A_161 to %scan3A_163 step %scan3A_164  : i32 {
        %jit3A = arith.constant 128 : i32
        %div3A = arith.divsi %mul3A_159, %jit3A : i32
        %sign3A = arith.constant 0 : i32
        %sign3A_269 = arith.cmpi sgt, %mul3A_159, %sign3A : i32
        %sign3A_270 = arith.extui %sign3A_269 : i1 to i32
        %sign3A_271 = arith.constant 0 : i32
        %sign3A_272 = arith.cmpi slt, %mul3A_159, %sign3A_271 : i32
        %sign3A_273 = arith.extui %sign3A_272 : i1 to i32
        %sign3A_274 = arith.subi %sign3A_270, %sign3A_273 : i32
        %sign3A_275 = arith.constant 0 : i32
        %sign3A_276 = arith.cmpi sgt, %jit3A, %sign3A_275 : i32
        %sign3A_277 = arith.extui %sign3A_276 : i1 to i32
        %sign3A_278 = arith.constant 0 : i32
        %sign3A_279 = arith.cmpi slt, %jit3A, %sign3A_278 : i32
        %sign3A_280 = arith.extui %sign3A_279 : i1 to i32
        %sign3A_281 = arith.subi %sign3A_277, %sign3A_280 : i32
        %ne3A = arith.cmpi ne, %sign3A_274, %sign3A_281 : i32
        %rem3A = arith.remsi %mul3A_159, %jit3A : i32
        %ne3A_282 = arith.constant 0 : i32
        %ne3A_283 = arith.cmpi ne, %rem3A, %ne3A_282 : i32
        %and3A = arith.andi %ne3A, %ne3A_283 : i1
        %sub3A = arith.constant 1 : i32
        %sub3A_284 = arith.subi %div3A, %sub3A : i32
        %select_n3A = arith.select %and3A, %sub3A_284, %div3A : i32
        %jit3A_285 = arith.constant 8 : i32
        %div3A_286 = arith.divsi %scan3A_268, %jit3A_285 : i32
        %sign3A_287 = arith.constant 0 : i32
        %sign3A_288 = arith.cmpi sgt, %scan3A_268, %sign3A_287 : i32
        %sign3A_289 = arith.extui %sign3A_288 : i1 to i32
        %sign3A_290 = arith.constant 0 : i32
        %sign3A_291 = arith.cmpi slt, %scan3A_268, %sign3A_290 : i32
        %sign3A_292 = arith.extui %sign3A_291 : i1 to i32
        %sign3A_293 = arith.subi %sign3A_289, %sign3A_292 : i32
        %sign3A_294 = arith.constant 0 : i32
        %sign3A_295 = arith.cmpi sgt, %jit3A_285, %sign3A_294 : i32
        %sign3A_296 = arith.extui %sign3A_295 : i1 to i32
        %sign3A_297 = arith.constant 0 : i32
        %sign3A_298 = arith.cmpi slt, %jit3A_285, %sign3A_297 : i32
        %sign3A_299 = arith.extui %sign3A_298 : i1 to i32
        %sign3A_300 = arith.subi %sign3A_296, %sign3A_299 : i32
        %ne3A_301 = arith.cmpi ne, %sign3A_293, %sign3A_300 : i32
        %rem3A_302 = arith.remsi %scan3A_268, %jit3A_285 : i32
        %ne3A_303 = arith.constant 0 : i32
        %ne3A_304 = arith.cmpi ne, %rem3A_302, %ne3A_303 : i32
        %and3A_305 = arith.andi %ne3A_301, %ne3A_304 : i1
        %sub3A_306 = arith.constant 1 : i32
        %sub3A_307 = arith.subi %div3A_286, %sub3A_306 : i32
        %select_n3A_308 = arith.select %and3A_305, %sub3A_307, %div3A_286 : i32
        %add3A_309 = arith.addi %select_n3A, %select_n3A_308 : i32
        %jit3A_310 = arith.constant 8 : i32
        %eq3A = arith.constant 0 : i32
        %eq3A_311 = arith.cmpi eq, %jit3A_310, %eq3A : i32
        %jit3A_312 = arith.constant 1 : i32
        %select_n3A_313 = arith.select %eq3A_311, %jit3A_312, %jit3A_310 : i32
        %rem3A_314 = arith.remsi %scan3A_268, %select_n3A_313 : i32
        %ne3A_315 = arith.constant 0 : i32
        %ne3A_316 = arith.cmpi ne, %rem3A_314, %ne3A_315 : i32
        %lt3A = arith.constant 0 : i32
        %lt3A_317 = arith.cmpi slt, %rem3A_314, %lt3A : i32
        %lt3A_318 = arith.constant 0 : i32
        %lt3A_319 = arith.cmpi slt, %select_n3A_313, %lt3A_318 : i32
        %ne3A_320 = arith.xori %lt3A_317, %lt3A_319 : i1
        %and3A_321 = arith.andi %ne3A_320, %ne3A_316 : i1
        %add3A_322 = arith.addi %rem3A_314, %select_n3A_313 : i32
        %select_n3A_323 = arith.select %and3A_321, %add3A_322, %rem3A_314 : i32
        %mul3A_324 = arith.constant 16 : i32
        %mul3A_325 = arith.muli %select_n3A_323, %mul3A_324 : i32
        %get3A = arith.index_cast %add3A_309 : i32 to index
        %get3A_326 = arith.index_cast %mul3A_325 : i32 to index
        %get3A_327 = tpu.vector_load %arg9[%get3A, %get3A_326] {strides = array<i32>} : memref<4x128xi32, #tpu.memory_space<vmem>>, vector<16xi32>,
        %get3A_328 = arith.index_cast %add3A_309 : i32 to index
        %get3A_329 = arith.index_cast %mul3A_325 : i32 to index
        %get3A_330 = tpu.vector_load %arg10[%get3A_328, %get3A_329] {strides = array<i32>} : memref<4x128xi32, #tpu.memory_space<vmem>>, vector<16xi32>,
        %mul3A_331 = arith.constant 16 : i32
        %mul3A_332 = arith.muli %scan3A_268, %mul3A_331 : i32
        %slice3A = vector.extract_strided_slice %get3A_327 {offsets = [0], sizes = [1], strides = [1]} : vector<16xi32> to vector<1xi32>
        %squeeze3A = vector.extract %slice3A[0] : i32 from vector<1xi32>
        %add3A_333 = arith.constant 0 : i32
        %add3A_334 = arith.addi %mul3A_332, %add3A_333 : i32
        %dma_start3A_335 = arith.constant 0 : i32
        %dma_start3A_336 = tpu.memref_slice %arg11[%add3A_334, %dma_start3A_335] : memref<256x50xf32, #tpu.memory_space<vmem>> -> memref<1x50xf32, #tpu.memory_space<vmem>>
        %dma_start3A_337 = tpu.memref_squeeze %dma_start3A_336 : memref<1x50xf32, #tpu.memory_space<vmem>> -> memref<50xf32, #tpu.memory_space<vmem>>
        %dma_start3A_338 = arith.constant 0 : i32
        %dma_start3A_339 = tpu.memref_slice %arg4[%squeeze3A, %dma_start3A_338] : memref<1000000x50xf32, #tpu.memory_space<hbm>> -> memref<1x50xf32, #tpu.memory_space<hbm>>
        %dma_start3A_340 = tpu.memref_squeeze %dma_start3A_339 : memref<1x50xf32, #tpu.memory_space<hbm>> -> memref<50xf32, #tpu.memory_space<hbm>>
        %dma_start3A_341 = arith.constant 0 : i32
        %dma_start3A_342 = tpu.memref_slice %arg11[%add3A_334, %dma_start3A_341] : memref<256x50xf32, #tpu.memory_space<vmem>> -> memref<1x50xf32, #tpu.memory_space<vmem>>
        %dma_start3A_343 = tpu.memref_squeeze %dma_start3A_342 : memref<1x50xf32, #tpu.memory_space<vmem>> -> memref<50xf32, #tpu.memory_space<vmem>>
        %dma_start3A_344 = arith.constant 0 : i32
        %dma_start3A_345 = tpu.memref_slice %arg4[%squeeze3A, %dma_start3A_344] : memref<1000000x50xf32, #tpu.memory_space<hbm>> -> memref<1x50xf32, #tpu.memory_space<hbm>>
        %dma_start3A_346 = tpu.memref_squeeze %dma_start3A_345 : memref<1x50xf32, #tpu.memory_space<hbm>> -> memref<50xf32, #tpu.memory_space<hbm>>
        tpu.enqueue_dma source(%dma_start3A_346 : memref<50xf32, #tpu.memory_space<hbm>>) target(%dma_start3A_343 : memref<50xf32, #tpu.memory_space<vmem>>) target_semaphore(%arg17 : memref<!tpu.dma_semaphore, #tpu.memory_space<semaphore_mem>>)
        %slice3A_347 = vector.extract_strided_slice %get3A_330 {offsets = [0], sizes = [1], strides = [1]} : vector<16xi32> to vector<1xi32>
        %squeeze3A_348 = vector.extract %slice3A_347[0] : i32 from vector<1xi32>
        %add3A_349 = arith.constant 0 : i32
        %add3A_350 = arith.addi %mul3A_332, %add3A_349 : i32
        %dma_start3A_351 = arith.constant 0 : i32
        %dma_start3A_352 = tpu.memref_slice %arg12[%add3A_350, %dma_start3A_351] : memref<256x50xf32, #tpu.memory_space<vmem>> -> memref<1x50xf32, #tpu.memory_space<vmem>>
        %dma_start3A_353 = tpu.memref_squeeze %dma_start3A_352 : memref<1x50xf32, #tpu.memory_space<vmem>> -> memref<50xf32, #tpu.memory_space<vmem>>
        %dma_start3A_354 = arith.constant 0 : i32
        %dma_start3A_355 = tpu.memref_slice %arg5[%squeeze3A_348, %dma_start3A_354] : memref<1000000x50xf32, #tpu.memory_space<hbm>> -> memref<1x50xf32, #tpu.memory_space<hbm>>
        %dma_start3A_356 = tpu.memref_squeeze %dma_start3A_355 : memref<1x50xf32, #tpu.memory_space<hbm>> -> memref<50xf32, #tpu.memory_space<hbm>>
        %dma_start3A_357 = arith.constant 0 : i32
        %dma_start3A_358 = tpu.memref_slice %arg12[%add3A_350, %dma_start3A_357] : memref<256x50xf32, #tpu.memory_space<vmem>> -> memref<1x50xf32, #tpu.memory_space<vmem>>
        %dma_start3A_359 = tpu.memref_squeeze %dma_start3A_358 : memref<1x50xf32, #tpu.memory_space<vmem>> -> memref<50xf32, #tpu.memory_space<vmem>>
        %dma_start3A_360 = arith.constant 0 : i32
        %dma_start3A_361 = tpu.memref_slice %arg5[%squeeze3A_348, %dma_start3A_360] : memref<1000000x50xf32, #tpu.memory_space<hbm>> -> memref<1x50xf32, #tpu.memory_space<hbm>>
        %dma_start3A_362 = tpu.memref_squeeze %dma_start3A_361 : memref<1x50xf32, #tpu.memory_space<hbm>> -> memref<50xf32, #tpu.memory_space<hbm>>
        tpu.enqueue_dma source(%dma_start3A_362 : memref<50xf32, #tpu.memory_space<hbm>>) target(%dma_start3A_359 : memref<50xf32, #tpu.memory_space<vmem>>) target_semaphore(%arg17 : memref<!tpu.dma_semaphore, #tpu.memory_space<semaphore_mem>>)
        %slice3A_363 = vector.extract_strided_slice %get3A_327 {offsets = [1], sizes = [1], strides = [1]} : vector<16xi32> to vector<1xi32>
        %squeeze3A_364 = vector.extract %slice3A_363[0] : i32 from vector<1xi32>
        %add3A_365 = arith.constant 1 : i32
        %add3A_366 = arith.addi %mul3A_332, %add3A_365 : i32
        %dma_start3A_367 = arith.constant 0 : i32
        %dma_start3A_368 = tpu.memref_slice %arg11[%add3A_366, %dma_start3A_367] : memref<256x50xf32, #tpu.memory_space<vmem>> -> memref<1x50xf32, #tpu.memory_space<vmem>>
        %dma_start3A_369 = tpu.memref_squeeze %dma_start3A_368 : memref<1x50xf32, #tpu.memory_space<vmem>> -> memref<50xf32, #tpu.memory_space<vmem>>
        %dma_start3A_370 = arith.constant 0 : i32
        %dma_start3A_371 = tpu.memref_slice %arg4[%squeeze3A_364, %dma_start3A_370] : memref<1000000x50xf32, #tpu.memory_space<hbm>> -> memref<1x50xf32, #tpu.memory_space<hbm>>
        %dma_start3A_372 = tpu.memref_squeeze %dma_start3A_371 : memref<1x50xf32, #tpu.memory_space<hbm>> -> memref<50xf32, #tpu.memory_space<hbm>>
        %dma_start3A_373 = arith.constant 0 : i32
        %dma_start3A_374 = tpu.memref_slice %arg11[%add3A_366, %dma_start3A_373] : memref<256x50xf32, #tpu.memory_space<vmem>> -> memref<1x50xf32, #tpu.memory_space<vmem>>
        %dma_start3A_375 = tpu.memref_squeeze %dma_start3A_374 : memref<1x50xf32, #tpu.memory_space<vmem>> -> memref<50xf32, #tpu.memory_space<vmem>>
        %dma_start3A_376 = arith.constant 0 : i32
        %dma_start3A_377 = tpu.memref_slice %arg4[%squeeze3A_364, %dma_start3A_376] : memref<1000000x50xf32, #tpu.memory_space<hbm>> -> memref<1x50xf32, #tpu.memory_space<hbm>>
        %dma_start3A_378 = tpu.memref_squeeze %dma_start3A_377 : memref<1x50xf32, #tpu.memory_space<hbm>> -> memref<50xf32, #tpu.memory_space<hbm>>
        tpu.enqueue_dma source(%dma_start3A_378 : memref<50xf32, #tpu.memory_space<hbm>>) target(%dma_start3A_375 : memref<50xf32, #tpu.memory_space<vmem>>) target_semaphore(%arg18 : memref<!tpu.dma_semaphore, #tpu.memory_space<semaphore_mem>>)
        %slice3A_379 = vector.extract_strided_slice %get3A_330 {offsets = [1], sizes = [1], strides = [1]} : vector<16xi32> to vector<1xi32>
        %squeeze3A_380 = vector.extract %slice3A_379[0] : i32 from vector<1xi32>
        %add3A_381 = arith.constant 1 : i32
        %add3A_382 = arith.addi %mul3A_332, %add3A_381 : i32
        %dma_start3A_383 = arith.constant 0 : i32
        %dma_start3A_384 = tpu.memref_slice %arg12[%add3A_382, %dma_start3A_383] : memref<256x50xf32, #tpu.memory_space<vmem>> -> memref<1x50xf32, #tpu.memory_space<vmem>>
        %dma_start3A_385 = tpu.memref_squeeze %dma_start3A_384 : memref<1x50xf32, #tpu.memory_space<vmem>> -> memref<50xf32, #tpu.memory_space<vmem>>
        %dma_start3A_386 = arith.constant 0 : i32
        %dma_start3A_387 = tpu.memref_slice %arg5[%squeeze3A_380, %dma_start3A_386] : memref<1000000x50xf32, #tpu.memory_space<hbm>> -> memref<1x50xf32, #tpu.memory_space<hbm>>
        %dma_start3A_388 = tpu.memref_squeeze %dma_start3A_387 : memref<1x50xf32, #tpu.memory_space<hbm>> -> memref<50xf32, #tpu.memory_space<hbm>>
        %dma_start3A_389 = arith.constant 0 : i32
        %dma_start3A_390 = tpu.memref_slice %arg12[%add3A_382, %dma_start3A_389] : memref<256x50xf32, #tpu.memory_space<vmem>> -> memref<1x50xf32, #tpu.memory_space<vmem>>
        %dma_start3A_391 = tpu.memref_squeeze %dma_start3A_390 : memref<1x50xf32, #tpu.memory_space<vmem>> -> memref<50xf32, #tpu.memory_space<vmem>>
        %dma_start3A_392 = arith.constant 0 : i32
        %dma_start3A_393 = tpu.memref_slice %arg5[%squeeze3A_380, %dma_start3A_392] : memref<1000000x50xf32, #tpu.memory_space<hbm>> -> memref<1x50xf32, #tpu.memory_space<hbm>>
        %dma_start3A_394 = tpu.memref_squeeze %dma_start3A_393 : memref<1x50xf32, #tpu.memory_space<hbm>> -> memref<50xf32, #tpu.memory_space<hbm>>
        tpu.enqueue_dma source(%dma_start3A_394 : memref<50xf32, #tpu.memory_space<hbm>>) target(%dma_start3A_391 : memref<50xf32, #tpu.memory_space<vmem>>) target_semaphore(%arg18 : memref<!tpu.dma_semaphore, #tpu.memory_space<semaphore_mem>>)
        %slice3A_395 = vector.extract_strided_slice %get3A_327 {offsets = [2], sizes = [1], strides = [1]} : vector<16xi32> to vector<1xi32>
        %squeeze3A_396 = vector.extract %slice3A_395[0] : i32 from vector<1xi32>
        %add3A_397 = arith.constant 2 : i32
        %add3A_398 = arith.addi %mul3A_332, %add3A_397 : i32
        %dma_start3A_399 = arith.constant 0 : i32
        %dma_start3A_400 = tpu.memref_slice %arg11[%add3A_398, %dma_start3A_399] : memref<256x50xf32, #tpu.memory_space<vmem>> -> memref<1x50xf32, #tpu.memory_space<vmem>>
        %dma_start3A_401 = tpu.memref_squeeze %dma_start3A_400 : memref<1x50xf32, #tpu.memory_space<vmem>> -> memref<50xf32, #tpu.memory_space<vmem>>
        %dma_start3A_402 = arith.constant 0 : i32
        %dma_start3A_403 = tpu.memref_slice %arg4[%squeeze3A_396, %dma_start3A_402] : memref<1000000x50xf32, #tpu.memory_space<hbm>> -> memref<1x50xf32, #tpu.memory_space<hbm>>
        %dma_start3A_404 = tpu.memref_squeeze %dma_start3A_403 : memref<1x50xf32, #tpu.memory_space<hbm>> -> memref<50xf32, #tpu.memory_space<hbm>>
        %dma_start3A_405 = arith.constant 0 : i32
        %dma_start3A_406 = tpu.memref_slice %arg11[%add3A_398, %dma_start3A_405] : memref<256x50xf32, #tpu.memory_space<vmem>> -> memref<1x50xf32, #tpu.memory_space<vmem>>
        %dma_start3A_407 = tpu.memref_squeeze %dma_start3A_406 : memref<1x50xf32, #tpu.memory_space<vmem>> -> memref<50xf32, #tpu.memory_space<vmem>>
        %dma_start3A_408 = arith.constant 0 : i32
        %dma_start3A_409 = tpu.memref_slice %arg4[%squeeze3A_396, %dma_start3A_408] : memref<1000000x50xf32, #tpu.memory_space<hbm>> -> memref<1x50xf32, #tpu.memory_space<hbm>>
        %dma_start3A_410 = tpu.memref_squeeze %dma_start3A_409 : memref<1x50xf32, #tpu.memory_space<hbm>> -> memref<50xf32, #tpu.memory_space<hbm>>
        tpu.enqueue_dma source(%dma_start3A_410 : memref<50xf32, #tpu.memory_space<hbm>>) target(%dma_start3A_407 : memref<50xf32, #tpu.memory_space<vmem>>) target_semaphore(%arg19 : memref<!tpu.dma_semaphore, #tpu.memory_space<semaphore_mem>>)
        %slice3A_411 = vector.extract_strided_slice %get3A_330 {offsets = [2], sizes = [1], strides = [1]} : vector<16xi32> to vector<1xi32>
        %squeeze3A_412 = vector.extract %slice3A_411[0] : i32 from vector<1xi32>
        %add3A_413 = arith.constant 2 : i32
        %add3A_414 = arith.addi %mul3A_332, %add3A_413 : i32
        %dma_start3A_415 = arith.constant 0 : i32
        %dma_start3A_416 = tpu.memref_slice %arg12[%add3A_414, %dma_start3A_415] : memref<256x50xf32, #tpu.memory_space<vmem>> -> memref<1x50xf32, #tpu.memory_space<vmem>>
        %dma_start3A_417 = tpu.memref_squeeze %dma_start3A_416 : memref<1x50xf32, #tpu.memory_space<vmem>> -> memref<50xf32, #tpu.memory_space<vmem>>
        %dma_start3A_418 = arith.constant 0 : i32
        %dma_start3A_419 = tpu.memref_slice %arg5[%squeeze3A_412, %dma_start3A_418] : memref<1000000x50xf32, #tpu.memory_space<hbm>> -> memref<1x50xf32, #tpu.memory_space<hbm>>
        %dma_start3A_420 = tpu.memref_squeeze %dma_start3A_419 : memref<1x50xf32, #tpu.memory_space<hbm>> -> memref<50xf32, #tpu.memory_space<hbm>>
        %dma_start3A_421 = arith.constant 0 : i32
        %dma_start3A_422 = tpu.memref_slice %arg12[%add3A_414, %dma_start3A_421] : memref<256x50xf32, #tpu.memory_space<vmem>> -> memref<1x50xf32, #tpu.memory_space<vmem>>
        %dma_start3A_423 = tpu.memref_squeeze %dma_start3A_422 : memref<1x50xf32, #tpu.memory_space<vmem>> -> memref<50xf32, #tpu.memory_space<vmem>>
        %dma_start3A_424 = arith.constant 0 : i32
        %dma_start3A_425 = tpu.memref_slice %arg5[%squeeze3A_412, %dma_start3A_424] : memref<1000000x50xf32, #tpu.memory_space<hbm>> -> memref<1x50xf32, #tpu.memory_space<hbm>>
        %dma_start3A_426 = tpu.memref_squeeze %dma_start3A_425 : memref<1x50xf32, #tpu.memory_space<hbm>> -> memref<50xf32, #tpu.memory_space<hbm>>
        tpu.enqueue_dma source(%dma_start3A_426 : memref<50xf32, #tpu.memory_space<hbm>>) target(%dma_start3A_423 : memref<50xf32, #tpu.memory_space<vmem>>) target_semaphore(%arg19 : memref<!tpu.dma_semaphore, #tpu.memory_space<semaphore_mem>>)
        %slice3A_427 = vector.extract_strided_slice %get3A_327 {offsets = [3], sizes = [1], strides = [1]} : vector<16xi32> to vector<1xi32>
        %squeeze3A_428 = vector.extract %slice3A_427[0] : i32 from vector<1xi32>
        %add3A_429 = arith.constant 3 : i32
        %add3A_430 = arith.addi %mul3A_332, %add3A_429 : i32
        %dma_start3A_431 = arith.constant 0 : i32
        %dma_start3A_432 = tpu.memref_slice %arg11[%add3A_430, %dma_start3A_431] : memref<256x50xf32, #tpu.memory_space<vmem>> -> memref<1x50xf32, #tpu.memory_space<vmem>>
        %dma_start3A_433 = tpu.memref_squeeze %dma_start3A_432 : memref<1x50xf32, #tpu.memory_space<vmem>> -> memref<50xf32, #tpu.memory_space<vmem>>
        %dma_start3A_434 = arith.constant 0 : i32
        %dma_start3A_435 = tpu.memref_slice %arg4[%squeeze3A_428, %dma_start3A_434] : memref<1000000x50xf32, #tpu.memory_space<hbm>> -> memref<1x50xf32, #tpu.memory_space<hbm>>
        %dma_start3A_436 = tpu.memref_squeeze %dma_start3A_435 : memref<1x50xf32, #tpu.memory_space<hbm>> -> memref<50xf32, #tpu.memory_space<hbm>>
        %dma_start3A_437 = arith.constant 0 : i32
        %dma_start3A_438 = tpu.memref_slice %arg11[%add3A_430, %dma_start3A_437] : memref<256x50xf32, #tpu.memory_space<vmem>> -> memref<1x50xf32, #tpu.memory_space<vmem>>
        %dma_start3A_439 = tpu.memref_squeeze %dma_start3A_438 : memref<1x50xf32, #tpu.memory_space<vmem>> -> memref<50xf32, #tpu.memory_space<vmem>>
        %dma_start3A_440 = arith.constant 0 : i32
        %dma_start3A_441 = tpu.memref_slice %arg4[%squeeze3A_428, %dma_start3A_440] : memref<1000000x50xf32, #tpu.memory_space<hbm>> -> memref<1x50xf32, #tpu.memory_space<hbm>>
        %dma_start3A_442 = tpu.memref_squeeze %dma_start3A_441 : memref<1x50xf32, #tpu.memory_space<hbm>> -> memref<50xf32, #tpu.memory_space<hbm>>
        tpu.enqueue_dma source(%dma_start3A_442 : memref<50xf32, #tpu.memory_space<hbm>>) target(%dma_start3A_439 : memref<50xf32, #tpu.memory_space<vmem>>) target_semaphore(%arg20 : memref<!tpu.dma_semaphore, #tpu.memory_space<semaphore_mem>>)
        %slice3A_443 = vector.extract_strided_slice %get3A_330 {offsets = [3], sizes = [1], strides = [1]} : vector<16xi32> to vector<1xi32>
        %squeeze3A_444 = vector.extract %slice3A_443[0] : i32 from vector<1xi32>
        %add3A_445 = arith.constant 3 : i32
        %add3A_446 = arith.addi %mul3A_332, %add3A_445 : i32
        %dma_start3A_447 = arith.constant 0 : i32
        %dma_start3A_448 = tpu.memref_slice %arg12[%add3A_446, %dma_start3A_447] : memref<256x50xf32, #tpu.memory_space<vmem>> -> memref<1x50xf32, #tpu.memory_space<vmem>>
        %dma_start3A_449 = tpu.memref_squeeze %dma_start3A_448 : memref<1x50xf32, #tpu.memory_space<vmem>> -> memref<50xf32, #tpu.memory_space<vmem>>
        %dma_start3A_450 = arith.constant 0 : i32
        %dma_start3A_451 = tpu.memref_slice %arg5[%squeeze3A_444, %dma_start3A_450] : memref<1000000x50xf32, #tpu.memory_space<hbm>> -> memref<1x50xf32, #tpu.memory_space<hbm>>
        %dma_start3A_452 = tpu.memref_squeeze %dma_start3A_451 : memref<1x50xf32, #tpu.memory_space<hbm>> -> memref<50xf32, #tpu.memory_space<hbm>>
        %dma_start3A_453 = arith.constant 0 : i32
        %dma_start3A_454 = tpu.memref_slice %arg12[%add3A_446, %dma_start3A_453] : memref<256x50xf32, #tpu.memory_space<vmem>> -> memref<1x50xf32, #tpu.memory_space<vmem>>
        %dma_start3A_455 = tpu.memref_squeeze %dma_start3A_454 : memref<1x50xf32, #tpu.memory_space<vmem>> -> memref<50xf32, #tpu.memory_space<vmem>>
        %dma_start3A_456 = arith.constant 0 : i32
        %dma_start3A_457 = tpu.memref_slice %arg5[%squeeze3A_444, %dma_start3A_456] : memref<1000000x50xf32, #tpu.memory_space<hbm>> -> memref<1x50xf32, #tpu.memory_space<hbm>>
        %dma_start3A_458 = tpu.memref_squeeze %dma_start3A_457 : memref<1x50xf32, #tpu.memory_space<hbm>> -> memref<50xf32, #tpu.memory_space<hbm>>
        tpu.enqueue_dma source(%dma_start3A_458 : memref<50xf32, #tpu.memory_space<hbm>>) target(%dma_start3A_455 : memref<50xf32, #tpu.memory_space<vmem>>) target_semaphore(%arg20 : memref<!tpu.dma_semaphore, #tpu.memory_space<semaphore_mem>>)
        %slice3A_459 = vector.extract_strided_slice %get3A_327 {offsets = [4], sizes = [1], strides = [1]} : vector<16xi32> to vector<1xi32>
        %squeeze3A_460 = vector.extract %slice3A_459[0] : i32 from vector<1xi32>
        %add3A_461 = arith.constant 4 : i32
        %add3A_462 = arith.addi %mul3A_332, %add3A_461 : i32
        %dma_start3A_463 = arith.constant 0 : i32
        %dma_start3A_464 = tpu.memref_slice %arg11[%add3A_462, %dma_start3A_463] : memref<256x50xf32, #tpu.memory_space<vmem>> -> memref<1x50xf32, #tpu.memory_space<vmem>>
        %dma_start3A_465 = tpu.memref_squeeze %dma_start3A_464 : memref<1x50xf32, #tpu.memory_space<vmem>> -> memref<50xf32, #tpu.memory_space<vmem>>
        %dma_start3A_466 = arith.constant 0 : i32
        %dma_start3A_467 = tpu.memref_slice %arg4[%squeeze3A_460, %dma_start3A_466] : memref<1000000x50xf32, #tpu.memory_space<hbm>> -> memref<1x50xf32, #tpu.memory_space<hbm>>
        %dma_start3A_468 = tpu.memref_squeeze %dma_start3A_467 : memref<1x50xf32, #tpu.memory_space<hbm>> -> memref<50xf32, #tpu.memory_space<hbm>>
        %dma_start3A_469 = arith.constant 0 : i32
        %dma_start3A_470 = tpu.memref_slice %arg11[%add3A_462, %dma_start3A_469] : memref<256x50xf32, #tpu.memory_space<vmem>> -> memref<1x50xf32, #tpu.memory_space<vmem>>
        %dma_start3A_471 = tpu.memref_squeeze %dma_start3A_470 : memref<1x50xf32, #tpu.memory_space<vmem>> -> memref<50xf32, #tpu.memory_space<vmem>>
        %dma_start3A_472 = arith.constant 0 : i32
        %dma_start3A_473 = tpu.memref_slice %arg4[%squeeze3A_460, %dma_start3A_472] : memref<1000000x50xf32, #tpu.memory_space<hbm>> -> memref<1x50xf32, #tpu.memory_space<hbm>>
        %dma_start3A_474 = tpu.memref_squeeze %dma_start3A_473 : memref<1x50xf32, #tpu.memory_space<hbm>> -> memref<50xf32, #tpu.memory_space<hbm>>
        tpu.enqueue_dma source(%dma_start3A_474 : memref<50xf32, #tpu.memory_space<hbm>>) target(%dma_start3A_471 : memref<50xf32, #tpu.memory_space<vmem>>) target_semaphore(%arg21 : memref<!tpu.dma_semaphore, #tpu.memory_space<semaphore_mem>>)
        %slice3A_475 = vector.extract_strided_slice %get3A_330 {offsets = [4], sizes = [1], strides = [1]} : vector<16xi32> to vector<1xi32>
        %squeeze3A_476 = vector.extract %slice3A_475[0] : i32 from vector<1xi32>
        %add3A_477 = arith.constant 4 : i32
        %add3A_478 = arith.addi %mul3A_332, %add3A_477 : i32
        %dma_start3A_479 = arith.constant 0 : i32
        %dma_start3A_480 = tpu.memref_slice %arg12[%add3A_478, %dma_start3A_479] : memref<256x50xf32, #tpu.memory_space<vmem>> -> memref<1x50xf32, #tpu.memory_space<vmem>>
        %dma_start3A_481 = tpu.memref_squeeze %dma_start3A_480 : memref<1x50xf32, #tpu.memory_space<vmem>> -> memref<50xf32, #tpu.memory_space<vmem>>
        %dma_start3A_482 = arith.constant 0 : i32
        %dma_start3A_483 = tpu.memref_slice %arg5[%squeeze3A_476, %dma_start3A_482] : memref<1000000x50xf32, #tpu.memory_space<hbm>> -> memref<1x50xf32, #tpu.memory_space<hbm>>
        %dma_start3A_484 = tpu.memref_squeeze %dma_start3A_483 : memref<1x50xf32, #tpu.memory_space<hbm>> -> memref<50xf32, #tpu.memory_space<hbm>>
        %dma_start3A_485 = arith.constant 0 : i32
        %dma_start3A_486 = tpu.memref_slice %arg12[%add3A_478, %dma_start3A_485] : memref<256x50xf32, #tpu.memory_space<vmem>> -> memref<1x50xf32, #tpu.memory_space<vmem>>
        %dma_start3A_487 = tpu.memref_squeeze %dma_start3A_486 : memref<1x50xf32, #tpu.memory_space<vmem>> -> memref<50xf32, #tpu.memory_space<vmem>>
        %dma_start3A_488 = arith.constant 0 : i32
        %dma_start3A_489 = tpu.memref_slice %arg5[%squeeze3A_476, %dma_start3A_488] : memref<1000000x50xf32, #tpu.memory_space<hbm>> -> memref<1x50xf32, #tpu.memory_space<hbm>>
        %dma_start3A_490 = tpu.memref_squeeze %dma_start3A_489 : memref<1x50xf32, #tpu.memory_space<hbm>> -> memref<50xf32, #tpu.memory_space<hbm>>
        tpu.enqueue_dma source(%dma_start3A_490 : memref<50xf32, #tpu.memory_space<hbm>>) target(%dma_start3A_487 : memref<50xf32, #tpu.memory_space<vmem>>) target_semaphore(%arg21 : memref<!tpu.dma_semaphore, #tpu.memory_space<semaphore_mem>>)
        %slice3A_491 = vector.extract_strided_slice %get3A_327 {offsets = [5], sizes = [1], strides = [1]} : vector<16xi32> to vector<1xi32>
        %squeeze3A_492 = vector.extract %slice3A_491[0] : i32 from vector<1xi32>
        %add3A_493 = arith.constant 5 : i32
        %add3A_494 = arith.addi %mul3A_332, %add3A_493 : i32
        %dma_start3A_495 = arith.constant 0 : i32
        %dma_start3A_496 = tpu.memref_slice %arg11[%add3A_494, %dma_start3A_495] : memref<256x50xf32, #tpu.memory_space<vmem>> -> memref<1x50xf32, #tpu.memory_space<vmem>>
        %dma_start3A_497 = tpu.memref_squeeze %dma_start3A_496 : memref<1x50xf32, #tpu.memory_space<vmem>> -> memref<50xf32, #tpu.memory_space<vmem>>
        %dma_start3A_498 = arith.constant 0 : i32
        %dma_start3A_499 = tpu.memref_slice %arg4[%squeeze3A_492, %dma_start3A_498] : memref<1000000x50xf32, #tpu.memory_space<hbm>> -> memref<1x50xf32, #tpu.memory_space<hbm>>
        %dma_start3A_500 = tpu.memref_squeeze %dma_start3A_499 : memref<1x50xf32, #tpu.memory_space<hbm>> -> memref<50xf32, #tpu.memory_space<hbm>>
        %dma_start3A_501 = arith.constant 0 : i32
        %dma_start3A_502 = tpu.memref_slice %arg11[%add3A_494, %dma_start3A_501] : memref<256x50xf32, #tpu.memory_space<vmem>> -> memref<1x50xf32, #tpu.memory_space<vmem>>
        %dma_start3A_503 = tpu.memref_squeeze %dma_start3A_502 : memref<1x50xf32, #tpu.memory_space<vmem>> -> memref<50xf32, #tpu.memory_space<vmem>>
        %dma_start3A_504 = arith.constant 0 : i32
        %dma_start3A_505 = tpu.memref_slice %arg4[%squeeze3A_492, %dma_start3A_504] : memref<1000000x50xf32, #tpu.memory_space<hbm>> -> memref<1x50xf32, #tpu.memory_space<hbm>>
        %dma_start3A_506 = tpu.memref_squeeze %dma_start3A_505 : memref<1x50xf32, #tpu.memory_space<hbm>> -> memref<50xf32, #tpu.memory_space<hbm>>
        tpu.enqueue_dma source(%dma_start3A_506 : memref<50xf32, #tpu.memory_space<hbm>>) target(%dma_start3A_503 : memref<50xf32, #tpu.memory_space<vmem>>) target_semaphore(%arg22 : memref<!tpu.dma_semaphore, #tpu.memory_space<semaphore_mem>>)
        %slice3A_507 = vector.extract_strided_slice %get3A_330 {offsets = [5], sizes = [1], strides = [1]} : vector<16xi32> to vector<1xi32>
        %squeeze3A_508 = vector.extract %slice3A_507[0] : i32 from vector<1xi32>
        %add3A_509 = arith.constant 5 : i32
        %add3A_510 = arith.addi %mul3A_332, %add3A_509 : i32
        %dma_start3A_511 = arith.constant 0 : i32
        %dma_start3A_512 = tpu.memref_slice %arg12[%add3A_510, %dma_start3A_511] : memref<256x50xf32, #tpu.memory_space<vmem>> -> memref<1x50xf32, #tpu.memory_space<vmem>>
        %dma_start3A_513 = tpu.memref_squeeze %dma_start3A_512 : memref<1x50xf32, #tpu.memory_space<vmem>> -> memref<50xf32, #tpu.memory_space<vmem>>
        %dma_start3A_514 = arith.constant 0 : i32
        %dma_start3A_515 = tpu.memref_slice %arg5[%squeeze3A_508, %dma_start3A_514] : memref<1000000x50xf32, #tpu.memory_space<hbm>> -> memref<1x50xf32, #tpu.memory_space<hbm>>
        %dma_start3A_516 = tpu.memref_squeeze %dma_start3A_515 : memref<1x50xf32, #tpu.memory_space<hbm>> -> memref<50xf32, #tpu.memory_space<hbm>>
        %dma_start3A_517 = arith.constant 0 : i32
        %dma_start3A_518 = tpu.memref_slice %arg12[%add3A_510, %dma_start3A_517] : memref<256x50xf32, #tpu.memory_space<vmem>> -> memref<1x50xf32, #tpu.memory_space<vmem>>
        %dma_start3A_519 = tpu.memref_squeeze %dma_start3A_518 : memref<1x50xf32, #tpu.memory_space<vmem>> -> memref<50xf32, #tpu.memory_space<vmem>>
        %dma_start3A_520 = arith.constant 0 : i32
        %dma_start3A_521 = tpu.memref_slice %arg5[%squeeze3A_508, %dma_start3A_520] : memref<1000000x50xf32, #tpu.memory_space<hbm>> -> memref<1x50xf32, #tpu.memory_space<hbm>>
        %dma_start3A_522 = tpu.memref_squeeze %dma_start3A_521 : memref<1x50xf32, #tpu.memory_space<hbm>> -> memref<50xf32, #tpu.memory_space<hbm>>
        tpu.enqueue_dma source(%dma_start3A_522 : memref<50xf32, #tpu.memory_space<hbm>>) target(%dma_start3A_519 : memref<50xf32, #tpu.memory_space<vmem>>) target_semaphore(%arg22 : memref<!tpu.dma_semaphore, #tpu.memory_space<semaphore_mem>>)
        %slice3A_523 = vector.extract_strided_slice %get3A_327 {offsets = [6], sizes = [1], strides = [1]} : vector<16xi32> to vector<1xi32>
        %squeeze3A_524 = vector.extract %slice3A_523[0] : i32 from vector<1xi32>
        %add3A_525 = arith.constant 6 : i32
        %add3A_526 = arith.addi %mul3A_332, %add3A_525 : i32
        %dma_start3A_527 = arith.constant 0 : i32
        %dma_start3A_528 = tpu.memref_slice %arg11[%add3A_526, %dma_start3A_527] : memref<256x50xf32, #tpu.memory_space<vmem>> -> memref<1x50xf32, #tpu.memory_space<vmem>>
        %dma_start3A_529 = tpu.memref_squeeze %dma_start3A_528 : memref<1x50xf32, #tpu.memory_space<vmem>> -> memref<50xf32, #tpu.memory_space<vmem>>
        %dma_start3A_530 = arith.constant 0 : i32
        %dma_start3A_531 = tpu.memref_slice %arg4[%squeeze3A_524, %dma_start3A_530] : memref<1000000x50xf32, #tpu.memory_space<hbm>> -> memref<1x50xf32, #tpu.memory_space<hbm>>
        %dma_start3A_532 = tpu.memref_squeeze %dma_start3A_531 : memref<1x50xf32, #tpu.memory_space<hbm>> -> memref<50xf32, #tpu.memory_space<hbm>>
        %dma_start3A_533 = arith.constant 0 : i32
        %dma_start3A_534 = tpu.memref_slice %arg11[%add3A_526, %dma_start3A_533] : memref<256x50xf32, #tpu.memory_space<vmem>> -> memref<1x50xf32, #tpu.memory_space<vmem>>
        %dma_start3A_535 = tpu.memref_squeeze %dma_start3A_534 : memref<1x50xf32, #tpu.memory_space<vmem>> -> memref<50xf32, #tpu.memory_space<vmem>>
        %dma_start3A_536 = arith.constant 0 : i32
        %dma_start3A_537 = tpu.memref_slice %arg4[%squeeze3A_524, %dma_start3A_536] : memref<1000000x50xf32, #tpu.memory_space<hbm>> -> memref<1x50xf32, #tpu.memory_space<hbm>>
        %dma_start3A_538 = tpu.memref_squeeze %dma_start3A_537 : memref<1x50xf32, #tpu.memory_space<hbm>> -> memref<50xf32, #tpu.memory_space<hbm>>
        tpu.enqueue_dma source(%dma_start3A_538 : memref<50xf32, #tpu.memory_space<hbm>>) target(%dma_start3A_535 : memref<50xf32, #tpu.memory_space<vmem>>) target_semaphore(%arg23 : memref<!tpu.dma_semaphore, #tpu.memory_space<semaphore_mem>>)
        %slice3A_539 = vector.extract_strided_slice %get3A_330 {offsets = [6], sizes = [1], strides = [1]} : vector<16xi32> to vector<1xi32>
        %squeeze3A_540 = vector.extract %slice3A_539[0] : i32 from vector<1xi32>
        %add3A_541 = arith.constant 6 : i32
        %add3A_542 = arith.addi %mul3A_332, %add3A_541 : i32
        %dma_start3A_543 = arith.constant 0 : i32
        %dma_start3A_544 = tpu.memref_slice %arg12[%add3A_542, %dma_start3A_543] : memref<256x50xf32, #tpu.memory_space<vmem>> -> memref<1x50xf32, #tpu.memory_space<vmem>>
        %dma_start3A_545 = tpu.memref_squeeze %dma_start3A_544 : memref<1x50xf32, #tpu.memory_space<vmem>> -> memref<50xf32, #tpu.memory_space<vmem>>
        %dma_start3A_546 = arith.constant 0 : i32
        %dma_start3A_547 = tpu.memref_slice %arg5[%squeeze3A_540, %dma_start3A_546] : memref<1000000x50xf32, #tpu.memory_space<hbm>> -> memref<1x50xf32, #tpu.memory_space<hbm>>
        %dma_start3A_548 = tpu.memref_squeeze %dma_start3A_547 : memref<1x50xf32, #tpu.memory_space<hbm>> -> memref<50xf32, #tpu.memory_space<hbm>>
        %dma_start3A_549 = arith.constant 0 : i32
        %dma_start3A_550 = tpu.memref_slice %arg12[%add3A_542, %dma_start3A_549] : memref<256x50xf32, #tpu.memory_space<vmem>> -> memref<1x50xf32, #tpu.memory_space<vmem>>
        %dma_start3A_551 = tpu.memref_squeeze %dma_start3A_550 : memref<1x50xf32, #tpu.memory_space<vmem>> -> memref<50xf32, #tpu.memory_space<vmem>>
        %dma_start3A_552 = arith.constant 0 : i32
        %dma_start3A_553 = tpu.memref_slice %arg5[%squeeze3A_540, %dma_start3A_552] : memref<1000000x50xf32, #tpu.memory_space<hbm>> -> memref<1x50xf32, #tpu.memory_space<hbm>>
        %dma_start3A_554 = tpu.memref_squeeze %dma_start3A_553 : memref<1x50xf32, #tpu.memory_space<hbm>> -> memref<50xf32, #tpu.memory_space<hbm>>
        tpu.enqueue_dma source(%dma_start3A_554 : memref<50xf32, #tpu.memory_space<hbm>>) target(%dma_start3A_551 : memref<50xf32, #tpu.memory_space<vmem>>) target_semaphore(%arg23 : memref<!tpu.dma_semaphore, #tpu.memory_space<semaphore_mem>>)
        %slice3A_555 = vector.extract_strided_slice %get3A_327 {offsets = [7], sizes = [1], strides = [1]} : vector<16xi32> to vector<1xi32>
        %squeeze3A_556 = vector.extract %slice3A_555[0] : i32 from vector<1xi32>
        %add3A_557 = arith.constant 7 : i32
        %add3A_558 = arith.addi %mul3A_332, %add3A_557 : i32
        %dma_start3A_559 = arith.constant 0 : i32
        %dma_start3A_560 = tpu.memref_slice %arg11[%add3A_558, %dma_start3A_559] : memref<256x50xf32, #tpu.memory_space<vmem>> -> memref<1x50xf32, #tpu.memory_space<vmem>>
        %dma_start3A_561 = tpu.memref_squeeze %dma_start3A_560 : memref<1x50xf32, #tpu.memory_space<vmem>> -> memref<50xf32, #tpu.memory_space<vmem>>
        %dma_start3A_562 = arith.constant 0 : i32
        %dma_start3A_563 = tpu.memref_slice %arg4[%squeeze3A_556, %dma_start3A_562] : memref<1000000x50xf32, #tpu.memory_space<hbm>> -> memref<1x50xf32, #tpu.memory_space<hbm>>
        %dma_start3A_564 = tpu.memref_squeeze %dma_start3A_563 : memref<1x50xf32, #tpu.memory_space<hbm>> -> memref<50xf32, #tpu.memory_space<hbm>>
        %dma_start3A_565 = arith.constant 0 : i32
        %dma_start3A_566 = tpu.memref_slice %arg11[%add3A_558, %dma_start3A_565] : memref<256x50xf32, #tpu.memory_space<vmem>> -> memref<1x50xf32, #tpu.memory_space<vmem>>
        %dma_start3A_567 = tpu.memref_squeeze %dma_start3A_566 : memref<1x50xf32, #tpu.memory_space<vmem>> -> memref<50xf32, #tpu.memory_space<vmem>>
        %dma_start3A_568 = arith.constant 0 : i32
        %dma_start3A_569 = tpu.memref_slice %arg4[%squeeze3A_556, %dma_start3A_568] : memref<1000000x50xf32, #tpu.memory_space<hbm>> -> memref<1x50xf32, #tpu.memory_space<hbm>>
        %dma_start3A_570 = tpu.memref_squeeze %dma_start3A_569 : memref<1x50xf32, #tpu.memory_space<hbm>> -> memref<50xf32, #tpu.memory_space<hbm>>
        tpu.enqueue_dma source(%dma_start3A_570 : memref<50xf32, #tpu.memory_space<hbm>>) target(%dma_start3A_567 : memref<50xf32, #tpu.memory_space<vmem>>) target_semaphore(%arg24 : memref<!tpu.dma_semaphore, #tpu.memory_space<semaphore_mem>>)
        %slice3A_571 = vector.extract_strided_slice %get3A_330 {offsets = [7], sizes = [1], strides = [1]} : vector<16xi32> to vector<1xi32>
        %squeeze3A_572 = vector.extract %slice3A_571[0] : i32 from vector<1xi32>
        %add3A_573 = arith.constant 7 : i32
        %add3A_574 = arith.addi %mul3A_332, %add3A_573 : i32
        %dma_start3A_575 = arith.constant 0 : i32
        %dma_start3A_576 = tpu.memref_slice %arg12[%add3A_574, %dma_start3A_575] : memref<256x50xf32, #tpu.memory_space<vmem>> -> memref<1x50xf32, #tpu.memory_space<vmem>>
        %dma_start3A_577 = tpu.memref_squeeze %dma_start3A_576 : memref<1x50xf32, #tpu.memory_space<vmem>> -> memref<50xf32, #tpu.memory_space<vmem>>
        %dma_start3A_578 = arith.constant 0 : i32
        %dma_start3A_579 = tpu.memref_slice %arg5[%squeeze3A_572, %dma_start3A_578] : memref<1000000x50xf32, #tpu.memory_space<hbm>> -> memref<1x50xf32, #tpu.memory_space<hbm>>
        %dma_start3A_580 = tpu.memref_squeeze %dma_start3A_579 : memref<1x50xf32, #tpu.memory_space<hbm>> -> memref<50xf32, #tpu.memory_space<hbm>>
        %dma_start3A_581 = arith.constant 0 : i32
        %dma_start3A_582 = tpu.memref_slice %arg12[%add3A_574, %dma_start3A_581] : memref<256x50xf32, #tpu.memory_space<vmem>> -> memref<1x50xf32, #tpu.memory_space<vmem>>
        %dma_start3A_583 = tpu.memref_squeeze %dma_start3A_582 : memref<1x50xf32, #tpu.memory_space<vmem>> -> memref<50xf32, #tpu.memory_space<vmem>>
        %dma_start3A_584 = arith.constant 0 : i32
        %dma_start3A_585 = tpu.memref_slice %arg5[%squeeze3A_572, %dma_start3A_584] : memref<1000000x50xf32, #tpu.memory_space<hbm>> -> memref<1x50xf32, #tpu.memory_space<hbm>>
        %dma_start3A_586 = tpu.memref_squeeze %dma_start3A_585 : memref<1x50xf32, #tpu.memory_space<hbm>> -> memref<50xf32, #tpu.memory_space<hbm>>
        tpu.enqueue_dma source(%dma_start3A_586 : memref<50xf32, #tpu.memory_space<hbm>>) target(%dma_start3A_583 : memref<50xf32, #tpu.memory_space<vmem>>) target_semaphore(%arg24 : memref<!tpu.dma_semaphore, #tpu.memory_space<semaphore_mem>>)
        %slice3A_587 = vector.extract_strided_slice %get3A_327 {offsets = [8], sizes = [1], strides = [1]} : vector<16xi32> to vector<1xi32>
        %squeeze3A_588 = vector.extract %slice3A_587[0] : i32 from vector<1xi32>
        %add3A_589 = arith.constant 8 : i32
        %add3A_590 = arith.addi %mul3A_332, %add3A_589 : i32
        %dma_start3A_591 = arith.constant 0 : i32
        %dma_start3A_592 = tpu.memref_slice %arg11[%add3A_590, %dma_start3A_591] : memref<256x50xf32, #tpu.memory_space<vmem>> -> memref<1x50xf32, #tpu.memory_space<vmem>>
        %dma_start3A_593 = tpu.memref_squeeze %dma_start3A_592 : memref<1x50xf32, #tpu.memory_space<vmem>> -> memref<50xf32, #tpu.memory_space<vmem>>
        %dma_start3A_594 = arith.constant 0 : i32
        %dma_start3A_595 = tpu.memref_slice %arg4[%squeeze3A_588, %dma_start3A_594] : memref<1000000x50xf32, #tpu.memory_space<hbm>> -> memref<1x50xf32, #tpu.memory_space<hbm>>
        %dma_start3A_596 = tpu.memref_squeeze %dma_start3A_595 : memref<1x50xf32, #tpu.memory_space<hbm>> -> memref<50xf32, #tpu.memory_space<hbm>>
        %dma_start3A_597 = arith.constant 0 : i32
        %dma_start3A_598 = tpu.memref_slice %arg11[%add3A_590, %dma_start3A_597] : memref<256x50xf32, #tpu.memory_space<vmem>> -> memref<1x50xf32, #tpu.memory_space<vmem>>
        %dma_start3A_599 = tpu.memref_squeeze %dma_start3A_598 : memref<1x50xf32, #tpu.memory_space<vmem>> -> memref<50xf32, #tpu.memory_space<vmem>>
        %dma_start3A_600 = arith.constant 0 : i32
        %dma_start3A_601 = tpu.memref_slice %arg4[%squeeze3A_588, %dma_start3A_600] : memref<1000000x50xf32, #tpu.memory_space<hbm>> -> memref<1x50xf32, #tpu.memory_space<hbm>>
        %dma_start3A_602 = tpu.memref_squeeze %dma_start3A_601 : memref<1x50xf32, #tpu.memory_space<hbm>> -> memref<50xf32, #tpu.memory_space<hbm>>
        tpu.enqueue_dma source(%dma_start3A_602 : memref<50xf32, #tpu.memory_space<hbm>>) target(%dma_start3A_599 : memref<50xf32, #tpu.memory_space<vmem>>) target_semaphore(%arg17 : memref<!tpu.dma_semaphore, #tpu.memory_space<semaphore_mem>>)
        %slice3A_603 = vector.extract_strided_slice %get3A_330 {offsets = [8], sizes = [1], strides = [1]} : vector<16xi32> to vector<1xi32>
        %squeeze3A_604 = vector.extract %slice3A_603[0] : i32 from vector<1xi32>
        %add3A_605 = arith.constant 8 : i32
        %add3A_606 = arith.addi %mul3A_332, %add3A_605 : i32
        %dma_start3A_607 = arith.constant 0 : i32
        %dma_start3A_608 = tpu.memref_slice %arg12[%add3A_606, %dma_start3A_607] : memref<256x50xf32, #tpu.memory_space<vmem>> -> memref<1x50xf32, #tpu.memory_space<vmem>>
        %dma_start3A_609 = tpu.memref_squeeze %dma_start3A_608 : memref<1x50xf32, #tpu.memory_space<vmem>> -> memref<50xf32, #tpu.memory_space<vmem>>
        %dma_start3A_610 = arith.constant 0 : i32
        %dma_start3A_611 = tpu.memref_slice %arg5[%squeeze3A_604, %dma_start3A_610] : memref<1000000x50xf32, #tpu.memory_space<hbm>> -> memref<1x50xf32, #tpu.memory_space<hbm>>
        %dma_start3A_612 = tpu.memref_squeeze %dma_start3A_611 : memref<1x50xf32, #tpu.memory_space<hbm>> -> memref<50xf32, #tpu.memory_space<hbm>>
        %dma_start3A_613 = arith.constant 0 : i32
        %dma_start3A_614 = tpu.memref_slice %arg12[%add3A_606, %dma_start3A_613] : memref<256x50xf32, #tpu.memory_space<vmem>> -> memref<1x50xf32, #tpu.memory_space<vmem>>
        %dma_start3A_615 = tpu.memref_squeeze %dma_start3A_614 : memref<1x50xf32, #tpu.memory_space<vmem>> -> memref<50xf32, #tpu.memory_space<vmem>>
        %dma_start3A_616 = arith.constant 0 : i32
        %dma_start3A_617 = tpu.memref_slice %arg5[%squeeze3A_604, %dma_start3A_616] : memref<1000000x50xf32, #tpu.memory_space<hbm>> -> memref<1x50xf32, #tpu.memory_space<hbm>>
        %dma_start3A_618 = tpu.memref_squeeze %dma_start3A_617 : memref<1x50xf32, #tpu.memory_space<hbm>> -> memref<50xf32, #tpu.memory_space<hbm>>
        tpu.enqueue_dma source(%dma_start3A_618 : memref<50xf32, #tpu.memory_space<hbm>>) target(%dma_start3A_615 : memref<50xf32, #tpu.memory_space<vmem>>) target_semaphore(%arg17 : memref<!tpu.dma_semaphore, #tpu.memory_space<semaphore_mem>>)
        %slice3A_619 = vector.extract_strided_slice %get3A_327 {offsets = [9], sizes = [1], strides = [1]} : vector<16xi32> to vector<1xi32>
        %squeeze3A_620 = vector.extract %slice3A_619[0] : i32 from vector<1xi32>
        %add3A_621 = arith.constant 9 : i32
        %add3A_622 = arith.addi %mul3A_332, %add3A_621 : i32
        %dma_start3A_623 = arith.constant 0 : i32
        %dma_start3A_624 = tpu.memref_slice %arg11[%add3A_622, %dma_start3A_623] : memref<256x50xf32, #tpu.memory_space<vmem>> -> memref<1x50xf32, #tpu.memory_space<vmem>>
        %dma_start3A_625 = tpu.memref_squeeze %dma_start3A_624 : memref<1x50xf32, #tpu.memory_space<vmem>> -> memref<50xf32, #tpu.memory_space<vmem>>
        %dma_start3A_626 = arith.constant 0 : i32
        %dma_start3A_627 = tpu.memref_slice %arg4[%squeeze3A_620, %dma_start3A_626] : memref<1000000x50xf32, #tpu.memory_space<hbm>> -> memref<1x50xf32, #tpu.memory_space<hbm>>
        %dma_start3A_628 = tpu.memref_squeeze %dma_start3A_627 : memref<1x50xf32, #tpu.memory_space<hbm>> -> memref<50xf32, #tpu.memory_space<hbm>>
        %dma_start3A_629 = arith.constant 0 : i32
        %dma_start3A_630 = tpu.memref_slice %arg11[%add3A_622, %dma_start3A_629] : memref<256x50xf32, #tpu.memory_space<vmem>> -> memref<1x50xf32, #tpu.memory_space<vmem>>
        %dma_start3A_631 = tpu.memref_squeeze %dma_start3A_630 : memref<1x50xf32, #tpu.memory_space<vmem>> -> memref<50xf32, #tpu.memory_space<vmem>>
        %dma_start3A_632 = arith.constant 0 : i32
        %dma_start3A_633 = tpu.memref_slice %arg4[%squeeze3A_620, %dma_start3A_632] : memref<1000000x50xf32, #tpu.memory_space<hbm>> -> memref<1x50xf32, #tpu.memory_space<hbm>>
        %dma_start3A_634 = tpu.memref_squeeze %dma_start3A_633 : memref<1x50xf32, #tpu.memory_space<hbm>> -> memref<50xf32, #tpu.memory_space<hbm>>
        tpu.enqueue_dma source(%dma_start3A_634 : memref<50xf32, #tpu.memory_space<hbm>>) target(%dma_start3A_631 : memref<50xf32, #tpu.memory_space<vmem>>) target_semaphore(%arg18 : memref<!tpu.dma_semaphore, #tpu.memory_space<semaphore_mem>>)
        %slice3A_635 = vector.extract_strided_slice %get3A_330 {offsets = [9], sizes = [1], strides = [1]} : vector<16xi32> to vector<1xi32>
        %squeeze3A_636 = vector.extract %slice3A_635[0] : i32 from vector<1xi32>
        %add3A_637 = arith.constant 9 : i32
        %add3A_638 = arith.addi %mul3A_332, %add3A_637 : i32
        %dma_start3A_639 = arith.constant 0 : i32
        %dma_start3A_640 = tpu.memref_slice %arg12[%add3A_638, %dma_start3A_639] : memref<256x50xf32, #tpu.memory_space<vmem>> -> memref<1x50xf32, #tpu.memory_space<vmem>>
        %dma_start3A_641 = tpu.memref_squeeze %dma_start3A_640 : memref<1x50xf32, #tpu.memory_space<vmem>> -> memref<50xf32, #tpu.memory_space<vmem>>
        %dma_start3A_642 = arith.constant 0 : i32
        %dma_start3A_643 = tpu.memref_slice %arg5[%squeeze3A_636, %dma_start3A_642] : memref<1000000x50xf32, #tpu.memory_space<hbm>> -> memref<1x50xf32, #tpu.memory_space<hbm>>
        %dma_start3A_644 = tpu.memref_squeeze %dma_start3A_643 : memref<1x50xf32, #tpu.memory_space<hbm>> -> memref<50xf32, #tpu.memory_space<hbm>>
        %dma_start3A_645 = arith.constant 0 : i32
        %dma_start3A_646 = tpu.memref_slice %arg12[%add3A_638, %dma_start3A_645] : memref<256x50xf32, #tpu.memory_space<vmem>> -> memref<1x50xf32, #tpu.memory_space<vmem>>
        %dma_start3A_647 = tpu.memref_squeeze %dma_start3A_646 : memref<1x50xf32, #tpu.memory_space<vmem>> -> memref<50xf32, #tpu.memory_space<vmem>>
        %dma_start3A_648 = arith.constant 0 : i32
        %dma_start3A_649 = tpu.memref_slice %arg5[%squeeze3A_636, %dma_start3A_648] : memref<1000000x50xf32, #tpu.memory_space<hbm>> -> memref<1x50xf32, #tpu.memory_space<hbm>>
        %dma_start3A_650 = tpu.memref_squeeze %dma_start3A_649 : memref<1x50xf32, #tpu.memory_space<hbm>> -> memref<50xf32, #tpu.memory_space<hbm>>
        tpu.enqueue_dma source(%dma_start3A_650 : memref<50xf32, #tpu.memory_space<hbm>>) target(%dma_start3A_647 : memref<50xf32, #tpu.memory_space<vmem>>) target_semaphore(%arg18 : memref<!tpu.dma_semaphore, #tpu.memory_space<semaphore_mem>>)
        %slice3A_651 = vector.extract_strided_slice %get3A_327 {offsets = [10], sizes = [1], strides = [1]} : vector<16xi32> to vector<1xi32>
        %squeeze3A_652 = vector.extract %slice3A_651[0] : i32 from vector<1xi32>
        %add3A_653 = arith.constant 10 : i32
        %add3A_654 = arith.addi %mul3A_332, %add3A_653 : i32
        %dma_start3A_655 = arith.constant 0 : i32
        %dma_start3A_656 = tpu.memref_slice %arg11[%add3A_654, %dma_start3A_655] : memref<256x50xf32, #tpu.memory_space<vmem>> -> memref<1x50xf32, #tpu.memory_space<vmem>>
        %dma_start3A_657 = tpu.memref_squeeze %dma_start3A_656 : memref<1x50xf32, #tpu.memory_space<vmem>> -> memref<50xf32, #tpu.memory_space<vmem>>
        %dma_start3A_658 = arith.constant 0 : i32
        %dma_start3A_659 = tpu.memref_slice %arg4[%squeeze3A_652, %dma_start3A_658] : memref<1000000x50xf32, #tpu.memory_space<hbm>> -> memref<1x50xf32, #tpu.memory_space<hbm>>
        %dma_start3A_660 = tpu.memref_squeeze %dma_start3A_659 : memref<1x50xf32, #tpu.memory_space<hbm>> -> memref<50xf32, #tpu.memory_space<hbm>>
        %dma_start3A_661 = arith.constant 0 : i32
        %dma_start3A_662 = tpu.memref_slice %arg11[%add3A_654, %dma_start3A_661] : memref<256x50xf32, #tpu.memory_space<vmem>> -> memref<1x50xf32, #tpu.memory_space<vmem>>
        %dma_start3A_663 = tpu.memref_squeeze %dma_start3A_662 : memref<1x50xf32, #tpu.memory_space<vmem>> -> memref<50xf32, #tpu.memory_space<vmem>>
        %dma_start3A_664 = arith.constant 0 : i32
        %dma_start3A_665 = tpu.memref_slice %arg4[%squeeze3A_652, %dma_start3A_664] : memref<1000000x50xf32, #tpu.memory_space<hbm>> -> memref<1x50xf32, #tpu.memory_space<hbm>>
        %dma_start3A_666 = tpu.memref_squeeze %dma_start3A_665 : memref<1x50xf32, #tpu.memory_space<hbm>> -> memref<50xf32, #tpu.memory_space<hbm>>
        tpu.enqueue_dma source(%dma_start3A_666 : memref<50xf32, #tpu.memory_space<hbm>>) target(%dma_start3A_663 : memref<50xf32, #tpu.memory_space<vmem>>) target_semaphore(%arg19 : memref<!tpu.dma_semaphore, #tpu.memory_space<semaphore_mem>>)
        %slice3A_667 = vector.extract_strided_slice %get3A_330 {offsets = [10], sizes = [1], strides = [1]} : vector<16xi32> to vector<1xi32>
        %squeeze3A_668 = vector.extract %slice3A_667[0] : i32 from vector<1xi32>
        %add3A_669 = arith.constant 10 : i32
        %add3A_670 = arith.addi %mul3A_332, %add3A_669 : i32
        %dma_start3A_671 = arith.constant 0 : i32
        %dma_start3A_672 = tpu.memref_slice %arg12[%add3A_670, %dma_start3A_671] : memref<256x50xf32, #tpu.memory_space<vmem>> -> memref<1x50xf32, #tpu.memory_space<vmem>>
        %dma_start3A_673 = tpu.memref_squeeze %dma_start3A_672 : memref<1x50xf32, #tpu.memory_space<vmem>> -> memref<50xf32, #tpu.memory_space<vmem>>
        %dma_start3A_674 = arith.constant 0 : i32
        %dma_start3A_675 = tpu.memref_slice %arg5[%squeeze3A_668, %dma_start3A_674] : memref<1000000x50xf32, #tpu.memory_space<hbm>> -> memref<1x50xf32, #tpu.memory_space<hbm>>
        %dma_start3A_676 = tpu.memref_squeeze %dma_start3A_675 : memref<1x50xf32, #tpu.memory_space<hbm>> -> memref<50xf32, #tpu.memory_space<hbm>>
        %dma_start3A_677 = arith.constant 0 : i32
        %dma_start3A_678 = tpu.memref_slice %arg12[%add3A_670, %dma_start3A_677] : memref<256x50xf32, #tpu.memory_space<vmem>> -> memref<1x50xf32, #tpu.memory_space<vmem>>
        %dma_start3A_679 = tpu.memref_squeeze %dma_start3A_678 : memref<1x50xf32, #tpu.memory_space<vmem>> -> memref<50xf32, #tpu.memory_space<vmem>>
        %dma_start3A_680 = arith.constant 0 : i32
        %dma_start3A_681 = tpu.memref_slice %arg5[%squeeze3A_668, %dma_start3A_680] : memref<1000000x50xf32, #tpu.memory_space<hbm>> -> memref<1x50xf32, #tpu.memory_space<hbm>>
        %dma_start3A_682 = tpu.memref_squeeze %dma_start3A_681 : memref<1x50xf32, #tpu.memory_space<hbm>> -> memref<50xf32, #tpu.memory_space<hbm>>
        tpu.enqueue_dma source(%dma_start3A_682 : memref<50xf32, #tpu.memory_space<hbm>>) target(%dma_start3A_679 : memref<50xf32, #tpu.memory_space<vmem>>) target_semaphore(%arg19 : memref<!tpu.dma_semaphore, #tpu.memory_space<semaphore_mem>>)
        %slice3A_683 = vector.extract_strided_slice %get3A_327 {offsets = [11], sizes = [1], strides = [1]} : vector<16xi32> to vector<1xi32>
        %squeeze3A_684 = vector.extract %slice3A_683[0] : i32 from vector<1xi32>
        %add3A_685 = arith.constant 11 : i32
        %add3A_686 = arith.addi %mul3A_332, %add3A_685 : i32
        %dma_start3A_687 = arith.constant 0 : i32
        %dma_start3A_688 = tpu.memref_slice %arg11[%add3A_686, %dma_start3A_687] : memref<256x50xf32, #tpu.memory_space<vmem>> -> memref<1x50xf32, #tpu.memory_space<vmem>>
        %dma_start3A_689 = tpu.memref_squeeze %dma_start3A_688 : memref<1x50xf32, #tpu.memory_space<vmem>> -> memref<50xf32, #tpu.memory_space<vmem>>
        %dma_start3A_690 = arith.constant 0 : i32
        %dma_start3A_691 = tpu.memref_slice %arg4[%squeeze3A_684, %dma_start3A_690] : memref<1000000x50xf32, #tpu.memory_space<hbm>> -> memref<1x50xf32, #tpu.memory_space<hbm>>
        %dma_start3A_692 = tpu.memref_squeeze %dma_start3A_691 : memref<1x50xf32, #tpu.memory_space<hbm>> -> memref<50xf32, #tpu.memory_space<hbm>>
        %dma_start3A_693 = arith.constant 0 : i32
        %dma_start3A_694 = tpu.memref_slice %arg11[%add3A_686, %dma_start3A_693] : memref<256x50xf32, #tpu.memory_space<vmem>> -> memref<1x50xf32, #tpu.memory_space<vmem>>
        %dma_start3A_695 = tpu.memref_squeeze %dma_start3A_694 : memref<1x50xf32, #tpu.memory_space<vmem>> -> memref<50xf32, #tpu.memory_space<vmem>>
        %dma_start3A_696 = arith.constant 0 : i32
        %dma_start3A_697 = tpu.memref_slice %arg4[%squeeze3A_684, %dma_start3A_696] : memref<1000000x50xf32, #tpu.memory_space<hbm>> -> memref<1x50xf32, #tpu.memory_space<hbm>>
        %dma_start3A_698 = tpu.memref_squeeze %dma_start3A_697 : memref<1x50xf32, #tpu.memory_space<hbm>> -> memref<50xf32, #tpu.memory_space<hbm>>
        tpu.enqueue_dma source(%dma_start3A_698 : memref<50xf32, #tpu.memory_space<hbm>>) target(%dma_start3A_695 : memref<50xf32, #tpu.memory_space<vmem>>) target_semaphore(%arg20 : memref<!tpu.dma_semaphore, #tpu.memory_space<semaphore_mem>>)
        %slice3A_699 = vector.extract_strided_slice %get3A_330 {offsets = [11], sizes = [1], strides = [1]} : vector<16xi32> to vector<1xi32>
        %squeeze3A_700 = vector.extract %slice3A_699[0] : i32 from vector<1xi32>
        %add3A_701 = arith.constant 11 : i32
        %add3A_702 = arith.addi %mul3A_332, %add3A_701 : i32
        %dma_start3A_703 = arith.constant 0 : i32
        %dma_start3A_704 = tpu.memref_slice %arg12[%add3A_702, %dma_start3A_703] : memref<256x50xf32, #tpu.memory_space<vmem>> -> memref<1x50xf32, #tpu.memory_space<vmem>>
        %dma_start3A_705 = tpu.memref_squeeze %dma_start3A_704 : memref<1x50xf32, #tpu.memory_space<vmem>> -> memref<50xf32, #tpu.memory_space<vmem>>
        %dma_start3A_706 = arith.constant 0 : i32
        %dma_start3A_707 = tpu.memref_slice %arg5[%squeeze3A_700, %dma_start3A_706] : memref<1000000x50xf32, #tpu.memory_space<hbm>> -> memref<1x50xf32, #tpu.memory_space<hbm>>
        %dma_start3A_708 = tpu.memref_squeeze %dma_start3A_707 : memref<1x50xf32, #tpu.memory_space<hbm>> -> memref<50xf32, #tpu.memory_space<hbm>>
        %dma_start3A_709 = arith.constant 0 : i32
        %dma_start3A_710 = tpu.memref_slice %arg12[%add3A_702, %dma_start3A_709] : memref<256x50xf32, #tpu.memory_space<vmem>> -> memref<1x50xf32, #tpu.memory_space<vmem>>
        %dma_start3A_711 = tpu.memref_squeeze %dma_start3A_710 : memref<1x50xf32, #tpu.memory_space<vmem>> -> memref<50xf32, #tpu.memory_space<vmem>>
        %dma_start3A_712 = arith.constant 0 : i32
        %dma_start3A_713 = tpu.memref_slice %arg5[%squeeze3A_700, %dma_start3A_712] : memref<1000000x50xf32, #tpu.memory_space<hbm>> -> memref<1x50xf32, #tpu.memory_space<hbm>>
        %dma_start3A_714 = tpu.memref_squeeze %dma_start3A_713 : memref<1x50xf32, #tpu.memory_space<hbm>> -> memref<50xf32, #tpu.memory_space<hbm>>
        tpu.enqueue_dma source(%dma_start3A_714 : memref<50xf32, #tpu.memory_space<hbm>>) target(%dma_start3A_711 : memref<50xf32, #tpu.memory_space<vmem>>) target_semaphore(%arg20 : memref<!tpu.dma_semaphore, #tpu.memory_space<semaphore_mem>>)
        %slice3A_715 = vector.extract_strided_slice %get3A_327 {offsets = [12], sizes = [1], strides = [1]} : vector<16xi32> to vector<1xi32>
        %squeeze3A_716 = vector.extract %slice3A_715[0] : i32 from vector<1xi32>
        %add3A_717 = arith.constant 12 : i32
        %add3A_718 = arith.addi %mul3A_332, %add3A_717 : i32
        %dma_start3A_719 = arith.constant 0 : i32
        %dma_start3A_720 = tpu.memref_slice %arg11[%add3A_718, %dma_start3A_719] : memref<256x50xf32, #tpu.memory_space<vmem>> -> memref<1x50xf32, #tpu.memory_space<vmem>>
        %dma_start3A_721 = tpu.memref_squeeze %dma_start3A_720 : memref<1x50xf32, #tpu.memory_space<vmem>> -> memref<50xf32, #tpu.memory_space<vmem>>
        %dma_start3A_722 = arith.constant 0 : i32
        %dma_start3A_723 = tpu.memref_slice %arg4[%squeeze3A_716, %dma_start3A_722] : memref<1000000x50xf32, #tpu.memory_space<hbm>> -> memref<1x50xf32, #tpu.memory_space<hbm>>
        %dma_start3A_724 = tpu.memref_squeeze %dma_start3A_723 : memref<1x50xf32, #tpu.memory_space<hbm>> -> memref<50xf32, #tpu.memory_space<hbm>>
        %dma_start3A_725 = arith.constant 0 : i32
        %dma_start3A_726 = tpu.memref_slice %arg11[%add3A_718, %dma_start3A_725] : memref<256x50xf32, #tpu.memory_space<vmem>> -> memref<1x50xf32, #tpu.memory_space<vmem>>
        %dma_start3A_727 = tpu.memref_squeeze %dma_start3A_726 : memref<1x50xf32, #tpu.memory_space<vmem>> -> memref<50xf32, #tpu.memory_space<vmem>>
        %dma_start3A_728 = arith.constant 0 : i32
        %dma_start3A_729 = tpu.memref_slice %arg4[%squeeze3A_716, %dma_start3A_728] : memref<1000000x50xf32, #tpu.memory_space<hbm>> -> memref<1x50xf32, #tpu.memory_space<hbm>>
        %dma_start3A_730 = tpu.memref_squeeze %dma_start3A_729 : memref<1x50xf32, #tpu.memory_space<hbm>> -> memref<50xf32, #tpu.memory_space<hbm>>
        tpu.enqueue_dma source(%dma_start3A_730 : memref<50xf32, #tpu.memory_space<hbm>>) target(%dma_start3A_727 : memref<50xf32, #tpu.memory_space<vmem>>) target_semaphore(%arg21 : memref<!tpu.dma_semaphore, #tpu.memory_space<semaphore_mem>>)
        %slice3A_731 = vector.extract_strided_slice %get3A_330 {offsets = [12], sizes = [1], strides = [1]} : vector<16xi32> to vector<1xi32>
        %squeeze3A_732 = vector.extract %slice3A_731[0] : i32 from vector<1xi32>
        %add3A_733 = arith.constant 12 : i32
        %add3A_734 = arith.addi %mul3A_332, %add3A_733 : i32
        %dma_start3A_735 = arith.constant 0 : i32
        %dma_start3A_736 = tpu.memref_slice %arg12[%add3A_734, %dma_start3A_735] : memref<256x50xf32, #tpu.memory_space<vmem>> -> memref<1x50xf32, #tpu.memory_space<vmem>>
        %dma_start3A_737 = tpu.memref_squeeze %dma_start3A_736 : memref<1x50xf32, #tpu.memory_space<vmem>> -> memref<50xf32, #tpu.memory_space<vmem>>
        %dma_start3A_738 = arith.constant 0 : i32
        %dma_start3A_739 = tpu.memref_slice %arg5[%squeeze3A_732, %dma_start3A_738] : memref<1000000x50xf32, #tpu.memory_space<hbm>> -> memref<1x50xf32, #tpu.memory_space<hbm>>
        %dma_start3A_740 = tpu.memref_squeeze %dma_start3A_739 : memref<1x50xf32, #tpu.memory_space<hbm>> -> memref<50xf32, #tpu.memory_space<hbm>>
        %dma_start3A_741 = arith.constant 0 : i32
        %dma_start3A_742 = tpu.memref_slice %arg12[%add3A_734, %dma_start3A_741] : memref<256x50xf32, #tpu.memory_space<vmem>> -> memref<1x50xf32, #tpu.memory_space<vmem>>
        %dma_start3A_743 = tpu.memref_squeeze %dma_start3A_742 : memref<1x50xf32, #tpu.memory_space<vmem>> -> memref<50xf32, #tpu.memory_space<vmem>>
        %dma_start3A_744 = arith.constant 0 : i32
        %dma_start3A_745 = tpu.memref_slice %arg5[%squeeze3A_732, %dma_start3A_744] : memref<1000000x50xf32, #tpu.memory_space<hbm>> -> memref<1x50xf32, #tpu.memory_space<hbm>>
        %dma_start3A_746 = tpu.memref_squeeze %dma_start3A_745 : memref<1x50xf32, #tpu.memory_space<hbm>> -> memref<50xf32, #tpu.memory_space<hbm>>
        tpu.enqueue_dma source(%dma_start3A_746 : memref<50xf32, #tpu.memory_space<hbm>>) target(%dma_start3A_743 : memref<50xf32, #tpu.memory_space<vmem>>) target_semaphore(%arg21 : memref<!tpu.dma_semaphore, #tpu.memory_space<semaphore_mem>>)
        %slice3A_747 = vector.extract_strided_slice %get3A_327 {offsets = [13], sizes = [1], strides = [1]} : vector<16xi32> to vector<1xi32>
        %squeeze3A_748 = vector.extract %slice3A_747[0] : i32 from vector<1xi32>
        %add3A_749 = arith.constant 13 : i32
        %add3A_750 = arith.addi %mul3A_332, %add3A_749 : i32
        %dma_start3A_751 = arith.constant 0 : i32
        %dma_start3A_752 = tpu.memref_slice %arg11[%add3A_750, %dma_start3A_751] : memref<256x50xf32, #tpu.memory_space<vmem>> -> memref<1x50xf32, #tpu.memory_space<vmem>>
        %dma_start3A_753 = tpu.memref_squeeze %dma_start3A_752 : memref<1x50xf32, #tpu.memory_space<vmem>> -> memref<50xf32, #tpu.memory_space<vmem>>
        %dma_start3A_754 = arith.constant 0 : i32
        %dma_start3A_755 = tpu.memref_slice %arg4[%squeeze3A_748, %dma_start3A_754] : memref<1000000x50xf32, #tpu.memory_space<hbm>> -> memref<1x50xf32, #tpu.memory_space<hbm>>
        %dma_start3A_756 = tpu.memref_squeeze %dma_start3A_755 : memref<1x50xf32, #tpu.memory_space<hbm>> -> memref<50xf32, #tpu.memory_space<hbm>>
        %dma_start3A_757 = arith.constant 0 : i32
        %dma_start3A_758 = tpu.memref_slice %arg11[%add3A_750, %dma_start3A_757] : memref<256x50xf32, #tpu.memory_space<vmem>> -> memref<1x50xf32, #tpu.memory_space<vmem>>
        %dma_start3A_759 = tpu.memref_squeeze %dma_start3A_758 : memref<1x50xf32, #tpu.memory_space<vmem>> -> memref<50xf32, #tpu.memory_space<vmem>>
        %dma_start3A_760 = arith.constant 0 : i32
        %dma_start3A_761 = tpu.memref_slice %arg4[%squeeze3A_748, %dma_start3A_760] : memref<1000000x50xf32, #tpu.memory_space<hbm>> -> memref<1x50xf32, #tpu.memory_space<hbm>>
        %dma_start3A_762 = tpu.memref_squeeze %dma_start3A_761 : memref<1x50xf32, #tpu.memory_space<hbm>> -> memref<50xf32, #tpu.memory_space<hbm>>
        tpu.enqueue_dma source(%dma_start3A_762 : memref<50xf32, #tpu.memory_space<hbm>>) target(%dma_start3A_759 : memref<50xf32, #tpu.memory_space<vmem>>) target_semaphore(%arg22 : memref<!tpu.dma_semaphore, #tpu.memory_space<semaphore_mem>>)
        %slice3A_763 = vector.extract_strided_slice %get3A_330 {offsets = [13], sizes = [1], strides = [1]} : vector<16xi32> to vector<1xi32>
        %squeeze3A_764 = vector.extract %slice3A_763[0] : i32 from vector<1xi32>
        %add3A_765 = arith.constant 13 : i32
        %add3A_766 = arith.addi %mul3A_332, %add3A_765 : i32
        %dma_start3A_767 = arith.constant 0 : i32
        %dma_start3A_768 = tpu.memref_slice %arg12[%add3A_766, %dma_start3A_767] : memref<256x50xf32, #tpu.memory_space<vmem>> -> memref<1x50xf32, #tpu.memory_space<vmem>>
        %dma_start3A_769 = tpu.memref_squeeze %dma_start3A_768 : memref<1x50xf32, #tpu.memory_space<vmem>> -> memref<50xf32, #tpu.memory_space<vmem>>
        %dma_start3A_770 = arith.constant 0 : i32
        %dma_start3A_771 = tpu.memref_slice %arg5[%squeeze3A_764, %dma_start3A_770] : memref<1000000x50xf32, #tpu.memory_space<hbm>> -> memref<1x50xf32, #tpu.memory_space<hbm>>
        %dma_start3A_772 = tpu.memref_squeeze %dma_start3A_771 : memref<1x50xf32, #tpu.memory_space<hbm>> -> memref<50xf32, #tpu.memory_space<hbm>>
        %dma_start3A_773 = arith.constant 0 : i32
        %dma_start3A_774 = tpu.memref_slice %arg12[%add3A_766, %dma_start3A_773] : memref<256x50xf32, #tpu.memory_space<vmem>> -> memref<1x50xf32, #tpu.memory_space<vmem>>
        %dma_start3A_775 = tpu.memref_squeeze %dma_start3A_774 : memref<1x50xf32, #tpu.memory_space<vmem>> -> memref<50xf32, #tpu.memory_space<vmem>>
        %dma_start3A_776 = arith.constant 0 : i32
        %dma_start3A_777 = tpu.memref_slice %arg5[%squeeze3A_764, %dma_start3A_776] : memref<1000000x50xf32, #tpu.memory_space<hbm>> -> memref<1x50xf32, #tpu.memory_space<hbm>>
        %dma_start3A_778 = tpu.memref_squeeze %dma_start3A_777 : memref<1x50xf32, #tpu.memory_space<hbm>> -> memref<50xf32, #tpu.memory_space<hbm>>
        tpu.enqueue_dma source(%dma_start3A_778 : memref<50xf32, #tpu.memory_space<hbm>>) target(%dma_start3A_775 : memref<50xf32, #tpu.memory_space<vmem>>) target_semaphore(%arg22 : memref<!tpu.dma_semaphore, #tpu.memory_space<semaphore_mem>>)
        %slice3A_779 = vector.extract_strided_slice %get3A_327 {offsets = [14], sizes = [1], strides = [1]} : vector<16xi32> to vector<1xi32>
        %squeeze3A_780 = vector.extract %slice3A_779[0] : i32 from vector<1xi32>
        %add3A_781 = arith.constant 14 : i32
        %add3A_782 = arith.addi %mul3A_332, %add3A_781 : i32
        %dma_start3A_783 = arith.constant 0 : i32
        %dma_start3A_784 = tpu.memref_slice %arg11[%add3A_782, %dma_start3A_783] : memref<256x50xf32, #tpu.memory_space<vmem>> -> memref<1x50xf32, #tpu.memory_space<vmem>>
        %dma_start3A_785 = tpu.memref_squeeze %dma_start3A_784 : memref<1x50xf32, #tpu.memory_space<vmem>> -> memref<50xf32, #tpu.memory_space<vmem>>
        %dma_start3A_786 = arith.constant 0 : i32
        %dma_start3A_787 = tpu.memref_slice %arg4[%squeeze3A_780, %dma_start3A_786] : memref<1000000x50xf32, #tpu.memory_space<hbm>> -> memref<1x50xf32, #tpu.memory_space<hbm>>
        %dma_start3A_788 = tpu.memref_squeeze %dma_start3A_787 : memref<1x50xf32, #tpu.memory_space<hbm>> -> memref<50xf32, #tpu.memory_space<hbm>>
        %dma_start3A_789 = arith.constant 0 : i32
        %dma_start3A_790 = tpu.memref_slice %arg11[%add3A_782, %dma_start3A_789] : memref<256x50xf32, #tpu.memory_space<vmem>> -> memref<1x50xf32, #tpu.memory_space<vmem>>
        %dma_start3A_791 = tpu.memref_squeeze %dma_start3A_790 : memref<1x50xf32, #tpu.memory_space<vmem>> -> memref<50xf32, #tpu.memory_space<vmem>>
        %dma_start3A_792 = arith.constant 0 : i32
        %dma_start3A_793 = tpu.memref_slice %arg4[%squeeze3A_780, %dma_start3A_792] : memref<1000000x50xf32, #tpu.memory_space<hbm>> -> memref<1x50xf32, #tpu.memory_space<hbm>>
        %dma_start3A_794 = tpu.memref_squeeze %dma_start3A_793 : memref<1x50xf32, #tpu.memory_space<hbm>> -> memref<50xf32, #tpu.memory_space<hbm>>
        tpu.enqueue_dma source(%dma_start3A_794 : memref<50xf32, #tpu.memory_space<hbm>>) target(%dma_start3A_791 : memref<50xf32, #tpu.memory_space<vmem>>) target_semaphore(%arg23 : memref<!tpu.dma_semaphore, #tpu.memory_space<semaphore_mem>>)
        %slice3A_795 = vector.extract_strided_slice %get3A_330 {offsets = [14], sizes = [1], strides = [1]} : vector<16xi32> to vector<1xi32>
        %squeeze3A_796 = vector.extract %slice3A_795[0] : i32 from vector<1xi32>
        %add3A_797 = arith.constant 14 : i32
        %add3A_798 = arith.addi %mul3A_332, %add3A_797 : i32
        %dma_start3A_799 = arith.constant 0 : i32
        %dma_start3A_800 = tpu.memref_slice %arg12[%add3A_798, %dma_start3A_799] : memref<256x50xf32, #tpu.memory_space<vmem>> -> memref<1x50xf32, #tpu.memory_space<vmem>>
        %dma_start3A_801 = tpu.memref_squeeze %dma_start3A_800 : memref<1x50xf32, #tpu.memory_space<vmem>> -> memref<50xf32, #tpu.memory_space<vmem>>
        %dma_start3A_802 = arith.constant 0 : i32
        %dma_start3A_803 = tpu.memref_slice %arg5[%squeeze3A_796, %dma_start3A_802] : memref<1000000x50xf32, #tpu.memory_space<hbm>> -> memref<1x50xf32, #tpu.memory_space<hbm>>
        %dma_start3A_804 = tpu.memref_squeeze %dma_start3A_803 : memref<1x50xf32, #tpu.memory_space<hbm>> -> memref<50xf32, #tpu.memory_space<hbm>>
        %dma_start3A_805 = arith.constant 0 : i32
        %dma_start3A_806 = tpu.memref_slice %arg12[%add3A_798, %dma_start3A_805] : memref<256x50xf32, #tpu.memory_space<vmem>> -> memref<1x50xf32, #tpu.memory_space<vmem>>
        %dma_start3A_807 = tpu.memref_squeeze %dma_start3A_806 : memref<1x50xf32, #tpu.memory_space<vmem>> -> memref<50xf32, #tpu.memory_space<vmem>>
        %dma_start3A_808 = arith.constant 0 : i32
        %dma_start3A_809 = tpu.memref_slice %arg5[%squeeze3A_796, %dma_start3A_808] : memref<1000000x50xf32, #tpu.memory_space<hbm>> -> memref<1x50xf32, #tpu.memory_space<hbm>>
        %dma_start3A_810 = tpu.memref_squeeze %dma_start3A_809 : memref<1x50xf32, #tpu.memory_space<hbm>> -> memref<50xf32, #tpu.memory_space<hbm>>
        tpu.enqueue_dma source(%dma_start3A_810 : memref<50xf32, #tpu.memory_space<hbm>>) target(%dma_start3A_807 : memref<50xf32, #tpu.memory_space<vmem>>) target_semaphore(%arg23 : memref<!tpu.dma_semaphore, #tpu.memory_space<semaphore_mem>>)
        %slice3A_811 = vector.extract_strided_slice %get3A_327 {offsets = [15], sizes = [1], strides = [1]} : vector<16xi32> to vector<1xi32>
        %squeeze3A_812 = vector.extract %slice3A_811[0] : i32 from vector<1xi32>
        %add3A_813 = arith.constant 15 : i32
        %add3A_814 = arith.addi %mul3A_332, %add3A_813 : i32
        %dma_start3A_815 = arith.constant 0 : i32
        %dma_start3A_816 = tpu.memref_slice %arg11[%add3A_814, %dma_start3A_815] : memref<256x50xf32, #tpu.memory_space<vmem>> -> memref<1x50xf32, #tpu.memory_space<vmem>>
        %dma_start3A_817 = tpu.memref_squeeze %dma_start3A_816 : memref<1x50xf32, #tpu.memory_space<vmem>> -> memref<50xf32, #tpu.memory_space<vmem>>
        %dma_start3A_818 = arith.constant 0 : i32
        %dma_start3A_819 = tpu.memref_slice %arg4[%squeeze3A_812, %dma_start3A_818] : memref<1000000x50xf32, #tpu.memory_space<hbm>> -> memref<1x50xf32, #tpu.memory_space<hbm>>
        %dma_start3A_820 = tpu.memref_squeeze %dma_start3A_819 : memref<1x50xf32, #tpu.memory_space<hbm>> -> memref<50xf32, #tpu.memory_space<hbm>>
        %dma_start3A_821 = arith.constant 0 : i32
        %dma_start3A_822 = tpu.memref_slice %arg11[%add3A_814, %dma_start3A_821] : memref<256x50xf32, #tpu.memory_space<vmem>> -> memref<1x50xf32, #tpu.memory_space<vmem>>
        %dma_start3A_823 = tpu.memref_squeeze %dma_start3A_822 : memref<1x50xf32, #tpu.memory_space<vmem>> -> memref<50xf32, #tpu.memory_space<vmem>>
        %dma_start3A_824 = arith.constant 0 : i32
        %dma_start3A_825 = tpu.memref_slice %arg4[%squeeze3A_812, %dma_start3A_824] : memref<1000000x50xf32, #tpu.memory_space<hbm>> -> memref<1x50xf32, #tpu.memory_space<hbm>>
        %dma_start3A_826 = tpu.memref_squeeze %dma_start3A_825 : memref<1x50xf32, #tpu.memory_space<hbm>> -> memref<50xf32, #tpu.memory_space<hbm>>
        tpu.enqueue_dma source(%dma_start3A_826 : memref<50xf32, #tpu.memory_space<hbm>>) target(%dma_start3A_823 : memref<50xf32, #tpu.memory_space<vmem>>) target_semaphore(%arg24 : memref<!tpu.dma_semaphore, #tpu.memory_space<semaphore_mem>>)
        %slice3A_827 = vector.extract_strided_slice %get3A_330 {offsets = [15], sizes = [1], strides = [1]} : vector<16xi32> to vector<1xi32>
        %squeeze3A_828 = vector.extract %slice3A_827[0] : i32 from vector<1xi32>
        %add3A_829 = arith.constant 15 : i32
        %add3A_830 = arith.addi %mul3A_332, %add3A_829 : i32
        %dma_start3A_831 = arith.constant 0 : i32
        %dma_start3A_832 = tpu.memref_slice %arg12[%add3A_830, %dma_start3A_831] : memref<256x50xf32, #tpu.memory_space<vmem>> -> memref<1x50xf32, #tpu.memory_space<vmem>>
        %dma_start3A_833 = tpu.memref_squeeze %dma_start3A_832 : memref<1x50xf32, #tpu.memory_space<vmem>> -> memref<50xf32, #tpu.memory_space<vmem>>
        %dma_start3A_834 = arith.constant 0 : i32
        %dma_start3A_835 = tpu.memref_slice %arg5[%squeeze3A_828, %dma_start3A_834] : memref<1000000x50xf32, #tpu.memory_space<hbm>> -> memref<1x50xf32, #tpu.memory_space<hbm>>
        %dma_start3A_836 = tpu.memref_squeeze %dma_start3A_835 : memref<1x50xf32, #tpu.memory_space<hbm>> -> memref<50xf32, #tpu.memory_space<hbm>>
        %dma_start3A_837 = arith.constant 0 : i32
        %dma_start3A_838 = tpu.memref_slice %arg12[%add3A_830, %dma_start3A_837] : memref<256x50xf32, #tpu.memory_space<vmem>> -> memref<1x50xf32, #tpu.memory_space<vmem>>
        %dma_start3A_839 = tpu.memref_squeeze %dma_start3A_838 : memref<1x50xf32, #tpu.memory_space<vmem>> -> memref<50xf32, #tpu.memory_space<vmem>>
        %dma_start3A_840 = arith.constant 0 : i32
        %dma_start3A_841 = tpu.memref_slice %arg5[%squeeze3A_828, %dma_start3A_840] : memref<1000000x50xf32, #tpu.memory_space<hbm>> -> memref<1x50xf32, #tpu.memory_space<hbm>>
        %dma_start3A_842 = tpu.memref_squeeze %dma_start3A_841 : memref<1x50xf32, #tpu.memory_space<hbm>> -> memref<50xf32, #tpu.memory_space<hbm>>
        tpu.enqueue_dma source(%dma_start3A_842 : memref<50xf32, #tpu.memory_space<hbm>>) target(%dma_start3A_839 : memref<50xf32, #tpu.memory_space<vmem>>) target_semaphore(%arg24 : memref<!tpu.dma_semaphore, #tpu.memory_space<semaphore_mem>>)
      }
      %scan3A_165 = arith.constant 16 : i32
      %dma_wait3A_166 = arith.constant 0 : i32
      %dma_wait3A_167 = arith.constant 0 : i32
      %dma_wait3A_168 = tpu.memref_slice %arg11[%dma_wait3A_166, %dma_wait3A_167] : memref<256x50xf32, #tpu.memory_space<vmem>> -> memref<64x50xf32, #tpu.memory_space<vmem>>
      %dma_wait3A_169 = arith.constant 0 : i32
      %dma_wait3A_170 = arith.constant 0 : i32
      %dma_wait3A_171 = tpu.memref_slice %arg4[%dma_wait3A_169, %dma_wait3A_170] : memref<1000000x50xf32, #tpu.memory_space<hbm>> -> memref<64x50xf32, #tpu.memory_space<hbm>>
      %dma_wait3A_172 = arith.constant 0 : i32
      %dma_wait3A_173 = arith.constant 0 : i32
      %dma_wait3A_174 = tpu.memref_slice %arg11[%dma_wait3A_172, %dma_wait3A_173] : memref<256x50xf32, #tpu.memory_space<vmem>> -> memref<64x50xf32, #tpu.memory_space<vmem>>
      %dma_wait3A_175 = arith.constant 0 : i32
      %dma_wait3A_176 = arith.constant 0 : i32
      %dma_wait3A_177 = tpu.memref_slice %arg4[%dma_wait3A_175, %dma_wait3A_176] : memref<1000000x50xf32, #tpu.memory_space<hbm>> -> memref<64x50xf32, #tpu.memory_space<hbm>>
      tpu.wait_dma2 semaphore(%arg17 : memref<!tpu.dma_semaphore, #tpu.memory_space<semaphore_mem>>) src(%dma_wait3A_177 : memref<64x50xf32, #tpu.memory_space<hbm>>) dst(%dma_wait3A_174 : memref<64x50xf32, #tpu.memory_space<vmem>>)
      %dma_wait3A_178 = arith.constant 0 : i32
      %dma_wait3A_179 = arith.constant 0 : i32
      %dma_wait3A_180 = tpu.memref_slice %arg11[%dma_wait3A_178, %dma_wait3A_179] : memref<256x50xf32, #tpu.memory_space<vmem>> -> memref<64x50xf32, #tpu.memory_space<vmem>>
      %dma_wait3A_181 = arith.constant 0 : i32
      %dma_wait3A_182 = arith.constant 0 : i32
      %dma_wait3A_183 = tpu.memref_slice %arg4[%dma_wait3A_181, %dma_wait3A_182] : memref<1000000x50xf32, #tpu.memory_space<hbm>> -> memref<64x50xf32, #tpu.memory_space<hbm>>
      %dma_wait3A_184 = arith.constant 0 : i32
      %dma_wait3A_185 = arith.constant 0 : i32
      %dma_wait3A_186 = tpu.memref_slice %arg11[%dma_wait3A_184, %dma_wait3A_185] : memref<256x50xf32, #tpu.memory_space<vmem>> -> memref<64x50xf32, #tpu.memory_space<vmem>>
      %dma_wait3A_187 = arith.constant 0 : i32
      %dma_wait3A_188 = arith.constant 0 : i32
      %dma_wait3A_189 = tpu.memref_slice %arg4[%dma_wait3A_187, %dma_wait3A_188] : memref<1000000x50xf32, #tpu.memory_space<hbm>> -> memref<64x50xf32, #tpu.memory_space<hbm>>
      tpu.wait_dma2 semaphore(%arg18 : memref<!tpu.dma_semaphore, #tpu.memory_space<semaphore_mem>>) src(%dma_wait3A_189 : memref<64x50xf32, #tpu.memory_space<hbm>>) dst(%dma_wait3A_186 : memref<64x50xf32, #tpu.memory_space<vmem>>)
      %dma_wait3A_190 = arith.constant 0 : i32
      %dma_wait3A_191 = arith.constant 0 : i32
      %dma_wait3A_192 = tpu.memref_slice %arg11[%dma_wait3A_190, %dma_wait3A_191] : memref<256x50xf32, #tpu.memory_space<vmem>> -> memref<64x50xf32, #tpu.memory_space<vmem>>
      %dma_wait3A_193 = arith.constant 0 : i32
      %dma_wait3A_194 = arith.constant 0 : i32
      %dma_wait3A_195 = tpu.memref_slice %arg4[%dma_wait3A_193, %dma_wait3A_194] : memref<1000000x50xf32, #tpu.memory_space<hbm>> -> memref<64x50xf32, #tpu.memory_space<hbm>>
      %dma_wait3A_196 = arith.constant 0 : i32
      %dma_wait3A_197 = arith.constant 0 : i32
      %dma_wait3A_198 = tpu.memref_slice %arg11[%dma_wait3A_196, %dma_wait3A_197] : memref<256x50xf32, #tpu.memory_space<vmem>> -> memref<64x50xf32, #tpu.memory_space<vmem>>
      %dma_wait3A_199 = arith.constant 0 : i32
      %dma_wait3A_200 = arith.constant 0 : i32
      %dma_wait3A_201 = tpu.memref_slice %arg4[%dma_wait3A_199, %dma_wait3A_200] : memref<1000000x50xf32, #tpu.memory_space<hbm>> -> memref<64x50xf32, #tpu.memory_space<hbm>>
      tpu.wait_dma2 semaphore(%arg19 : memref<!tpu.dma_semaphore, #tpu.memory_space<semaphore_mem>>) src(%dma_wait3A_201 : memref<64x50xf32, #tpu.memory_space<hbm>>) dst(%dma_wait3A_198 : memref<64x50xf32, #tpu.memory_space<vmem>>)
      %dma_wait3A_202 = arith.constant 0 : i32
      %dma_wait3A_203 = arith.constant 0 : i32
      %dma_wait3A_204 = tpu.memref_slice %arg11[%dma_wait3A_202, %dma_wait3A_203] : memref<256x50xf32, #tpu.memory_space<vmem>> -> memref<64x50xf32, #tpu.memory_space<vmem>>
      %dma_wait3A_205 = arith.constant 0 : i32
      %dma_wait3A_206 = arith.constant 0 : i32
      %dma_wait3A_207 = tpu.memref_slice %arg4[%dma_wait3A_205, %dma_wait3A_206] : memref<1000000x50xf32, #tpu.memory_space<hbm>> -> memref<64x50xf32, #tpu.memory_space<hbm>>
      %dma_wait3A_208 = arith.constant 0 : i32
      %dma_wait3A_209 = arith.constant 0 : i32
      %dma_wait3A_210 = tpu.memref_slice %arg11[%dma_wait3A_208, %dma_wait3A_209] : memref<256x50xf32, #tpu.memory_space<vmem>> -> memref<64x50xf32, #tpu.memory_space<vmem>>
      %dma_wait3A_211 = arith.constant 0 : i32
      %dma_wait3A_212 = arith.constant 0 : i32
      %dma_wait3A_213 = tpu.memref_slice %arg4[%dma_wait3A_211, %dma_wait3A_212] : memref<1000000x50xf32, #tpu.memory_space<hbm>> -> memref<64x50xf32, #tpu.memory_space<hbm>>
      tpu.wait_dma2 semaphore(%arg20 : memref<!tpu.dma_semaphore, #tpu.memory_space<semaphore_mem>>) src(%dma_wait3A_213 : memref<64x50xf32, #tpu.memory_space<hbm>>) dst(%dma_wait3A_210 : memref<64x50xf32, #tpu.memory_space<vmem>>)
      %dma_wait3A_214 = arith.constant 0 : i32
      %dma_wait3A_215 = arith.constant 0 : i32
      %dma_wait3A_216 = tpu.memref_slice %arg11[%dma_wait3A_214, %dma_wait3A_215] : memref<256x50xf32, #tpu.memory_space<vmem>> -> memref<64x50xf32, #tpu.memory_space<vmem>>
      %dma_wait3A_217 = arith.constant 0 : i32
      %dma_wait3A_218 = arith.constant 0 : i32
      %dma_wait3A_219 = tpu.memref_slice %arg4[%dma_wait3A_217, %dma_wait3A_218] : memref<1000000x50xf32, #tpu.memory_space<hbm>> -> memref<64x50xf32, #tpu.memory_space<hbm>>
      %dma_wait3A_220 = arith.constant 0 : i32
      %dma_wait3A_221 = arith.constant 0 : i32
      %dma_wait3A_222 = tpu.memref_slice %arg11[%dma_wait3A_220, %dma_wait3A_221] : memref<256x50xf32, #tpu.memory_space<vmem>> -> memref<64x50xf32, #tpu.memory_space<vmem>>
      %dma_wait3A_223 = arith.constant 0 : i32
      %dma_wait3A_224 = arith.constant 0 : i32
      %dma_wait3A_225 = tpu.memref_slice %arg4[%dma_wait3A_223, %dma_wait3A_224] : memref<1000000x50xf32, #tpu.memory_space<hbm>> -> memref<64x50xf32, #tpu.memory_space<hbm>>
      tpu.wait_dma2 semaphore(%arg21 : memref<!tpu.dma_semaphore, #tpu.memory_space<semaphore_mem>>) src(%dma_wait3A_225 : memref<64x50xf32, #tpu.memory_space<hbm>>) dst(%dma_wait3A_222 : memref<64x50xf32, #tpu.memory_space<vmem>>)
      %dma_wait3A_226 = arith.constant 0 : i32
      %dma_wait3A_227 = arith.constant 0 : i32
      %dma_wait3A_228 = tpu.memref_slice %arg11[%dma_wait3A_226, %dma_wait3A_227] : memref<256x50xf32, #tpu.memory_space<vmem>> -> memref<64x50xf32, #tpu.memory_space<vmem>>
      %dma_wait3A_229 = arith.constant 0 : i32
      %dma_wait3A_230 = arith.constant 0 : i32
      %dma_wait3A_231 = tpu.memref_slice %arg4[%dma_wait3A_229, %dma_wait3A_230] : memref<1000000x50xf32, #tpu.memory_space<hbm>> -> memref<64x50xf32, #tpu.memory_space<hbm>>
      %dma_wait3A_232 = arith.constant 0 : i32
      %dma_wait3A_233 = arith.constant 0 : i32
      %dma_wait3A_234 = tpu.memref_slice %arg11[%dma_wait3A_232, %dma_wait3A_233] : memref<256x50xf32, #tpu.memory_space<vmem>> -> memref<64x50xf32, #tpu.memory_space<vmem>>
      %dma_wait3A_235 = arith.constant 0 : i32
      %dma_wait3A_236 = arith.constant 0 : i32
      %dma_wait3A_237 = tpu.memref_slice %arg4[%dma_wait3A_235, %dma_wait3A_236] : memref<1000000x50xf32, #tpu.memory_space<hbm>> -> memref<64x50xf32, #tpu.memory_space<hbm>>
      tpu.wait_dma2 semaphore(%arg22 : memref<!tpu.dma_semaphore, #tpu.memory_space<semaphore_mem>>) src(%dma_wait3A_237 : memref<64x50xf32, #tpu.memory_space<hbm>>) dst(%dma_wait3A_234 : memref<64x50xf32, #tpu.memory_space<vmem>>)
      %dma_wait3A_238 = arith.constant 0 : i32
      %dma_wait3A_239 = arith.constant 0 : i32
      %dma_wait3A_240 = tpu.memref_slice %arg11[%dma_wait3A_238, %dma_wait3A_239] : memref<256x50xf32, #tpu.memory_space<vmem>> -> memref<64x50xf32, #tpu.memory_space<vmem>>
      %dma_wait3A_241 = arith.constant 0 : i32
      %dma_wait3A_242 = arith.constant 0 : i32
      %dma_wait3A_243 = tpu.memref_slice %arg4[%dma_wait3A_241, %dma_wait3A_242] : memref<1000000x50xf32, #tpu.memory_space<hbm>> -> memref<64x50xf32, #tpu.memory_space<hbm>>
      %dma_wait3A_244 = arith.constant 0 : i32
      %dma_wait3A_245 = arith.constant 0 : i32
      %dma_wait3A_246 = tpu.memref_slice %arg11[%dma_wait3A_244, %dma_wait3A_245] : memref<256x50xf32, #tpu.memory_space<vmem>> -> memref<64x50xf32, #tpu.memory_space<vmem>>
      %dma_wait3A_247 = arith.constant 0 : i32
      %dma_wait3A_248 = arith.constant 0 : i32
      %dma_wait3A_249 = tpu.memref_slice %arg4[%dma_wait3A_247, %dma_wait3A_248] : memref<1000000x50xf32, #tpu.memory_space<hbm>> -> memref<64x50xf32, #tpu.memory_space<hbm>>
      tpu.wait_dma2 semaphore(%arg23 : memref<!tpu.dma_semaphore, #tpu.memory_space<semaphore_mem>>) src(%dma_wait3A_249 : memref<64x50xf32, #tpu.memory_space<hbm>>) dst(%dma_wait3A_246 : memref<64x50xf32, #tpu.memory_space<vmem>>)
      %dma_wait3A_250 = arith.constant 0 : i32
      %dma_wait3A_251 = arith.constant 0 : i32
      %dma_wait3A_252 = tpu.memref_slice %arg11[%dma_wait3A_250, %dma_wait3A_251] : memref<256x50xf32, #tpu.memory_space<vmem>> -> memref<64x50xf32, #tpu.memory_space<vmem>>
      %dma_wait3A_253 = arith.constant 0 : i32
      %dma_wait3A_254 = arith.constant 0 : i32
      %dma_wait3A_255 = tpu.memref_slice %arg4[%dma_wait3A_253, %dma_wait3A_254] : memref<1000000x50xf32, #tpu.memory_space<hbm>> -> memref<64x50xf32, #tpu.memory_space<hbm>>
      %dma_wait3A_256 = arith.constant 0 : i32
      %dma_wait3A_257 = arith.constant 0 : i32
      %dma_wait3A_258 = tpu.memref_slice %arg11[%dma_wait3A_256, %dma_wait3A_257] : memref<256x50xf32, #tpu.memory_space<vmem>> -> memref<64x50xf32, #tpu.memory_space<vmem>>
      %dma_wait3A_259 = arith.constant 0 : i32
      %dma_wait3A_260 = arith.constant 0 : i32
      %dma_wait3A_261 = tpu.memref_slice %arg4[%dma_wait3A_259, %dma_wait3A_260] : memref<1000000x50xf32, #tpu.memory_space<hbm>> -> memref<64x50xf32, #tpu.memory_space<hbm>>
      tpu.wait_dma2 semaphore(%arg24 : memref<!tpu.dma_semaphore, #tpu.memory_space<semaphore_mem>>) src(%dma_wait3A_261 : memref<64x50xf32, #tpu.memory_space<hbm>>) dst(%dma_wait3A_258 : memref<64x50xf32, #tpu.memory_space<vmem>>)
      %scan3A_262 = arith.constant 0 : i32
      %scan3A_263 = arith.constant 0 : i32
      %scan3A_264 = arith.constant 16 : i32
      %scan3A_265 = arith.addi %scan3A_263, %scan3A_264 : i32
      %scan3A_266 = arith.constant 1 : i32
      scf.for %scan3A_268 = %scan3A_263 to %scan3A_265 step %scan3A_266  : i32 {
        %mul3A_269 = arith.constant 16 : i32
        %mul3A_270 = arith.muli %scan3A_268, %mul3A_269 : i32
        %add3A_271 = vector.broadcast %mul3A_270 : i32 to vector<16xi32>
        %add3A_272 = arith.addi %add3A_271, %iota3A : vector<16xi32>
        %add3A_273 = arith.addi %mul3A_159, %mul3A_270 : i32
        %get3A = arith.index_cast %add3A_273 : i32 to index
        %get3A_274 = tpu.vector_load %arg13[%get3A] {strides = array<i32>} : memref<512xf32, #tpu.memory_space<vmem>>, vector<16xf32>,
        %add3A_275 = arith.addi %mul3A_159, %mul3A_270 : i32
        %get3A_276 = arith.index_cast %add3A_275 : i32 to index
        %get3A_277 = tpu.vector_load %arg14[%get3A_276] {strides = array<i32>} : memref<512xf32, #tpu.memory_space<vmem>>, vector<16xf32>,
        %add3A_278 = arith.addf %get3A_274, %get3A_277 : vector<16xf32>
        %broadcast_in_dim3A = arith.constant 0 : i32
        %broadcast_in_dim3A_279 = vector.broadcast %broadcast_in_dim3A : i32 to vector<16xi32>
        %gather3A = tpu.vector_load_idx %arg11[%add3A_272, %broadcast_in_dim3A_279] : memref<256x50xf32, #tpu.memory_space<vmem>>[vector<16xi32>, vector<16xi32>], vector<16xf32>,
        %gather3A_280 = tpu.vector_load_idx %arg12[%add3A_272, %broadcast_in_dim3A_279] : memref<256x50xf32, #tpu.memory_space<vmem>>[vector<16xi32>, vector<16xi32>], vector<16xf32>,
        %mul3A_281 = arith.mulf %gather3A, %gather3A_280 : vector<16xf32>
        %add3A_282 = arith.addf %add3A_278, %mul3A_281 : vector<16xf32>
        %broadcast_in_dim3A_283 = arith.constant 1 : i32
        %broadcast_in_dim3A_284 = vector.broadcast %broadcast_in_dim3A_283 : i32 to vector<16xi32>
        %gather3A_285 = tpu.vector_load_idx %arg11[%add3A_272, %broadcast_in_dim3A_284] : memref<256x50xf32, #tpu.memory_space<vmem>>[vector<16xi32>, vector<16xi32>], vector<16xf32>,
        %gather3A_286 = tpu.vector_load_idx %arg12[%add3A_272, %broadcast_in_dim3A_284] : memref<256x50xf32, #tpu.memory_space<vmem>>[vector<16xi32>, vector<16xi32>], vector<16xf32>,
        %mul3A_287 = arith.mulf %gather3A_285, %gather3A_286 : vector<16xf32>
        %add3A_288 = arith.addf %add3A_282, %mul3A_287 : vector<16xf32>
        %broadcast_in_dim3A_289 = arith.constant 2 : i32
        %broadcast_in_dim3A_290 = vector.broadcast %broadcast_in_dim3A_289 : i32 to vector<16xi32>
        %gather3A_291 = tpu.vector_load_idx %arg11[%add3A_272, %broadcast_in_dim3A_290] : memref<256x50xf32, #tpu.memory_space<vmem>>[vector<16xi32>, vector<16xi32>], vector<16xf32>,
        %gather3A_292 = tpu.vector_load_idx %arg12[%add3A_272, %broadcast_in_dim3A_290] : memref<256x50xf32, #tpu.memory_space<vmem>>[vector<16xi32>, vector<16xi32>], vector<16xf32>,
        %mul3A_293 = arith.mulf %gather3A_291, %gather3A_292 : vector<16xf32>
        %add3A_294 = arith.addf %add3A_288, %mul3A_293 : vector<16xf32>
        %broadcast_in_dim3A_295 = arith.constant 3 : i32
        %broadcast_in_dim3A_296 = vector.broadcast %broadcast_in_dim3A_295 : i32 to vector<16xi32>
        %gather3A_297 = tpu.vector_load_idx %arg11[%add3A_272, %broadcast_in_dim3A_296] : memref<256x50xf32, #tpu.memory_space<vmem>>[vector<16xi32>, vector<16xi32>], vector<16xf32>,
        %gather3A_298 = tpu.vector_load_idx %arg12[%add3A_272, %broadcast_in_dim3A_296] : memref<256x50xf32, #tpu.memory_space<vmem>>[vector<16xi32>, vector<16xi32>], vector<16xf32>,
        %mul3A_299 = arith.mulf %gather3A_297, %gather3A_298 : vector<16xf32>
        %add3A_300 = arith.addf %add3A_294, %mul3A_299 : vector<16xf32>
        %broadcast_in_dim3A_301 = arith.constant 4 : i32
        %broadcast_in_dim3A_302 = vector.broadcast %broadcast_in_dim3A_301 : i32 to vector<16xi32>
        %gather3A_303 = tpu.vector_load_idx %arg11[%add3A_272, %broadcast_in_dim3A_302] : memref<256x50xf32, #tpu.memory_space<vmem>>[vector<16xi32>, vector<16xi32>], vector<16xf32>,
        %gather3A_304 = tpu.vector_load_idx %arg12[%add3A_272, %broadcast_in_dim3A_302] : memref<256x50xf32, #tpu.memory_space<vmem>>[vector<16xi32>, vector<16xi32>], vector<16xf32>,
        %mul3A_305 = arith.mulf %gather3A_303, %gather3A_304 : vector<16xf32>
        %add3A_306 = arith.addf %add3A_300, %mul3A_305 : vector<16xf32>
        %broadcast_in_dim3A_307 = arith.constant 5 : i32
        %broadcast_in_dim3A_308 = vector.broadcast %broadcast_in_dim3A_307 : i32 to vector<16xi32>
        %gather3A_309 = tpu.vector_load_idx %arg11[%add3A_272, %broadcast_in_dim3A_308] : memref<256x50xf32, #tpu.memory_space<vmem>>[vector<16xi32>, vector<16xi32>], vector<16xf32>,
        %gather3A_310 = tpu.vector_load_idx %arg12[%add3A_272, %broadcast_in_dim3A_308] : memref<256x50xf32, #tpu.memory_space<vmem>>[vector<16xi32>, vector<16xi32>], vector<16xf32>,
        %mul3A_311 = arith.mulf %gather3A_309, %gather3A_310 : vector<16xf32>
        %add3A_312 = arith.addf %add3A_306, %mul3A_311 : vector<16xf32>
        %broadcast_in_dim3A_313 = arith.constant 6 : i32
        %broadcast_in_dim3A_314 = vector.broadcast %broadcast_in_dim3A_313 : i32 to vector<16xi32>
        %gather3A_315 = tpu.vector_load_idx %arg11[%add3A_272, %broadcast_in_dim3A_314] : memref<256x50xf32, #tpu.memory_space<vmem>>[vector<16xi32>, vector<16xi32>], vector<16xf32>,
        %gather3A_316 = tpu.vector_load_idx %arg12[%add3A_272, %broadcast_in_dim3A_314] : memref<256x50xf32, #tpu.memory_space<vmem>>[vector<16xi32>, vector<16xi32>], vector<16xf32>,
        %mul3A_317 = arith.mulf %gather3A_315, %gather3A_316 : vector<16xf32>
        %add3A_318 = arith.addf %add3A_312, %mul3A_317 : vector<16xf32>
        %broadcast_in_dim3A_319 = arith.constant 7 : i32
        %broadcast_in_dim3A_320 = vector.broadcast %broadcast_in_dim3A_319 : i32 to vector<16xi32>
        %gather3A_321 = tpu.vector_load_idx %arg11[%add3A_272, %broadcast_in_dim3A_320] : memref<256x50xf32, #tpu.memory_space<vmem>>[vector<16xi32>, vector<16xi32>], vector<16xf32>,
        %gather3A_322 = tpu.vector_load_idx %arg12[%add3A_272, %broadcast_in_dim3A_320] : memref<256x50xf32, #tpu.memory_space<vmem>>[vector<16xi32>, vector<16xi32>], vector<16xf32>,
        %mul3A_323 = arith.mulf %gather3A_321, %gather3A_322 : vector<16xf32>
        %add3A_324 = arith.addf %add3A_318, %mul3A_323 : vector<16xf32>
        %broadcast_in_dim3A_325 = arith.constant 8 : i32
        %broadcast_in_dim3A_326 = vector.broadcast %broadcast_in_dim3A_325 : i32 to vector<16xi32>
        %gather3A_327 = tpu.vector_load_idx %arg11[%add3A_272, %broadcast_in_dim3A_326] : memref<256x50xf32, #tpu.memory_space<vmem>>[vector<16xi32>, vector<16xi32>], vector<16xf32>,
        %gather3A_328 = tpu.vector_load_idx %arg12[%add3A_272, %broadcast_in_dim3A_326] : memref<256x50xf32, #tpu.memory_space<vmem>>[vector<16xi32>, vector<16xi32>], vector<16xf32>,
        %mul3A_329 = arith.mulf %gather3A_327, %gather3A_328 : vector<16xf32>
        %add3A_330 = arith.addf %add3A_324, %mul3A_329 : vector<16xf32>
        %broadcast_in_dim3A_331 = arith.constant 9 : i32
        %broadcast_in_dim3A_332 = vector.broadcast %broadcast_in_dim3A_331 : i32 to vector<16xi32>
        %gather3A_333 = tpu.vector_load_idx %arg11[%add3A_272, %broadcast_in_dim3A_332] : memref<256x50xf32, #tpu.memory_space<vmem>>[vector<16xi32>, vector<16xi32>], vector<16xf32>,
        %gather3A_334 = tpu.vector_load_idx %arg12[%add3A_272, %broadcast_in_dim3A_332] : memref<256x50xf32, #tpu.memory_space<vmem>>[vector<16xi32>, vector<16xi32>], vector<16xf32>,
        %mul3A_335 = arith.mulf %gather3A_333, %gather3A_334 : vector<16xf32>
        %add3A_336 = arith.addf %add3A_330, %mul3A_335 : vector<16xf32>
        %broadcast_in_dim3A_337 = arith.constant 10 : i32
        %broadcast_in_dim3A_338 = vector.broadcast %broadcast_in_dim3A_337 : i32 to vector<16xi32>
        %gather3A_339 = tpu.vector_load_idx %arg11[%add3A_272, %broadcast_in_dim3A_338] : memref<256x50xf32, #tpu.memory_space<vmem>>[vector<16xi32>, vector<16xi32>], vector<16xf32>,
        %gather3A_340 = tpu.vector_load_idx %arg12[%add3A_272, %broadcast_in_dim3A_338] : memref<256x50xf32, #tpu.memory_space<vmem>>[vector<16xi32>, vector<16xi32>], vector<16xf32>,
        %mul3A_341 = arith.mulf %gather3A_339, %gather3A_340 : vector<16xf32>
        %add3A_342 = arith.addf %add3A_336, %mul3A_341 : vector<16xf32>
        %broadcast_in_dim3A_343 = arith.constant 11 : i32
        %broadcast_in_dim3A_344 = vector.broadcast %broadcast_in_dim3A_343 : i32 to vector<16xi32>
        %gather3A_345 = tpu.vector_load_idx %arg11[%add3A_272, %broadcast_in_dim3A_344] : memref<256x50xf32, #tpu.memory_space<vmem>>[vector<16xi32>, vector<16xi32>], vector<16xf32>,
        %gather3A_346 = tpu.vector_load_idx %arg12[%add3A_272, %broadcast_in_dim3A_344] : memref<256x50xf32, #tpu.memory_space<vmem>>[vector<16xi32>, vector<16xi32>], vector<16xf32>,
        %mul3A_347 = arith.mulf %gather3A_345, %gather3A_346 : vector<16xf32>
        %add3A_348 = arith.addf %add3A_342, %mul3A_347 : vector<16xf32>
        %broadcast_in_dim3A_349 = arith.constant 12 : i32
        %broadcast_in_dim3A_350 = vector.broadcast %broadcast_in_dim3A_349 : i32 to vector<16xi32>
        %gather3A_351 = tpu.vector_load_idx %arg11[%add3A_272, %broadcast_in_dim3A_350] : memref<256x50xf32, #tpu.memory_space<vmem>>[vector<16xi32>, vector<16xi32>], vector<16xf32>,
        %gather3A_352 = tpu.vector_load_idx %arg12[%add3A_272, %broadcast_in_dim3A_350] : memref<256x50xf32, #tpu.memory_space<vmem>>[vector<16xi32>, vector<16xi32>], vector<16xf32>,
        %mul3A_353 = arith.mulf %gather3A_351, %gather3A_352 : vector<16xf32>
        %add3A_354 = arith.addf %add3A_348, %mul3A_353 : vector<16xf32>
        %broadcast_in_dim3A_355 = arith.constant 13 : i32
        %broadcast_in_dim3A_356 = vector.broadcast %broadcast_in_dim3A_355 : i32 to vector<16xi32>
        %gather3A_357 = tpu.vector_load_idx %arg11[%add3A_272, %broadcast_in_dim3A_356] : memref<256x50xf32, #tpu.memory_space<vmem>>[vector<16xi32>, vector<16xi32>], vector<16xf32>,
        %gather3A_358 = tpu.vector_load_idx %arg12[%add3A_272, %broadcast_in_dim3A_356] : memref<256x50xf32, #tpu.memory_space<vmem>>[vector<16xi32>, vector<16xi32>], vector<16xf32>,
        %mul3A_359 = arith.mulf %gather3A_357, %gather3A_358 : vector<16xf32>
        %add3A_360 = arith.addf %add3A_354, %mul3A_359 : vector<16xf32>
        %broadcast_in_dim3A_361 = arith.constant 14 : i32
        %broadcast_in_dim3A_362 = vector.broadcast %broadcast_in_dim3A_361 : i32 to vector<16xi32>
        %gather3A_363 = tpu.vector_load_idx %arg11[%add3A_272, %broadcast_in_dim3A_362] : memref<256x50xf32, #tpu.memory_space<vmem>>[vector<16xi32>, vector<16xi32>], vector<16xf32>,
        %gather3A_364 = tpu.vector_load_idx %arg12[%add3A_272, %broadcast_in_dim3A_362] : memref<256x50xf32, #tpu.memory_space<vmem>>[vector<16xi32>, vector<16xi32>], vector<16xf32>,
        %mul3A_365 = arith.mulf %gather3A_363, %gather3A_364 : vector<16xf32>
        %add3A_366 = arith.addf %add3A_360, %mul3A_365 : vector<16xf32>
        %broadcast_in_dim3A_367 = arith.constant 15 : i32
        %broadcast_in_dim3A_368 = vector.broadcast %broadcast_in_dim3A_367 : i32 to vector<16xi32>
        %gather3A_369 = tpu.vector_load_idx %arg11[%add3A_272, %broadcast_in_dim3A_368] : memref<256x50xf32, #tpu.memory_space<vmem>>[vector<16xi32>, vector<16xi32>], vector<16xf32>,
        %gather3A_370 = tpu.vector_load_idx %arg12[%add3A_272, %broadcast_in_dim3A_368] : memref<256x50xf32, #tpu.memory_space<vmem>>[vector<16xi32>, vector<16xi32>], vector<16xf32>,
        %mul3A_371 = arith.mulf %gather3A_369, %gather3A_370 : vector<16xf32>
        %add3A_372 = arith.addf %add3A_366, %mul3A_371 : vector<16xf32>
        %broadcast_in_dim3A_373 = arith.constant 16 : i32
        %broadcast_in_dim3A_374 = vector.broadcast %broadcast_in_dim3A_373 : i32 to vector<16xi32>
        %gather3A_375 = tpu.vector_load_idx %arg11[%add3A_272, %broadcast_in_dim3A_374] : memref<256x50xf32, #tpu.memory_space<vmem>>[vector<16xi32>, vector<16xi32>], vector<16xf32>,
        %gather3A_376 = tpu.vector_load_idx %arg12[%add3A_272, %broadcast_in_dim3A_374] : memref<256x50xf32, #tpu.memory_space<vmem>>[vector<16xi32>, vector<16xi32>], vector<16xf32>,
        %mul3A_377 = arith.mulf %gather3A_375, %gather3A_376 : vector<16xf32>
        %add3A_378 = arith.addf %add3A_372, %mul3A_377 : vector<16xf32>
        %broadcast_in_dim3A_379 = arith.constant 17 : i32
        %broadcast_in_dim3A_380 = vector.broadcast %broadcast_in_dim3A_379 : i32 to vector<16xi32>
        %gather3A_381 = tpu.vector_load_idx %arg11[%add3A_272, %broadcast_in_dim3A_380] : memref<256x50xf32, #tpu.memory_space<vmem>>[vector<16xi32>, vector<16xi32>], vector<16xf32>,
        %gather3A_382 = tpu.vector_load_idx %arg12[%add3A_272, %broadcast_in_dim3A_380] : memref<256x50xf32, #tpu.memory_space<vmem>>[vector<16xi32>, vector<16xi32>], vector<16xf32>,
        %mul3A_383 = arith.mulf %gather3A_381, %gather3A_382 : vector<16xf32>
        %add3A_384 = arith.addf %add3A_378, %mul3A_383 : vector<16xf32>
        %broadcast_in_dim3A_385 = arith.constant 18 : i32
        %broadcast_in_dim3A_386 = vector.broadcast %broadcast_in_dim3A_385 : i32 to vector<16xi32>
        %gather3A_387 = tpu.vector_load_idx %arg11[%add3A_272, %broadcast_in_dim3A_386] : memref<256x50xf32, #tpu.memory_space<vmem>>[vector<16xi32>, vector<16xi32>], vector<16xf32>,
        %gather3A_388 = tpu.vector_load_idx %arg12[%add3A_272, %broadcast_in_dim3A_386] : memref<256x50xf32, #tpu.memory_space<vmem>>[vector<16xi32>, vector<16xi32>], vector<16xf32>,
        %mul3A_389 = arith.mulf %gather3A_387, %gather3A_388 : vector<16xf32>
        %add3A_390 = arith.addf %add3A_384, %mul3A_389 : vector<16xf32>
        %broadcast_in_dim3A_391 = arith.constant 19 : i32
        %broadcast_in_dim3A_392 = vector.broadcast %broadcast_in_dim3A_391 : i32 to vector<16xi32>
        %gather3A_393 = tpu.vector_load_idx %arg11[%add3A_272, %broadcast_in_dim3A_392] : memref<256x50xf32, #tpu.memory_space<vmem>>[vector<16xi32>, vector<16xi32>], vector<16xf32>,
        %gather3A_394 = tpu.vector_load_idx %arg12[%add3A_272, %broadcast_in_dim3A_392] : memref<256x50xf32, #tpu.memory_space<vmem>>[vector<16xi32>, vector<16xi32>], vector<16xf32>,
        %mul3A_395 = arith.mulf %gather3A_393, %gather3A_394 : vector<16xf32>
        %add3A_396 = arith.addf %add3A_390, %mul3A_395 : vector<16xf32>
        %broadcast_in_dim3A_397 = arith.constant 20 : i32
        %broadcast_in_dim3A_398 = vector.broadcast %broadcast_in_dim3A_397 : i32 to vector<16xi32>
        %gather3A_399 = tpu.vector_load_idx %arg11[%add3A_272, %broadcast_in_dim3A_398] : memref<256x50xf32, #tpu.memory_space<vmem>>[vector<16xi32>, vector<16xi32>], vector<16xf32>,
        %gather3A_400 = tpu.vector_load_idx %arg12[%add3A_272, %broadcast_in_dim3A_398] : memref<256x50xf32, #tpu.memory_space<vmem>>[vector<16xi32>, vector<16xi32>], vector<16xf32>,
        %mul3A_401 = arith.mulf %gather3A_399, %gather3A_400 : vector<16xf32>
        %add3A_402 = arith.addf %add3A_396, %mul3A_401 : vector<16xf32>
        %broadcast_in_dim3A_403 = arith.constant 21 : i32
        %broadcast_in_dim3A_404 = vector.broadcast %broadcast_in_dim3A_403 : i32 to vector<16xi32>
        %gather3A_405 = tpu.vector_load_idx %arg11[%add3A_272, %broadcast_in_dim3A_404] : memref<256x50xf32, #tpu.memory_space<vmem>>[vector<16xi32>, vector<16xi32>], vector<16xf32>,
        %gather3A_406 = tpu.vector_load_idx %arg12[%add3A_272, %broadcast_in_dim3A_404] : memref<256x50xf32, #tpu.memory_space<vmem>>[vector<16xi32>, vector<16xi32>], vector<16xf32>,
        %mul3A_407 = arith.mulf %gather3A_405, %gather3A_406 : vector<16xf32>
        %add3A_408 = arith.addf %add3A_402, %mul3A_407 : vector<16xf32>
        %broadcast_in_dim3A_409 = arith.constant 22 : i32
        %broadcast_in_dim3A_410 = vector.broadcast %broadcast_in_dim3A_409 : i32 to vector<16xi32>
        %gather3A_411 = tpu.vector_load_idx %arg11[%add3A_272, %broadcast_in_dim3A_410] : memref<256x50xf32, #tpu.memory_space<vmem>>[vector<16xi32>, vector<16xi32>], vector<16xf32>,
        %gather3A_412 = tpu.vector_load_idx %arg12[%add3A_272, %broadcast_in_dim3A_410] : memref<256x50xf32, #tpu.memory_space<vmem>>[vector<16xi32>, vector<16xi32>], vector<16xf32>,
        %mul3A_413 = arith.mulf %gather3A_411, %gather3A_412 : vector<16xf32>
        %add3A_414 = arith.addf %add3A_408, %mul3A_413 : vector<16xf32>
        %broadcast_in_dim3A_415 = arith.constant 23 : i32
        %broadcast_in_dim3A_416 = vector.broadcast %broadcast_in_dim3A_415 : i32 to vector<16xi32>
        %gather3A_417 = tpu.vector_load_idx %arg11[%add3A_272, %broadcast_in_dim3A_416] : memref<256x50xf32, #tpu.memory_space<vmem>>[vector<16xi32>, vector<16xi32>], vector<16xf32>,
        %gather3A_418 = tpu.vector_load_idx %arg12[%add3A_272, %broadcast_in_dim3A_416] : memref<256x50xf32, #tpu.memory_space<vmem>>[vector<16xi32>, vector<16xi32>], vector<16xf32>,
        %mul3A_419 = arith.mulf %gather3A_417, %gather3A_418 : vector<16xf32>
        %add3A_420 = arith.addf %add3A_414, %mul3A_419 : vector<16xf32>
        %broadcast_in_dim3A_421 = arith.constant 24 : i32
        %broadcast_in_dim3A_422 = vector.broadcast %broadcast_in_dim3A_421 : i32 to vector<16xi32>
        %gather3A_423 = tpu.vector_load_idx %arg11[%add3A_272, %broadcast_in_dim3A_422] : memref<256x50xf32, #tpu.memory_space<vmem>>[vector<16xi32>, vector<16xi32>], vector<16xf32>,
        %gather3A_424 = tpu.vector_load_idx %arg12[%add3A_272, %broadcast_in_dim3A_422] : memref<256x50xf32, #tpu.memory_space<vmem>>[vector<16xi32>, vector<16xi32>], vector<16xf32>,
        %mul3A_425 = arith.mulf %gather3A_423, %gather3A_424 : vector<16xf32>
        %add3A_426 = arith.addf %add3A_420, %mul3A_425 : vector<16xf32>
        %broadcast_in_dim3A_427 = arith.constant 25 : i32
        %broadcast_in_dim3A_428 = vector.broadcast %broadcast_in_dim3A_427 : i32 to vector<16xi32>
        %gather3A_429 = tpu.vector_load_idx %arg11[%add3A_272, %broadcast_in_dim3A_428] : memref<256x50xf32, #tpu.memory_space<vmem>>[vector<16xi32>, vector<16xi32>], vector<16xf32>,
        %gather3A_430 = tpu.vector_load_idx %arg12[%add3A_272, %broadcast_in_dim3A_428] : memref<256x50xf32, #tpu.memory_space<vmem>>[vector<16xi32>, vector<16xi32>], vector<16xf32>,
        %mul3A_431 = arith.mulf %gather3A_429, %gather3A_430 : vector<16xf32>
        %add3A_432 = arith.addf %add3A_426, %mul3A_431 : vector<16xf32>
        %broadcast_in_dim3A_433 = arith.constant 26 : i32
        %broadcast_in_dim3A_434 = vector.broadcast %broadcast_in_dim3A_433 : i32 to vector<16xi32>
        %gather3A_435 = tpu.vector_load_idx %arg11[%add3A_272, %broadcast_in_dim3A_434] : memref<256x50xf32, #tpu.memory_space<vmem>>[vector<16xi32>, vector<16xi32>], vector<16xf32>,
        %gather3A_436 = tpu.vector_load_idx %arg12[%add3A_272, %broadcast_in_dim3A_434] : memref<256x50xf32, #tpu.memory_space<vmem>>[vector<16xi32>, vector<16xi32>], vector<16xf32>,
        %mul3A_437 = arith.mulf %gather3A_435, %gather3A_436 : vector<16xf32>
        %add3A_438 = arith.addf %add3A_432, %mul3A_437 : vector<16xf32>
        %broadcast_in_dim3A_439 = arith.constant 27 : i32
        %broadcast_in_dim3A_440 = vector.broadcast %broadcast_in_dim3A_439 : i32 to vector<16xi32>
        %gather3A_441 = tpu.vector_load_idx %arg11[%add3A_272, %broadcast_in_dim3A_440] : memref<256x50xf32, #tpu.memory_space<vmem>>[vector<16xi32>, vector<16xi32>], vector<16xf32>,
        %gather3A_442 = tpu.vector_load_idx %arg12[%add3A_272, %broadcast_in_dim3A_440] : memref<256x50xf32, #tpu.memory_space<vmem>>[vector<16xi32>, vector<16xi32>], vector<16xf32>,
        %mul3A_443 = arith.mulf %gather3A_441, %gather3A_442 : vector<16xf32>
        %add3A_444 = arith.addf %add3A_438, %mul3A_443 : vector<16xf32>
        %broadcast_in_dim3A_445 = arith.constant 28 : i32
        %broadcast_in_dim3A_446 = vector.broadcast %broadcast_in_dim3A_445 : i32 to vector<16xi32>
        %gather3A_447 = tpu.vector_load_idx %arg11[%add3A_272, %broadcast_in_dim3A_446] : memref<256x50xf32, #tpu.memory_space<vmem>>[vector<16xi32>, vector<16xi32>], vector<16xf32>,
        %gather3A_448 = tpu.vector_load_idx %arg12[%add3A_272, %broadcast_in_dim3A_446] : memref<256x50xf32, #tpu.memory_space<vmem>>[vector<16xi32>, vector<16xi32>], vector<16xf32>,
        %mul3A_449 = arith.mulf %gather3A_447, %gather3A_448 : vector<16xf32>
        %add3A_450 = arith.addf %add3A_444, %mul3A_449 : vector<16xf32>
        %broadcast_in_dim3A_451 = arith.constant 29 : i32
        %broadcast_in_dim3A_452 = vector.broadcast %broadcast_in_dim3A_451 : i32 to vector<16xi32>
        %gather3A_453 = tpu.vector_load_idx %arg11[%add3A_272, %broadcast_in_dim3A_452] : memref<256x50xf32, #tpu.memory_space<vmem>>[vector<16xi32>, vector<16xi32>], vector<16xf32>,
        %gather3A_454 = tpu.vector_load_idx %arg12[%add3A_272, %broadcast_in_dim3A_452] : memref<256x50xf32, #tpu.memory_space<vmem>>[vector<16xi32>, vector<16xi32>], vector<16xf32>,
        %mul3A_455 = arith.mulf %gather3A_453, %gather3A_454 : vector<16xf32>
        %add3A_456 = arith.addf %add3A_450, %mul3A_455 : vector<16xf32>
        %broadcast_in_dim3A_457 = arith.constant 30 : i32
        %broadcast_in_dim3A_458 = vector.broadcast %broadcast_in_dim3A_457 : i32 to vector<16xi32>
        %gather3A_459 = tpu.vector_load_idx %arg11[%add3A_272, %broadcast_in_dim3A_458] : memref<256x50xf32, #tpu.memory_space<vmem>>[vector<16xi32>, vector<16xi32>], vector<16xf32>,
        %gather3A_460 = tpu.vector_load_idx %arg12[%add3A_272, %broadcast_in_dim3A_458] : memref<256x50xf32, #tpu.memory_space<vmem>>[vector<16xi32>, vector<16xi32>], vector<16xf32>,
        %mul3A_461 = arith.mulf %gather3A_459, %gather3A_460 : vector<16xf32>
        %add3A_462 = arith.addf %add3A_456, %mul3A_461 : vector<16xf32>
        %broadcast_in_dim3A_463 = arith.constant 31 : i32
        %broadcast_in_dim3A_464 = vector.broadcast %broadcast_in_dim3A_463 : i32 to vector<16xi32>
        %gather3A_465 = tpu.vector_load_idx %arg11[%add3A_272, %broadcast_in_dim3A_464] : memref<256x50xf32, #tpu.memory_space<vmem>>[vector<16xi32>, vector<16xi32>], vector<16xf32>,
        %gather3A_466 = tpu.vector_load_idx %arg12[%add3A_272, %broadcast_in_dim3A_464] : memref<256x50xf32, #tpu.memory_space<vmem>>[vector<16xi32>, vector<16xi32>], vector<16xf32>,
        %mul3A_467 = arith.mulf %gather3A_465, %gather3A_466 : vector<16xf32>
        %add3A_468 = arith.addf %add3A_462, %mul3A_467 : vector<16xf32>
        %broadcast_in_dim3A_469 = arith.constant 32 : i32
        %broadcast_in_dim3A_470 = vector.broadcast %broadcast_in_dim3A_469 : i32 to vector<16xi32>
        %gather3A_471 = tpu.vector_load_idx %arg11[%add3A_272, %broadcast_in_dim3A_470] : memref<256x50xf32, #tpu.memory_space<vmem>>[vector<16xi32>, vector<16xi32>], vector<16xf32>,
        %gather3A_472 = tpu.vector_load_idx %arg12[%add3A_272, %broadcast_in_dim3A_470] : memref<256x50xf32, #tpu.memory_space<vmem>>[vector<16xi32>, vector<16xi32>], vector<16xf32>,
        %mul3A_473 = arith.mulf %gather3A_471, %gather3A_472 : vector<16xf32>
        %add3A_474 = arith.addf %add3A_468, %mul3A_473 : vector<16xf32>
        %broadcast_in_dim3A_475 = arith.constant 33 : i32
        %broadcast_in_dim3A_476 = vector.broadcast %broadcast_in_dim3A_475 : i32 to vector<16xi32>
        %gather3A_477 = tpu.vector_load_idx %arg11[%add3A_272, %broadcast_in_dim3A_476] : memref<256x50xf32, #tpu.memory_space<vmem>>[vector<16xi32>, vector<16xi32>], vector<16xf32>,
        %gather3A_478 = tpu.vector_load_idx %arg12[%add3A_272, %broadcast_in_dim3A_476] : memref<256x50xf32, #tpu.memory_space<vmem>>[vector<16xi32>, vector<16xi32>], vector<16xf32>,
        %mul3A_479 = arith.mulf %gather3A_477, %gather3A_478 : vector<16xf32>
        %add3A_480 = arith.addf %add3A_474, %mul3A_479 : vector<16xf32>
        %broadcast_in_dim3A_481 = arith.constant 34 : i32
        %broadcast_in_dim3A_482 = vector.broadcast %broadcast_in_dim3A_481 : i32 to vector<16xi32>
        %gather3A_483 = tpu.vector_load_idx %arg11[%add3A_272, %broadcast_in_dim3A_482] : memref<256x50xf32, #tpu.memory_space<vmem>>[vector<16xi32>, vector<16xi32>], vector<16xf32>,
        %gather3A_484 = tpu.vector_load_idx %arg12[%add3A_272, %broadcast_in_dim3A_482] : memref<256x50xf32, #tpu.memory_space<vmem>>[vector<16xi32>, vector<16xi32>], vector<16xf32>,
        %mul3A_485 = arith.mulf %gather3A_483, %gather3A_484 : vector<16xf32>
        %add3A_486 = arith.addf %add3A_480, %mul3A_485 : vector<16xf32>
        %broadcast_in_dim3A_487 = arith.constant 35 : i32
        %broadcast_in_dim3A_488 = vector.broadcast %broadcast_in_dim3A_487 : i32 to vector<16xi32>
        %gather3A_489 = tpu.vector_load_idx %arg11[%add3A_272, %broadcast_in_dim3A_488] : memref<256x50xf32, #tpu.memory_space<vmem>>[vector<16xi32>, vector<16xi32>], vector<16xf32>,
        %gather3A_490 = tpu.vector_load_idx %arg12[%add3A_272, %broadcast_in_dim3A_488] : memref<256x50xf32, #tpu.memory_space<vmem>>[vector<16xi32>, vector<16xi32>], vector<16xf32>,
        %mul3A_491 = arith.mulf %gather3A_489, %gather3A_490 : vector<16xf32>
        %add3A_492 = arith.addf %add3A_486, %mul3A_491 : vector<16xf32>
        %broadcast_in_dim3A_493 = arith.constant 36 : i32
        %broadcast_in_dim3A_494 = vector.broadcast %broadcast_in_dim3A_493 : i32 to vector<16xi32>
        %gather3A_495 = tpu.vector_load_idx %arg11[%add3A_272, %broadcast_in_dim3A_494] : memref<256x50xf32, #tpu.memory_space<vmem>>[vector<16xi32>, vector<16xi32>], vector<16xf32>,
        %gather3A_496 = tpu.vector_load_idx %arg12[%add3A_272, %broadcast_in_dim3A_494] : memref<256x50xf32, #tpu.memory_space<vmem>>[vector<16xi32>, vector<16xi32>], vector<16xf32>,
        %mul3A_497 = arith.mulf %gather3A_495, %gather3A_496 : vector<16xf32>
        %add3A_498 = arith.addf %add3A_492, %mul3A_497 : vector<16xf32>
        %broadcast_in_dim3A_499 = arith.constant 37 : i32
        %broadcast_in_dim3A_500 = vector.broadcast %broadcast_in_dim3A_499 : i32 to vector<16xi32>
        %gather3A_501 = tpu.vector_load_idx %arg11[%add3A_272, %broadcast_in_dim3A_500] : memref<256x50xf32, #tpu.memory_space<vmem>>[vector<16xi32>, vector<16xi32>], vector<16xf32>,
        %gather3A_502 = tpu.vector_load_idx %arg12[%add3A_272, %broadcast_in_dim3A_500] : memref<256x50xf32, #tpu.memory_space<vmem>>[vector<16xi32>, vector<16xi32>], vector<16xf32>,
        %mul3A_503 = arith.mulf %gather3A_501, %gather3A_502 : vector<16xf32>
        %add3A_504 = arith.addf %add3A_498, %mul3A_503 : vector<16xf32>
        %broadcast_in_dim3A_505 = arith.constant 38 : i32
        %broadcast_in_dim3A_506 = vector.broadcast %broadcast_in_dim3A_505 : i32 to vector<16xi32>
        %gather3A_507 = tpu.vector_load_idx %arg11[%add3A_272, %broadcast_in_dim3A_506] : memref<256x50xf32, #tpu.memory_space<vmem>>[vector<16xi32>, vector<16xi32>], vector<16xf32>,
        %gather3A_508 = tpu.vector_load_idx %arg12[%add3A_272, %broadcast_in_dim3A_506] : memref<256x50xf32, #tpu.memory_space<vmem>>[vector<16xi32>, vector<16xi32>], vector<16xf32>,
        %mul3A_509 = arith.mulf %gather3A_507, %gather3A_508 : vector<16xf32>
        %add3A_510 = arith.addf %add3A_504, %mul3A_509 : vector<16xf32>
        %broadcast_in_dim3A_511 = arith.constant 39 : i32
        %broadcast_in_dim3A_512 = vector.broadcast %broadcast_in_dim3A_511 : i32 to vector<16xi32>
        %gather3A_513 = tpu.vector_load_idx %arg11[%add3A_272, %broadcast_in_dim3A_512] : memref<256x50xf32, #tpu.memory_space<vmem>>[vector<16xi32>, vector<16xi32>], vector<16xf32>,
        %gather3A_514 = tpu.vector_load_idx %arg12[%add3A_272, %broadcast_in_dim3A_512] : memref<256x50xf32, #tpu.memory_space<vmem>>[vector<16xi32>, vector<16xi32>], vector<16xf32>,
        %mul3A_515 = arith.mulf %gather3A_513, %gather3A_514 : vector<16xf32>
        %add3A_516 = arith.addf %add3A_510, %mul3A_515 : vector<16xf32>
        %broadcast_in_dim3A_517 = arith.constant 40 : i32
        %broadcast_in_dim3A_518 = vector.broadcast %broadcast_in_dim3A_517 : i32 to vector<16xi32>
        %gather3A_519 = tpu.vector_load_idx %arg11[%add3A_272, %broadcast_in_dim3A_518] : memref<256x50xf32, #tpu.memory_space<vmem>>[vector<16xi32>, vector<16xi32>], vector<16xf32>,
        %gather3A_520 = tpu.vector_load_idx %arg12[%add3A_272, %broadcast_in_dim3A_518] : memref<256x50xf32, #tpu.memory_space<vmem>>[vector<16xi32>, vector<16xi32>], vector<16xf32>,
        %mul3A_521 = arith.mulf %gather3A_519, %gather3A_520 : vector<16xf32>
        %add3A_522 = arith.addf %add3A_516, %mul3A_521 : vector<16xf32>
        %broadcast_in_dim3A_523 = arith.constant 41 : i32
        %broadcast_in_dim3A_524 = vector.broadcast %broadcast_in_dim3A_523 : i32 to vector<16xi32>
        %gather3A_525 = tpu.vector_load_idx %arg11[%add3A_272, %broadcast_in_dim3A_524] : memref<256x50xf32, #tpu.memory_space<vmem>>[vector<16xi32>, vector<16xi32>], vector<16xf32>,
        %gather3A_526 = tpu.vector_load_idx %arg12[%add3A_272, %broadcast_in_dim3A_524] : memref<256x50xf32, #tpu.memory_space<vmem>>[vector<16xi32>, vector<16xi32>], vector<16xf32>,
        %mul3A_527 = arith.mulf %gather3A_525, %gather3A_526 : vector<16xf32>
        %add3A_528 = arith.addf %add3A_522, %mul3A_527 : vector<16xf32>
        %broadcast_in_dim3A_529 = arith.constant 42 : i32
        %broadcast_in_dim3A_530 = vector.broadcast %broadcast_in_dim3A_529 : i32 to vector<16xi32>
        %gather3A_531 = tpu.vector_load_idx %arg11[%add3A_272, %broadcast_in_dim3A_530] : memref<256x50xf32, #tpu.memory_space<vmem>>[vector<16xi32>, vector<16xi32>], vector<16xf32>,
        %gather3A_532 = tpu.vector_load_idx %arg12[%add3A_272, %broadcast_in_dim3A_530] : memref<256x50xf32, #tpu.memory_space<vmem>>[vector<16xi32>, vector<16xi32>], vector<16xf32>,
        %mul3A_533 = arith.mulf %gather3A_531, %gather3A_532 : vector<16xf32>
        %add3A_534 = arith.addf %add3A_528, %mul3A_533 : vector<16xf32>
        %broadcast_in_dim3A_535 = arith.constant 43 : i32
        %broadcast_in_dim3A_536 = vector.broadcast %broadcast_in_dim3A_535 : i32 to vector<16xi32>
        %gather3A_537 = tpu.vector_load_idx %arg11[%add3A_272, %broadcast_in_dim3A_536] : memref<256x50xf32, #tpu.memory_space<vmem>>[vector<16xi32>, vector<16xi32>], vector<16xf32>,
        %gather3A_538 = tpu.vector_load_idx %arg12[%add3A_272, %broadcast_in_dim3A_536] : memref<256x50xf32, #tpu.memory_space<vmem>>[vector<16xi32>, vector<16xi32>], vector<16xf32>,
        %mul3A_539 = arith.mulf %gather3A_537, %gather3A_538 : vector<16xf32>
        %add3A_540 = arith.addf %add3A_534, %mul3A_539 : vector<16xf32>
        %broadcast_in_dim3A_541 = arith.constant 44 : i32
        %broadcast_in_dim3A_542 = vector.broadcast %broadcast_in_dim3A_541 : i32 to vector<16xi32>
        %gather3A_543 = tpu.vector_load_idx %arg11[%add3A_272, %broadcast_in_dim3A_542] : memref<256x50xf32, #tpu.memory_space<vmem>>[vector<16xi32>, vector<16xi32>], vector<16xf32>,
        %gather3A_544 = tpu.vector_load_idx %arg12[%add3A_272, %broadcast_in_dim3A_542] : memref<256x50xf32, #tpu.memory_space<vmem>>[vector<16xi32>, vector<16xi32>], vector<16xf32>,
        %mul3A_545 = arith.mulf %gather3A_543, %gather3A_544 : vector<16xf32>
        %add3A_546 = arith.addf %add3A_540, %mul3A_545 : vector<16xf32>
        %broadcast_in_dim3A_547 = arith.constant 45 : i32
        %broadcast_in_dim3A_548 = vector.broadcast %broadcast_in_dim3A_547 : i32 to vector<16xi32>
        %gather3A_549 = tpu.vector_load_idx %arg11[%add3A_272, %broadcast_in_dim3A_548] : memref<256x50xf32, #tpu.memory_space<vmem>>[vector<16xi32>, vector<16xi32>], vector<16xf32>,
        %gather3A_550 = tpu.vector_load_idx %arg12[%add3A_272, %broadcast_in_dim3A_548] : memref<256x50xf32, #tpu.memory_space<vmem>>[vector<16xi32>, vector<16xi32>], vector<16xf32>,
        %mul3A_551 = arith.mulf %gather3A_549, %gather3A_550 : vector<16xf32>
        %add3A_552 = arith.addf %add3A_546, %mul3A_551 : vector<16xf32>
        %broadcast_in_dim3A_553 = arith.constant 46 : i32
        %broadcast_in_dim3A_554 = vector.broadcast %broadcast_in_dim3A_553 : i32 to vector<16xi32>
        %gather3A_555 = tpu.vector_load_idx %arg11[%add3A_272, %broadcast_in_dim3A_554] : memref<256x50xf32, #tpu.memory_space<vmem>>[vector<16xi32>, vector<16xi32>], vector<16xf32>,
        %gather3A_556 = tpu.vector_load_idx %arg12[%add3A_272, %broadcast_in_dim3A_554] : memref<256x50xf32, #tpu.memory_space<vmem>>[vector<16xi32>, vector<16xi32>], vector<16xf32>,
        %mul3A_557 = arith.mulf %gather3A_555, %gather3A_556 : vector<16xf32>
        %add3A_558 = arith.addf %add3A_552, %mul3A_557 : vector<16xf32>
        %broadcast_in_dim3A_559 = arith.constant 47 : i32
        %broadcast_in_dim3A_560 = vector.broadcast %broadcast_in_dim3A_559 : i32 to vector<16xi32>
        %gather3A_561 = tpu.vector_load_idx %arg11[%add3A_272, %broadcast_in_dim3A_560] : memref<256x50xf32, #tpu.memory_space<vmem>>[vector<16xi32>, vector<16xi32>], vector<16xf32>,
        %gather3A_562 = tpu.vector_load_idx %arg12[%add3A_272, %broadcast_in_dim3A_560] : memref<256x50xf32, #tpu.memory_space<vmem>>[vector<16xi32>, vector<16xi32>], vector<16xf32>,
        %mul3A_563 = arith.mulf %gather3A_561, %gather3A_562 : vector<16xf32>
        %add3A_564 = arith.addf %add3A_558, %mul3A_563 : vector<16xf32>
        %broadcast_in_dim3A_565 = arith.constant 48 : i32
        %broadcast_in_dim3A_566 = vector.broadcast %broadcast_in_dim3A_565 : i32 to vector<16xi32>
        %gather3A_567 = tpu.vector_load_idx %arg11[%add3A_272, %broadcast_in_dim3A_566] : memref<256x50xf32, #tpu.memory_space<vmem>>[vector<16xi32>, vector<16xi32>], vector<16xf32>,
        %gather3A_568 = tpu.vector_load_idx %arg12[%add3A_272, %broadcast_in_dim3A_566] : memref<256x50xf32, #tpu.memory_space<vmem>>[vector<16xi32>, vector<16xi32>], vector<16xf32>,
        %mul3A_569 = arith.mulf %gather3A_567, %gather3A_568 : vector<16xf32>
        %add3A_570 = arith.addf %add3A_564, %mul3A_569 : vector<16xf32>
        %broadcast_in_dim3A_571 = arith.constant 49 : i32
        %broadcast_in_dim3A_572 = vector.broadcast %broadcast_in_dim3A_571 : i32 to vector<16xi32>
        %gather3A_573 = tpu.vector_load_idx %arg11[%add3A_272, %broadcast_in_dim3A_572] : memref<256x50xf32, #tpu.memory_space<vmem>>[vector<16xi32>, vector<16xi32>], vector<16xf32>,
        %gather3A_574 = tpu.vector_load_idx %arg12[%add3A_272, %broadcast_in_dim3A_572] : memref<256x50xf32, #tpu.memory_space<vmem>>[vector<16xi32>, vector<16xi32>], vector<16xf32>,
        %mul3A_575 = arith.mulf %gather3A_573, %gather3A_574 : vector<16xf32>
        %add3A_576 = arith.addf %add3A_570, %mul3A_575 : vector<16xf32>
        %add3A_577 = arith.addi %mul3A_159, %mul3A_270 : i32
        %swap3A = arith.index_cast %add3A_577 : i32 to index
        %swap3A_578 = tpu.vector_load %arg15[%swap3A] {strides = array<i32>} : memref<512xf32, #tpu.memory_space<vmem>>, vector<16xf32>,
        tpu.vector_store %arg15[%swap3A], %add3A_576 {strides = array<i32>} : memref<512xf32, #tpu.memory_space<vmem>>, vector<16xf32>,
      }
      %scan3A_267 = arith.constant 16 : i32
    }
    %scan3A_156 = arith.constant 2 : i32
    "tpu.region"() ({
      %run_scoped3A_157 = tpu.sem_alloc : memref<!tpu.dma_semaphore, #tpu.memory_space<semaphore_mem>>
      %dma_start3A_158 = tpu.memref_slice %arg8[%mul3A_2] : memref<16384xf32, #tpu.memory_space<hbm>> -> memref<512xf32, #tpu.memory_space<hbm>>
      %dma_start3A_159 = tpu.memref_slice %arg8[%mul3A_2] : memref<16384xf32, #tpu.memory_space<hbm>> -> memref<512xf32, #tpu.memory_space<hbm>>
      tpu.enqueue_dma source(%arg15 : memref<512xf32, #tpu.memory_space<vmem>>) target(%dma_start3A_159 : memref<512xf32, #tpu.memory_space<hbm>>) target_semaphore(%run_scoped3A_157 : memref<!tpu.dma_semaphore, #tpu.memory_space<semaphore_mem>>)
      %dma_wait3A_160 = tpu.memref_slice %arg8[%mul3A_2] : memref<16384xf32, #tpu.memory_space<hbm>> -> memref<512xf32, #tpu.memory_space<hbm>>
      %dma_wait3A_161 = tpu.memref_slice %arg8[%mul3A_2] : memref<16384xf32, #tpu.memory_space<hbm>> -> memref<512xf32, #tpu.memory_space<hbm>>
      tpu.wait_dma2 semaphore(%run_scoped3A_157 : memref<!tpu.dma_semaphore, #tpu.memory_space<semaphore_mem>>) src(%arg15 : memref<512xf32, #tpu.memory_space<vmem>>) dst(%dma_wait3A_161 : memref<512xf32, #tpu.memory_space<hbm>>)
      tpu.yield
    }) : () -> ()
    return
  }
}

</mosaic_0001>

<sc_bundles>
// kernel: kernel.3.cloned.1.call-start
scs
__scs_entry_jumppad:
0x0: {  	(pc) =	sbr.rel $0x88, $3  }
0x1: {  	(tag) =	ssettag $0x0;
	lr =	simm.s32 $0x1  }
0x2: {  	[smem:$0x3F9C] =	sst lr;
	_ =	strace $0xD0000000  }
0x3: {  	_ = 	snop  }
0x4: {  	_ = 	snop  }
0x5: {  	_ = 	snop  }
0x6: {  	_ = 	snop  }
0x7: {  	_ = 	snop  }
__scs_overlays_trampoline_lowered:
0x8: {  	[smem:$0x3FAB] =	sst s0  }
0x9: {  	[smem:$0x3FAC] =	sst s1  }
0xa: {  	[smem:$0x3FAD] =	sst s2  }
0xb: {  	[smem:$0x3FAE] =	sst s3  }
0xc: {  	[smem:$0x3FAF] =	sst s4  }
0xd: {  	[smem:$0x3FB0] =	sst s5  }
0xe: {  	[smem:$0x3FB1] =	sst s6  }
0xf: {  	[smem:$0x3FB2] =	sst s7  }
0x10: {  	[smem:$0x3FB3] =	sst s8  }
0x11: {  	[smem:$0x3FB4] =	sst s9;
	s0 =	simm.s32 @!p0 $0x0  }
0x12: {  	s1 =	sld [smem:$0x3F9A];
	s0 =	simm.s32 @p0 $0x1  }
0x13: {  	[smem:$0x3FB5] =	sst s0;
	s0 =	simm.s32 @!p1 $0x0  }
0x14: {  	s2 =	sld [smem:$0x3F99];
	s0 =	simm.s32 @p1 $0x1  }
0x15: {  	[smem:$0x3FB6] =	sst s0;
	s0 =	simm.s32 @!p2 $0x0  }
0x16: {  	s3 =	sld [smem:$0x3FDB];
	s0 =	simm.s32 @p2 $0x1  }
0x17: {  	s4 =	simm.s32 $0x1BF5;
	[smem:$0x3FB8] =	sst s0  }
0x18: {  	s0 =	sld [smem:$0x3F9B];
	_ =	swait.ge [sflag:s4], $0x0  }
0x19: {  	s7 =	sld [smem:$0x3F9C]  }
0x1a: {  	s8 =	sadd.s32 $0xFFFFE003, lr  }
0x1b: {  	s9 =	sadd.s32 $0xFFFFFEF7, lr;
	s5 =	simm.s32 $0xFFFFFFFF;
	p2 =	slt.u32 s8, $0xFFFFF086  }
0x1c: {  	p1 =	slt.u32 s9, $0xF7A;
	s5 =	simm.s32 @!p2 $0x0  }
0x1d: {  	s5 =	simm.s32 @p1 $0x1;
	p0 =	seq.s32 s7, s2  }
0x1e: {  	s7 =	smul.u32 @!p0 $0xF7A, s2;
	p2 =	seq.s32 @!p0 s5, $0x0  }
0x1f: {  	s9 =	smul.u32 $0xF7A, s1;
	s8 =	simm.s32 @!p0 $0x1BF5;
	p2 =	por !p2, p0  }
0x20: {  	[sflag:s8] =	ssyncset.s32 @!p0 $0xFFFFF086;
	s6 =	sadd.s32 @!p0 s3, s7;
	s7 =	simm.s32 @!p0 $0x108  }
0x21: {  	s3 =	sadd.s32 s3, s9;
	s6 =	sadd.s32 @!p0 $0x88, s6;
	s7 =	simm.s32 @p2 $0x1082  }
0x22: {  	[simem:s7], [sflag:s8] =	dma.local @!p0 [hbm:s6], $0xF7A  }
0x23: {  	s9 =	sor.u32 $0xD0000000, s2;
	s6 =	simm.s32 $0x108;
	_ =	swait.ge @!p0 [sflag:s8], $0x0  }
0x24: {  	s3 =	sadd.s32 $0x88, s3;
	s6 =	simm.s32 @!p1 $0x1082;
	[sflag:s4] =	ssyncset.s32 $0xFFFFF086  }
0x25: {  	[simem:s6], [sflag:s4] =	dma.local [hbm:s3], $0xF7A  }
0x26: {  	[smem:$0x3F9C] =	sst s1;
	(tag) =	ssettag s2;
	_ =	strace s9  }
0x27: {  	s1 =	sld [smem:$0x3FAC]  }
0x28: {  	s2 =	sld [smem:$0x3FAD]  }
0x29: {  	s4 =	sld [smem:$0x3FAF]  }
0x2a: {  	p0 =	seq.s32 s5, $0x0;
	s5 =	sld [smem:$0x3FB0]  }
0x2b: {  	s6 =	sld [smem:$0x3FB1]  }
0x2c: {  	s7 =	sld [smem:$0x3FB2]  }
0x2d: {  	s3 =	simm.s32 $0x108;
	s8 =	sld [smem:$0x3FB3]  }
0x2e: {  	s3 =	simm.s32 @!p0 $0x1082;
	s9 =	sld [smem:$0x3FB4]  }
0x2f: {  	lr =	sadd.s32 s0, s3;
	s0 =	sld [smem:$0x3FAB]  }
0x30: {  	s3 =	sld [smem:$0x3FAE]  }
0x31: {  	[smem:$0x3FB7] =	sst s10  }
0x32: {  	s10 =	sld [smem:$0x3FB5];
	_ =	sdelay $0x3  }
0x33: {  	p0 =	seq.s32 s10, $0x1;
	s10 =	sld [smem:$0x3FB7];
	_ =	sdelay $0x3  }
0x34: {  	[smem:$0x3FB7] =	sst s10  }
0x35: {  	s10 =	sld [smem:$0x3FB6];
	_ =	sdelay $0x3  }
0x36: {  	p1 =	seq.s32 s10, $0x1;
	s10 =	sld [smem:$0x3FB7];
	_ =	sdelay $0x3  }
0x37: {  	[smem:$0x3FB7] =	sst s10  }
0x38: {  	s10 =	sld [smem:$0x3FB8]  }
0x39: {  	_ = 	snop;
	(pc) =	sbr.ind lr, $3  }
0x3a: {  	_ = 	snop  }
0x3b: {  	_ = 	snop  }
0x3c: {  	p2 =	seq.s32 s10, $0x1;
	s10 =	sld [smem:$0x3FB7]  }
0x3d: {  	_ =	shalt  }
0x3e: {  	_ =	shalt  }
0x3f: {  	_ =	shalt  }
0x40: {  	_ =	shalt  }
0x41: {  	_ =	shalt  }
0x42: {  	_ =	shalt  }
0x43: {  	_ =	shalt  }
0x44: {  	_ =	shalt  }
0x45: {  	_ =	shalt  }
0x46: {  	_ =	shalt  }
0x47: {  	_ =	shalt  }
0x48: {  	_ =	shalt  }
0x49: {  	_ =	shalt  }
0x4a: {  	_ =	shalt  }
0x4b: {  	_ =	shalt  }
0x4c: {  	_ =	shalt  }
0x4d: {  	_ =	shalt  }
0x4e: {  	_ =	shalt  }
0x4f: {  	_ =	shalt  }
0x50: {  	_ =	shalt  }
0x51: {  	_ =	shalt  }
0x52: {  	_ =	shalt  }
0x53: {  	_ =	shalt  }
0x54: {  	_ =	shalt  }
0x55: {  	_ =	shalt  }
0x56: {  	_ =	shalt  }
0x57: {  	_ =	shalt  }
0x58: {  	_ =	shalt  }
0x59: {  	_ =	shalt  }
0x5a: {  	_ =	shalt  }
0x5b: {  	_ =	shalt  }
0x5c: {  	_ =	shalt  }
0x5d: {  	_ =	shalt  }
0x5e: {  	_ =	shalt  }
0x5f: {  	_ =	shalt  }
0x60: {  	_ =	shalt  }
0x61: {  	_ =	shalt  }
0x62: {  	_ =	shalt  }
0x63: {  	_ =	shalt  }
0x64: {  	_ =	shalt  }
0x65: {  	_ =	shalt  }
0x66: {  	_ =	shalt  }
0x67: {  	_ =	shalt  }
0x68: {  	_ =	shalt  }
0x69: {  	_ =	shalt  }
0x6a: {  	_ =	shalt  }
0x6b: {  	_ =	shalt  }
0x6c: {  	_ =	shalt  }
0x6d: {  	_ =	shalt  }
0x6e: {  	_ =	shalt  }
0x6f: {  	_ =	shalt  }
0x70: {  	_ =	shalt  }
0x71: {  	_ =	shalt  }
0x72: {  	_ =	shalt  }
0x73: {  	_ =	shalt  }
0x74: {  	_ =	shalt  }
0x75: {  	_ =	shalt  }
0x76: {  	_ =	shalt  }
0x77: {  	_ =	shalt  }
0x78: {  	_ =	shalt  }
0x79: {  	_ =	shalt  }
0x7a: {  	_ =	shalt  }
0x7b: {  	_ =	shalt  }
0x7c: {  	_ =	shalt  }
0x7d: {  	_ =	shalt  }
0x7e: {  	_ =	shalt  }
0x7f: {  	_ =	shalt  }
0x80: {  	_ =	shalt  }
0x81: {  	_ =	shalt  }
0x82: {  	_ =	shalt  }
0x83: {  	_ =	shalt  }
0x84: {  	_ =	shalt  }
0x85: {  	_ =	shalt  }
0x86: {  	_ =	shalt  }
0x87: {  	_ =	shalt  }
.Lfunc_end0:
.L_simem_size_0:
called_computation_lowered:
.L_overlay_start_0:
0x88: {  	s2 =	sld [smem:$0x3FD9]  }
0x89: {  	s3 =	sld [smem:$0x3FFE];
	_ =	sdelay $0x1  }
0x8a: {  	s1 =	srdreg.scid  }
0x8b: {  	s0 =	sand.u32 $0x1, s1  }
0x8c: {  	s17 =	sshll.u32 s0, $0xA;
	s2 =	sadd.s32 s3, s2  }
0x8d: {  	s2 =	sadd.s32 s2, s17  }
0x8e: {  	[smem:$0x3FC3] =	sst s2  }
0x8f: {  	_ = 	snop  }
0x90: {  	s2 =	sld [smem:$0x3FD0];
	(tm) =	ssettm $0x1  }
0x91: {  	s18 =	sld [smem:$0x3FFB];
	_ =	sdelay $0x3  }
0x92: {  	_ =	strace s18  }
0x93: {  	s3 =	sld [smem:$0x3FFC];
	_ =	sdelay $0x3  }
0x94: {  	_ =	strace s3  }
0x95: {  	s3 =	sld [smem:$0x3FFD];
	_ =	sdelay $0x3  }
0x96: {  	_ =	strace s3  }
0x97: {  	_ =	strace $0x8FFFFFFF  }
0x98: {  	s19 =	sld [smem:$0x3FDB];
	_ =	sdelay $0x1  }
0x99: {  	s4 =	simm.s32 $_scs_section_size  }
0x9a: {  	s5 =	simm.s32 $_size__tile_overlayer_lowered;
	s6 =	simm.s32 $_tile_overlayer_lowered  }
0x9b: {  	s22 =	simm.s32 $0x1BFF;
	s21 =	sshll.u32 s6, $0x1;
	s3 =	sadd.s32 s4, s19  }
0x9c: {  	s7 =	simm.s32 $0x0;
	s20 =	sshll.u32 s5, $0x1;
	s5 =	sadd.s32 s21, s3  }
0x9d: {  	[timem:s7], [sflag:s22] =	dma.local [hbm:s5], s20  }
0x9e: {  	_ =	swait.ge [sflag:s22], s20  }
0x9f: {  	s4 =	ssub.s32 $0x0, s20;
	[sflag:s22] =	ssyncset.done $0x0  }
0xa0: {  	[sflag:s22] =	ssyncadd.s32 s4;
	_ =	sdelay $0x1  }
0xa1: {  	s23 =	simm.s32 $0x1B8B  }
0xa2: {  	_ =	swait.ge [sflag:s23], $0x1  }
0xa3: {  	[sflag:s23] =	ssyncset.done $0x0  }
0xa4: {  	s25 =	simm.s32 $0x1B8E;
	s24 =	sld [smem:$0x3FFE];
	[sflag:s23] =	ssyncadd.s32 $0xFFFFFFFF  }
0xa5: {  	s26 =	simm.s32 $execute0_lowered;
	[smem:$0x3FD2] =	sst s25  }
0xa6: {  	s5 =	sshll.u32 s26, $0x1;
	_ =	strace $0x80000046;
	[dreg:$0x1] =	wrdreg $0xFFFFFFFF  }
0xa7: {  	s28 =	simm.s32 $_size_execute0_lowered;
	s3 =	sadd.s32 s3, s5;
	[dreg:$0x0] =	wrdreg $0x0  }
0xa8: {  	s5 =	sshll.u32 s28, $0x1;
	[dreg:$0x2] =	wrdreg s3  }
0xa9: {  	[dreg:$0x3] =	wrdreg s5  }
0xaa: {  	[dreg:$0x4] =	wrdreg $0xC0  }
0xab: {  	_ =	task [dreg:s7], $0x5FFFF  }
0xac: {  	[dreg:$0x1] =	wrdreg $0xFFFFFFFF  }
0xad: {  	[dreg:$0x0] =	wrdreg $0x60  }
0xae: {  	[dreg:$0x2] =	wrdreg s24  }
0xaf: {  	[dreg:$0x3] =	wrdreg s2  }
0xb0: {  	[dreg:$0x4] =	wrdreg $0x9  }
0xb1: {  	_ =	task.clear_ibuf [dreg:s7], $0x5FFFF;
	_ =	strace $0x90000046  }
0xb2: {  	s29 =	simm.s32 $0x9;
	_ =	strace $0x80000048  }
0xb3: {  	_ =	swait.ge [sflag:s29], $0x1  }
0xb4: {  	[sflag:s29] =	ssyncadd.s32 $0xFFFFFFFF  }
0xb5: {  	_ =	strace $0x90000048  }
0xb6: {  	_ =	sfence  }
0xb7: {  	s30 =	sld [smem:$0x0];
	_ =	sdelay $0x2  }
0xb8: {  	s31 =	sshll.u32 s1, $0xD;
	s1 =	sshrl.u32 s1, $0x2  }
0xb9: {  	s3 =	sand.u32 $0x4000, s31;
	s1 =	sadd.s32 s1, s30  }
0xba: {  	s0 =	sor.u32 s3, s0;
	s1 =	sshll.u32 s1, $0x11  }
0xbb: {  	s0 =	sor.u32 s1, s0  }
0xbc: {  	s0 =	sadd.s32 $0x8F2B, s0  }
0xbd: {  	[sflag:s0] =	ssyncadd.remote.s32 $0x1  }
0xbe: {  	_ =	sfence.sel $0xFFFF  }
0xbf: {  	[dreg:$0x0] =	wrdreg $0xFFFFFFFF;
	(pc) =	sbr.abs _section_cstart, $3  }
0xc0: {  	[dreg:$0x1] =	wrdreg $0xFFFFFFFF  }
0xc1: {  	_ =	task.clear_ibuf [dreg:s7], $0x2FFFF;
	_ =	strace $0x9FFFFFFF  }
0xc2: {  	(tm) =	ssettm $0x7FFFFFFF  }
0xc3: {  	_ =	shalt  }
tec
execute0_lowered:
.L_overlay_start_1:
0x0: {  	(tag) =	ssettag $0x1  }
0x1: {  	s0 =	rddreg [dreg:$0x0]  }
0x2: {  	s1 =	rddreg [dreg:$0x1];
	s12 =	simm.s32 $0x0;
	s3 =	srdreg.scid  }
0x3: {  	s6 =	stileid.u32;
	[smem:$0x7FF] =	sst s12;
	s2 =	sadd.s32 $0x800, s0  }
0x4: {  	s3 =	sand.u32 $0x1, s3;
	s4 =	sadd.s32 $0x1000, s0;
	s6 =	sshll.u32 s6, $0x7  }
0x5: {  	s7 =	sadd.s32 $0x1FA00, s0;
	s20 =	ssub.s32 $0x2, s3;
	s3 =	sshll.u32 s3, $0x6  }
0x6: {  	_ =	strace $0x80000047;
	[dreg:$0xe] =	wrdreg s4;
	s3 =	sor.u32 s3, s6  }
0x7: {  	s28 =	simm.s32 $0x0;
	[dreg:$0xf] =	wrdreg s7;
	s21 =	sadd.s32 s2, s3  }
0x8: {  	s5 =	sshrl.u32 s20, $0x1;
	s22 =	sadd.s32 s0, s3;
	[dreg:$0x10] =	wrdreg s21  }
0x9: {  	s23 =	sor.u32 $0x10, s3;
	s30 =	sadd.s32 s1, s3;
	[dreg:$0x11] =	wrdreg s22  }
0xa: {  	s4 =	ssub.s32 s20, s5;
	s24 =	sadd.s32 s2, s23;
	[dreg:$0x18] =	wrdreg s30  }
0xb: {  	s25 =	sor.u32 $0x20, s3;
	s5 =	sadd.s32 s0, s23;
	[dreg:$0x12] =	wrdreg s24  }
0xc: {  	s29 =	sor.u32 $0x30, s3;
	s26 =	sadd.s32 s2, s25;
	[dreg:$0x13] =	wrdreg s5  }
0xd: {  	s16 =	sadd.s32 $0x3E400, s0;
	s2 =	sadd.s32 s2, s29;
	[dreg:$0x14] =	wrdreg s26  }
0xe: {  	s17 =	sadd.s32 $0xF80800, s0;
	s31 =	smax.u32 s4, $0x1;
	[dreg:$0x16] =	wrdreg s2  }
0xf: {  	s1 =	simm.s32 $0xA;
	s5 =	sadd.s32 s0, s25;
	[dreg:$0x19] =	wrdreg s31  }
0x10: {  	v0 =	vlaneseq.u32;
	s20 =	simm.s32 $0x400;
	s0 =	sadd.s32 s0, s29;
	[dreg:$0x15] =	wrdreg s5  }
0x11: {  	v0 =	vmul.u32 $0x80, v0;
	s21 =	simm.s32 $0x8400;
	s2 =	simm.s32 $0x0;
	[dreg:$0x17] =	wrdreg s0  }
.LBB2_1:
0x12: {  	[dreg:$0x1a] =	wrdreg s2  }
0x13: {  	s0 =	rddreg [dreg:$0x10]  }
0x14: {  	[tilespmem:s12], [sflag:$0xA] =	stream.linear.gather [hbm4b:s0+s12], $0x80, $0x38;
	[tilespmem:$0x10A00] =	vst v63  }
0x15: {  	_ =	swait.ge [sflag:s1], $0x80  }
0x16: {  	[sflag:s1] =	ssyncset.done $0x0  }
0x17: {  	s31 =	simm.s32 $0x200;
	s30 =	rddreg [dreg:$0x11];
	[sflag:s1] =	ssyncadd.s32 $0xFFFFFF80  }
0x18: {  	[tilespmem:s31], [sflag:$0xA] =	stream.linear.gather [hbm4b:s30+s12], $0x80, $0x38;
	[tilespmem:$0x10A00] =	vst v63  }
0x19: {  	_ =	swait.ge [sflag:s1], $0x80  }
0x1a: {  	[sflag:s1] =	ssyncset.done $0x0  }
0x1b: {  	s3 =	simm.s32 $0x80;
	s9 =	rddreg [dreg:$0x12];
	[sflag:s1] =	ssyncadd.s32 $0xFFFFFF80  }
0x1c: {  	[tilespmem:s3], [sflag:$0xA] =	stream.linear.gather [hbm4b:s9+s12], $0x80, $0x38;
	[tilespmem:$0x10A00] =	vst v63  }
0x1d: {  	_ =	swait.ge [sflag:s1], $0x80  }
0x1e: {  	[sflag:s1] =	ssyncset.done $0x0  }
0x1f: {  	s4 =	simm.s32 $0x280;
	s10 =	rddreg [dreg:$0x13];
	[sflag:s1] =	ssyncadd.s32 $0xFFFFFF80  }
0x20: {  	[tilespmem:s4], [sflag:$0xA] =	stream.linear.gather [hbm4b:s10+s12], $0x80, $0x38;
	[tilespmem:$0x10A00] =	vst v63  }
0x21: {  	_ =	swait.ge [sflag:s1], $0x80  }
0x22: {  	[sflag:s1] =	ssyncset.done $0x0  }
0x23: {  	s5 =	simm.s32 $0x100;
	s11 =	rddreg [dreg:$0x14];
	[sflag:s1] =	ssyncadd.s32 $0xFFFFFF80  }
0x24: {  	[tilespmem:s5], [sflag:$0xA] =	stream.linear.gather [hbm4b:s11+s12], $0x80, $0x38;
	[tilespmem:$0x10A00] =	vst v63  }
0x25: {  	_ =	swait.ge [sflag:s1], $0x80  }
0x26: {  	[sflag:s1] =	ssyncset.done $0x0  }
0x27: {  	s6 =	simm.s32 $0x300;
	s13 =	rddreg [dreg:$0x15];
	[sflag:s1] =	ssyncadd.s32 $0xFFFFFF80  }
0x28: {  	[tilespmem:s6], [sflag:$0xA] =	stream.linear.gather [hbm4b:s13+s12], $0x80, $0x38;
	[tilespmem:$0x10A00] =	vst v63  }
0x29: {  	_ =	swait.ge [sflag:s1], $0x80  }
0x2a: {  	[sflag:s1] =	ssyncset.done $0x0  }
0x2b: {  	s7 =	simm.s32 $0x180;
	s14 =	rddreg [dreg:$0x16];
	[sflag:s1] =	ssyncadd.s32 $0xFFFFFF80  }
0x2c: {  	[tilespmem:s7], [sflag:$0xA] =	stream.linear.gather [hbm4b:s14+s12], $0x80, $0x38;
	[tilespmem:$0x10A00] =	vst v63  }
0x2d: {  	_ =	swait.ge [sflag:s1], $0x80  }
0x2e: {  	[sflag:s1] =	ssyncset.done $0x0  }
0x2f: {  	s8 =	simm.s32 $0x380;
	s15 =	rddreg [dreg:$0x17];
	[sflag:s1] =	ssyncadd.s32 $0xFFFFFF80  }
0x30: {  	[tilespmem:s8], [sflag:$0xA] =	stream.linear.gather [hbm4b:s15+s12], $0x80, $0x38;
	[tilespmem:$0x10A00] =	vst v63  }
0x31: {  	_ =	swait.ge [sflag:s1], $0x80  }
0x32: {  	[sflag:s1] =	ssyncset.done $0x0  }
0x33: {  	s19 =	simm.s32 $0x10400;
	s18 =	rddreg [dreg:$0xe];
	[sflag:s1] =	ssyncadd.s32 $0xFFFFFF80  }
0x34: {  	[tilespmem:s19], [sflag:$0x1] =	stream.indirect.gather [hbm4b:s18+s3], $0x1, s12, s3, $0xb8;
	[tilespmem:$0x10A00] =	vst v63  }
0x35: {  	s9 =	simm.s32 $0x10600;
	s22 =	rddreg [dreg:$0xf]  }
0x36: {  	[tilespmem:s9], [sflag:$0x1] =	stream.indirect.gather [hbm4b:s22+s3], $0x1, s31, s3, $0xb8;
	[tilespmem:$0x10A00] =	vst v63  }
0x37: {  	s23 =	simm.s32 $0x10480  }
0x38: {  	[tilespmem:s23], [sflag:$0x1] =	stream.indirect.gather [hbm4b:s18+s3], $0x1, s3, s3, $0xb8;
	[tilespmem:$0x10A00] =	vst v63  }
0x39: {  	s24 =	simm.s32 $0x10680  }
0x3a: {  	[tilespmem:s24], [sflag:$0x1] =	stream.indirect.gather [hbm4b:s22+s3], $0x1, s4, s3, $0xb8;
	[tilespmem:$0x10A00] =	vst v63  }
0x3b: {  	s25 =	simm.s32 $0x10500  }
0x3c: {  	[tilespmem:s25], [sflag:$0x1] =	stream.indirect.gather [hbm4b:s18+s3], $0x1, s5, s3, $0xb8;
	[tilespmem:$0x10A00] =	vst v63  }
0x3d: {  	s26 =	simm.s32 $0x10700  }
0x3e: {  	[tilespmem:s26], [sflag:$0x1] =	stream.indirect.gather [hbm4b:s22+s3], $0x1, s6, s3, $0xb8;
	[tilespmem:$0x10A00] =	vst v63  }
0x3f: {  	s29 =	simm.s32 $0x10580  }
0x40: {  	[tilespmem:s29], [sflag:$0x1] =	stream.indirect.gather [hbm4b:s18+s3], $0x1, s7, s3, $0xb8;
	[tilespmem:$0x10A00] =	vst v63  }
0x41: {  	s30 =	simm.s32 $0x10780;
	s31 =	simm.s32 $0x1  }
0x42: {  	[tilespmem:s30], [sflag:$0x1] =	stream.indirect.gather [hbm4b:s22+s3], $0x1, s8, s3, $0xb8;
	[tilespmem:$0x10A00] =	vst v63  }
0x43: {  	_ =	swait.ge [sflag:s31], $0x80  }
0x44: {  	[sflag:s31] =	ssyncset.done $0x0  }
0x45: {  	[sflag:s31] =	ssyncadd.s32 $0xFFFFFF80  }
0x46: {  	_ =	swait.ge [sflag:s31], $0x80  }
0x47: {  	[sflag:s31] =	ssyncset.done $0x0  }
0x48: {  	[sflag:s31] =	ssyncadd.s32 $0xFFFFFF80  }
0x49: {  	_ =	swait.ge [sflag:s31], $0x80  }
0x4a: {  	[sflag:s31] =	ssyncset.done $0x0  }
0x4b: {  	[sflag:s31] =	ssyncadd.s32 $0xFFFFFF80  }
0x4c: {  	_ =	swait.ge [sflag:s31], $0x80  }
0x4d: {  	[sflag:s31] =	ssyncset.done $0x0  }
0x4e: {  	[sflag:s31] =	ssyncadd.s32 $0xFFFFFF80  }
0x4f: {  	_ =	swait.ge [sflag:s31], $0x80  }
0x50: {  	[sflag:s31] =	ssyncset.done $0x0  }
0x51: {  	[sflag:s31] =	ssyncadd.s32 $0xFFFFFF80  }
0x52: {  	_ =	swait.ge [sflag:s31], $0x80  }
0x53: {  	[sflag:s31] =	ssyncset.done $0x0  }
0x54: {  	[sflag:s31] =	ssyncadd.s32 $0xFFFFFF80  }
0x55: {  	_ =	swait.ge [sflag:s31], $0x80  }
0x56: {  	[sflag:s31] =	ssyncset.done $0x0  }
0x57: {  	[sflag:s31] =	ssyncadd.s32 $0xFFFFFF80  }
0x58: {  	_ =	swait.ge [sflag:s31], $0x80  }
0x59: {  	[sflag:s31] =	ssyncset.done $0x0  }
0x5a: {  	p1 =	por $0x1, $0x1;
	s0 =	simm.s32 $0x0;
	[sflag:s31] =	ssyncadd.s32 $0xFFFFFF80  }
.LBB2_2:
0x5b: {  	s0 =	sshll.u32 s0, $0x2  }
0x5c: {  	s13 =	sshra.s32 s0, $0x2  }
0x5d: {  	s2 =	sadd.s32 $0x200, s13;
	v1 =	vld [tilespmem:s13+$0x0]  }
0x5e: {  	v3 =	vld [tilespmem:s2+$0x0];
	_ =	sdelay $0x3  }
0x5f: {  	v2 =	vshll.u32 v1, $0x4  }
0x60: {  	v1 =	vshll.u32 v3, $0x4;
	(v2sf) =	vpush v2, $0x0  }
0x61: {  	(v2sf) =	vpush v1, $0x0  }
0x62: {  	(v2sf) =	vpush v2, $0x1;
	_ =	sdelay $0x1  }
0x63: {  	(v2sf) =	vpush v1, $0x1;
	_ =	sdelay $0x1  }
0x64: {  	(v2sf) =	vpush v2, $0x2;
	_ =	sdelay $0x1  }
0x65: {  	(v2sf) =	vpush v1, $0x2;
	_ =	sdelay $0x1  }
0x66: {  	(v2sf) =	vpush v2, $0x3  }
0x67: {  	s24 =	simm.s32 $0x2000;
	s7 =	simm.s32 $0x0;
	s4 =	simm.s32 $0x8400  }
0x68: {  	s1 =	simm.s32 $0x680;
	s5 =	simm.s32 $0x400;
	s8 =	simm.s32 $0x600  }
0x69: {  	s18 =	simm.s32 $0x480;
	s22 =	simm.s32 $0x8480;
	s26 =	simm.s32 $0x500  }
0x6a: {  	s29 =	simm.s32 $0x8A00;
	s30 =	simm.s32 $0xA80;
	p0 =	por p1, p1;
	(v2sf) =	vpush v1, $0x3  }
0x6b: {  	s0 =	simm.s32 $0x880;
	[dreg:$0x1b] =	wrdreg s13;
	s3 =	spop (v2sf)  }
0x6c: {  	(v2sf) =	vpush v2, $0x4;
	s6 =	sand.u32 $0x1FFFFFF0, s3;
	s9 =	spop (v2sf);
	s3 =	simm.s32 $0x8900  }
0x6d: {  	(v2sf) =	vpush v1, $0x4;
	s6 =	sadd.s32 s16, s6;
	s9 =	sand.u32 $0x1FFFFFF0, s9;
	s15 =	spop (v2sf)  }
0x6e: {  	[tilespmem:s5], [sflag:$0x2] =	stream.linear.gather [hbm4b:s6+s12], $0x80, $0x38;
	[tilespmem:$0x10A00] =	vst v63  }
0x6f: {  	s9 =	sadd.s32 s17, s9;
	s6 =	sand.u32 $0x1FFFFFF0, s15;
	s19 =	spop (v2sf)  }
0x70: {  	(v2sf) =	vpush v2, $0x5;
	[tilespmem:s4], [sflag:$0x2] =	stream.linear.gather [hbm4b:s9+s12], $0x80, $0x38;
	[tilespmem:$0x10A00] =	vst v63  }
0x71: {  	(v2sf) =	vpush v1, $0x5;
	s6 =	sadd.s32 s16, s6;
	s10 =	spop (v2sf);
	s9 =	sand.u32 $0x1FFFFFF0, s19  }
0x72: {  	[tilespmem:s18], [sflag:$0x3] =	stream.linear.gather [hbm4b:s6+s12], $0x80, $0x38;
	[tilespmem:$0x10A00] =	vst v63  }
0x73: {  	(v2sf) =	vpush v2, $0x6;
	s25 =	sand.u32 $0x1FFFFFF0, s10;
	s31 =	spop (v2sf);
	s23 =	sadd.s32 s17, s9  }
0x74: {  	[tilespmem:s22], [sflag:$0x3] =	stream.linear.gather [hbm4b:s23+s12], $0x80, $0x38;
	[tilespmem:$0x10A00] =	vst v63  }
0x75: {  	(v2sf) =	vpush v1, $0x6;
	s9 =	sadd.s32 s16, s25;
	s11 =	spop (v2sf);
	s6 =	sand.u32 $0x1FFFFFF0, s31  }
0x76: {  	[tilespmem:s26], [sflag:$0x4] =	stream.linear.gather [hbm4b:s9+s12], $0x80, $0x38;
	[tilespmem:$0x10A00] =	vst v63  }
0x77: {  	s10 =	simm.s32 $0x8500;
	s6 =	sadd.s32 s17, s6;
	s9 =	sand.u32 $0x1FFFFFF0, s11  }
0x78: {  	[tilespmem:s10], [sflag:$0x4] =	stream.linear.gather [hbm4b:s6+s12], $0x80, $0x38;
	[tilespmem:$0x10A00] =	vst v63  }
0x79: {  	s5 =	simm.s32 $0x580;
	(v2sf) =	vpush v2, $0x7;
	s14 =	spop (v2sf);
	s18 =	sadd.s32 s16, s9  }
0x7a: {  	[tilespmem:s5], [sflag:$0x5] =	stream.linear.gather [hbm4b:s18+s12], $0x80, $0x38;
	[tilespmem:$0x10A00] =	vst v63  }
0x7b: {  	s15 =	simm.s32 $0x8580;
	s19 =	sand.u32 $0x1FFFFFF0, s14;
	s22 =	spop (v2sf)  }
0x7c: {  	s9 =	sadd.s32 s17, s19;
	s5 =	sand.u32 $0x1FFFFFF0, s22;
	s25 =	spop (v2sf)  }
0x7d: {  	(v2sf) =	vpush v1, $0x7;
	[tilespmem:s15], [sflag:$0x5] =	stream.linear.gather [hbm4b:s9+s12], $0x80, $0x38;
	[tilespmem:$0x10A00] =	vst v63  }
0x7e: {  	s23 =	simm.s32 $0x8600;
	(v2sf) =	vpush v2, $0x8;
	s5 =	sadd.s32 s16, s5;
	s26 =	sand.u32 $0x1FFFFFF0, s25  }
0x7f: {  	s11 =	spop (v2sf);
	s9 =	simm.s32 $0x8680;
	s31 =	sadd.s32 s17, s26  }
0x80: {  	(v2sf) =	vpush v1, $0x8;
	s6 =	sand.u32 $0x1FFFFFF0, s11;
	s10 =	spop (v2sf);
	s11 =	simm.s32 $0x700  }
0x81: {  	[tilespmem:s8], [sflag:$0x6] =	stream.linear.gather [hbm4b:s5+s12], $0x80, $0x38;
	[tilespmem:$0x10A00] =	vst v63  }
0x82: {  	s26 =	simm.s32 $0x780;
	s8 =	sadd.s32 s16, s6;
	s15 =	spop (v2sf)  }
0x83: {  	(v2sf) =	vpush v2, $0x9;
	[tilespmem:s23], [sflag:$0x6] =	stream.linear.gather [hbm4b:s31+s12], $0x80, $0x38;
	[tilespmem:$0x10A00] =	vst v63  }
0x84: {  	s14 =	sand.u32 $0x1FFFFFF0, s10;
	s5 =	sand.u32 $0x1FFFFFF0, s15;
	s18 =	spop (v2sf)  }
0x85: {  	(v2sf) =	vpush v1, $0x9;
	[tilespmem:s1], [sflag:$0x7] =	stream.linear.gather [hbm4b:s8+s12], $0x80, $0x38;
	[tilespmem:$0x10A00] =	vst v63  }
0x86: {  	(v2sf) =	vpush v2, $0xA;
	s19 =	sadd.s32 s16, s5;
	s22 =	sand.u32 $0x1FFFFFF0, s18;
	s1 =	sadd.s32 s17, s14  }
0x87: {  	[tilespmem:s9], [sflag:$0x7] =	stream.linear.gather [hbm4b:s1+s12], $0x80, $0x38;
	[tilespmem:$0x10A00] =	vst v63  }
0x88: {  	s23 =	simm.s32 $0x8700;
	s25 =	spop (v2sf);
	(v2sf) =	vpush v1, $0xA;
	s18 =	simm.s32 $0x800  }
0x89: {  	[tilespmem:s11], [sflag:$0x8] =	stream.linear.gather [hbm4b:s19+s12], $0x80, $0x38;
	[tilespmem:$0x10A00] =	vst v63  }
0x8a: {  	s5 =	sadd.s32 s17, s22;
	(v2sf) =	vpush v2, $0xB;
	s31 =	sand.u32 $0x1FFFFFF0, s25;
	s22 =	simm.s32 $0x8800  }
0x8b: {  	[tilespmem:s23], [sflag:$0x8] =	stream.linear.gather [hbm4b:s5+s12], $0x80, $0x38;
	[tilespmem:$0x10A00] =	vst v63  }
0x8c: {  	s1 =	simm.s32 $0x8980;
	s11 =	simm.s32 $0x8780;
	s6 =	spop (v2sf)  }
0x8d: {  	s5 =	sadd.s32 s16, s31;
	s8 =	sand.u32 $0x1FFFFFF0, s6;
	s9 =	spop (v2sf)  }
0x8e: {  	(v2sf) =	vpush v1, $0xB;
	[tilespmem:s26], [sflag:$0x9] =	stream.linear.gather [hbm4b:s5+s12], $0x80, $0x38;
	[tilespmem:$0x10A00] =	vst v63  }
0x8f: {  	s6 =	simm.s32 $0x8880;
	s14 =	sadd.s32 s17, s8;
	s19 =	spop (v2sf)  }
0x90: {  	[tilespmem:s11], [sflag:$0x9] =	stream.linear.gather [hbm4b:s14+s12], $0x80, $0x38;
	[tilespmem:$0x10A00] =	vst v63  }
0x91: {  	s15 =	sand.u32 $0x1FFFFFF0, s9;
	s9 =	simm.s32 $0x900;
	s5 =	sand.u32 $0x1FFFFFF0, s19  }
0x92: {  	(v2sf) =	vpush v2, $0xC;
	s8 =	sadd.s32 s16, s15;
	s23 =	spop (v2sf);
	s5 =	sadd.s32 s17, s5  }
0x93: {  	[tilespmem:s18], [sflag:$0x2] =	stream.linear.gather [hbm4b:s8+s12], $0x80, $0x38;
	[tilespmem:$0x10A00] =	vst v63  }
0x94: {  	s25 =	spop (v2sf);
	(v2sf) =	vpush v1, $0xC;
	s8 =	sand.u32 $0x1FFFFFF0, s23;
	s18 =	simm.s32 $0x8A80  }
0x95: {  	s31 =	sand.u32 $0x1FFFFFF0, s25;
	s26 =	sadd.s32 s16, s8;
	s8 =	spop (v2sf)  }
0x96: {  	[tilespmem:s22], [sflag:$0x2] =	stream.linear.gather [hbm4b:s5+s12], $0x80, $0x38;
	[tilespmem:$0x10A00] =	vst v63  }
0x97: {  	s5 =	sadd.s32 s17, s31;
	s4 =	sand.u32 $0x1FFFFFF0, s8;
	s10 =	spop (v2sf)  }
0x98: {  	[tilespmem:s0], [sflag:$0x3] =	stream.linear.gather [hbm4b:s26+s12], $0x80, $0x38;
	[tilespmem:$0x10A00] =	vst v63  }
0x99: {  	s22 =	simm.s32 $0x980;
	s4 =	sadd.s32 s16, s4;
	s11 =	spop (v2sf)  }
0x9a: {  	[tilespmem:s6], [sflag:$0x3] =	stream.linear.gather [hbm4b:s5+s12], $0x80, $0x38;
	[tilespmem:$0x10A00] =	vst v63  }
0x9b: {  	s15 =	sand.u32 $0x1FFFFFF0, s11;
	s11 =	sadd.s32 $0x10, s2;
	s5 =	sand.u32 $0x1FFFFFF0, s10  }
0x9c: {  	[tilespmem:s9], [sflag:$0x4] =	stream.linear.gather [hbm4b:s4+s12], $0x80, $0x38;
	[tilespmem:$0x10A00] =	vst v63  }
0x9d: {  	s23 =	sadd.s32 s16, s15;
	s14 =	sadd.s32 s17, s5;
	s19 =	spop (v2sf)  }
0x9e: {  	[tilespmem:s3], [sflag:$0x4] =	stream.linear.gather [hbm4b:s14+s12], $0x80, $0x38;
	(v2sf) =	vpush v2, $0xD;
	[tilespmem:$0x10A00] =	vst v63  }
0x9f: {  	s15 =	simm.s32 $0xA00;
	s10 =	sadd.s32 $0x10, s13;
	s25 =	sand.u32 $0x1FFFFFF0, s19;
	(v2sf) =	vpush v1, $0xD  }
0xa0: {  	[tilespmem:s22], [sflag:$0x5] =	stream.linear.gather [hbm4b:s23+s12], $0x80, $0x38;
	(v2sf) =	vpush v2, $0xE;
	[tilespmem:$0x10A00] =	vst v63  }
0xa1: {  	s13 =	simm.s32 $0x8B00;
	s31 =	spop (v2sf);
	s26 =	sadd.s32 s17, s25;
	(v2sf) =	vpush v1, $0xE  }
0xa2: {  	[tilespmem:s1], [sflag:$0x5] =	stream.linear.gather [hbm4b:s26+s12], $0x80, $0x38;
	(v2sf) =	vpush v2, $0xF;
	[tilespmem:$0x10A00] =	vst v63  }
0xa3: {  	s14 =	simm.s32 $0xB00;
	s0 =	sand.u32 $0x1FFFFFF0, s31;
	s1 =	spop (v2sf);
	(v2sf) =	vpush v1, $0xF  }
.LBB2_3:
0xa4: {  	_ =	sdelay $0x4  }
0xa5: {  	s0 =	sadd.s32 s16, s0;
	s1 =	sand.u32 $0x1FFFFFF0, s1  }
0xa6: {  	[tilespmem:s15], [sflag:$0x6] =	stream.linear.gather [hbm4b:s0+s12], $0x80, $0x38;
	[tilespmem:$0x10A00] =	vst v63  }
0xa7: {  	s4 =	sadd.s32 s17, s1  }
0xa8: {  	[tilespmem:s29], [sflag:$0x6] =	stream.linear.gather [hbm4b:s4+s12], $0x80, $0x38;
	[tilespmem:$0x10A00] =	vst v63  }
0xa9: {  	s2 =	spop (v2sf)  }
0xaa: {  	s5 =	sand.u32 $0x1FFFFFF0, s2;
	s6 =	spop (v2sf)  }
0xab: {  	s8 =	sadd.s32 s16, s5;
	s9 =	sand.u32 $0x1FFFFFF0, s6;
	s15 =	spop (v2sf)  }
0xac: {  	[tilespmem:s30], [sflag:$0x7] =	stream.linear.gather [hbm4b:s8+s12], $0x80, $0x38;
	[tilespmem:$0x10A00] =	vst v63  }
0xad: {  	s19 =	sadd.s32 s17, s9;
	s22 =	sand.u32 $0x1FFFFFF0, s15;
	s23 =	spop (v2sf)  }
0xae: {  	[tilespmem:s18], [sflag:$0x7] =	stream.linear.gather [hbm4b:s19+s12], $0x80, $0x38;
	[tilespmem:$0x10A00] =	vst v63  }
0xaf: {  	s25 =	sadd.s32 s16, s22;
	s26 =	sand.u32 $0x1FFFFFF0, s23;
	s31 =	spop (v2sf)  }
0xb0: {  	[tilespmem:s14], [sflag:$0x8] =	stream.linear.gather [hbm4b:s25+s12], $0x80, $0x38;
	[tilespmem:$0x10A00] =	vst v63  }
0xb1: {  	s1 =	sadd.s32 s17, s26;
	s2 =	sand.u32 $0x1FFFFFF0, s31;
	s3 =	spop (v2sf)  }
0xb2: {  	[tilespmem:s13], [sflag:$0x8] =	stream.linear.gather [hbm4b:s1+s12], $0x80, $0x38;
	[tilespmem:$0x10A00] =	vst v63  }
0xb3: {  	s4 =	sadd.s32 $0xB80, s7;
	s1 =	sadd.s32 s16, s2;
	s2 =	sand.u32 $0x1FFFFFF0, s3  }
0xb4: {  	[tilespmem:s4], [sflag:$0x9] =	stream.linear.gather [hbm4b:s1+s12], $0x80, $0x38;
	[tilespmem:$0x10A00] =	vst v63  }
0xb5: {  	s5 =	sadd.s32 $0x8B80, s7;
	s6 =	sadd.s32 s17, s2  }
0xb6: {  	[tilespmem:s5], [sflag:$0x9] =	stream.linear.gather [hbm4b:s6+s12], $0x80, $0x38;
	[tilespmem:$0x10A00] =	vst v63  }
0xb7: {  	v1 =	vld [tilespmem:s10+$0x0]  }
0xb8: {  	v3 =	vld [tilespmem:s11+$0x0];
	_ =	sdelay $0x3  }
0xb9: {  	v2 =	vshll.u32 v1, $0x4  }
0xba: {  	v1 =	vshll.u32 v3, $0x4;
	(v2sf) =	vpush v2, $0x0  }
0xbb: {  	s7 =	smov.u32 s24;
	(v2sf) =	vpush v1, $0x0  }
0xbc: {  	p1 =	sne.s32 s24, $0x1E000;
	s7 =	sshra.s32 s7, $0x2;
	(v2sf) =	vpush v2, $0x1  }
0xbd: {  	s24 =	sadd.s32 $0x2000, s24;
	s0 =	sadd.s32 $0x680, s7;
	s8 =	sadd.s32 $0x880, s7  }
0xbe: {  	s9 =	sadd.s32 $0x8900, s7;
	s29 =	sadd.s32 $0x8A00, s7;
	[dreg:$0xa] =	wrdreg s0;
	(v2sf) =	vpush v1, $0x1  }
0xbf: {  	s23 =	sadd.s32 $0x8600, s7;
	s30 =	sadd.s32 $0xA80, s7;
	[dreg:$0x5] =	wrdreg s8  }
0xc0: {  	s15 =	sadd.s32 $0x780, s7;
	s22 =	sadd.s32 $0x8780, s7;
	[dreg:$0x3] =	wrdreg s9  }
0xc1: {  	s26 =	sadd.s32 $0x8400, s7;
	s0 =	sadd.s32 $0x600, s7;
	[dreg:$0xc] =	wrdreg s15;
	(v2sf) =	vpush v2, $0x2  }
0xc2: {  	s8 =	sadd.s32 $0x500, s7;
	s9 =	sadd.s32 $0x8980, s7;
	[dreg:$0xb] =	wrdreg s22  }
0xc3: {  	s31 =	sadd.s32 $0x700, s7;
	s19 =	sadd.s32 $0x8800, s7;
	[dreg:$0x4] =	wrdreg s9;
	(v2sf) =	vpush v1, $0x2  }
0xc4: {  	s18 =	sadd.s32 $0x8A80, s7;
	[dreg:$0x8] =	wrdreg s19;
	s14 =	sadd.s32 $0x900, s7  }
0xc5: {  	s15 =	sadd.s32 $0xA00, s7;
	s25 =	sadd.s32 $0x800, s7;
	[dreg:$0x6] =	wrdreg s14;
	(v2sf) =	vpush v2, $0x3  }
0xc6: {  	s19 =	sadd.s32 $0x480, s7;
	[dreg:$0x9] =	wrdreg s25;
	s14 =	sadd.s32 $0xB00, s7  }
0xc7: {  	s3 =	sadd.s32 $0x580, s7;
	s13 =	sadd.s32 $0x8880, s7;
	s2 =	sadd.s32 $0x8680, s7;
	(v2sf) =	vpush v1, $0x3  }
0xc8: {  	[dreg:$0x7] =	wrdreg s13;
	s13 =	sadd.s32 $0x8B00, s7;
	s1 =	sadd.s32 $0x8580, s7  }
0xc9: {  	s6 =	sadd.s32 $0x400, s7;
	s12 =	sadd.s32 $0x8700, s7;
	(v2sf) =	vpush v2, $0x4;
	s25 =	spop (v2sf)  }
0xca: {  	[dreg:$0xd] =	wrdreg s12;
	s22 =	sand.u32 $0x1FFFFFF0, s25;
	s12 =	spop (v2sf)  }
0xcb: {  	(v2sf) =	vpush v1, $0x4;
	s22 =	sadd.s32 s16, s22;
	s9 =	sand.u32 $0x1FFFFFF0, s12;
	s12 =	spop (v2sf)  }
0xcc: {  	[tilespmem:s6], [sflag:$0x2] =	stream.linear.gather [hbm4b:s22+s28], $0x80, $0x38;
	[tilespmem:$0x10A00] =	vst v63  }
0xcd: {  	s4 =	sadd.s32 $0x8500, s7;
	s5 =	sadd.s32 $0x8480, s7;
	s22 =	spop (v2sf)  }
0xce: {  	(v2sf) =	vpush v2, $0x5;
	s9 =	sadd.s32 s17, s9;
	s12 =	sand.u32 $0x1FFFFFF0, s12;
	s22 =	sand.u32 $0x1FFFFFF0, s22  }
0xcf: {  	(v2sf) =	vpush v1, $0x5;
	[tilespmem:s26], [sflag:$0x2] =	stream.linear.gather [hbm4b:s9+s28], $0x80, $0x38;
	[tilespmem:$0x10A00] =	vst v63  }
0xd0: {  	s9 =	sadd.s32 s16, s12;
	s26 =	spop (v2sf);
	s12 =	simm.s32 $0x0  }
0xd1: {  	(v2sf) =	vpush v2, $0x6;
	[tilespmem:s19], [sflag:$0x3] =	stream.linear.gather [hbm4b:s9+s28], $0x80, $0x38;
	[tilespmem:$0x10A00] =	vst v63  }
0xd2: {  	s19 =	sadd.s32 s17, s22;
	s22 =	sand.u32 $0x1FFFFFF0, s26;
	s26 =	spop (v2sf)  }
0xd3: {  	(v2sf) =	vpush v1, $0x6;
	[tilespmem:s5], [sflag:$0x3] =	stream.linear.gather [hbm4b:s19+s28], $0x80, $0x38;
	[tilespmem:$0x10A00] =	vst v63  }
0xd4: {  	s19 =	sadd.s32 s16, s22;
	s22 =	sand.u32 $0x1FFFFFF0, s26;
	s26 =	spop (v2sf)  }
0xd5: {  	(v2sf) =	vpush v2, $0x7;
	[tilespmem:s8], [sflag:$0x4] =	stream.linear.gather [hbm4b:s19+s12], $0x80, $0x38;
	[tilespmem:$0x10A00] =	vst v63  }
0xd6: {  	s6 =	sadd.s32 s17, s22;
	s9 =	spop (v2sf);
	s8 =	sand.u32 $0x1FFFFFF0, s26  }
0xd7: {  	[tilespmem:s4], [sflag:$0x4] =	stream.linear.gather [hbm4b:s6+s12], $0x80, $0x38;
	[tilespmem:$0x10A00] =	vst v63  }
0xd8: {  	s22 =	sand.u32 $0x1FFFFFF0, s9;
	s26 =	spop (v2sf);
	s19 =	sadd.s32 s16, s8  }
0xd9: {  	(v2sf) =	vpush v1, $0x7;
	[tilespmem:s3], [sflag:$0x5] =	stream.linear.gather [hbm4b:s19+s12], $0x80, $0x38;
	[tilespmem:$0x10A00] =	vst v63  }
0xda: {  	s10 =	sadd.s32 $0x10, s10;
	s5 =	sadd.s32 s17, s22;
	s9 =	spop (v2sf)  }
0xdb: {  	(v2sf) =	vpush v2, $0x8;
	[tilespmem:s1], [sflag:$0x5] =	stream.linear.gather [hbm4b:s5+s12], $0x80, $0x38;
	[tilespmem:$0x10A00] =	vst v63  }
0xdc: {  	s11 =	sadd.s32 $0x10, s11;
	s8 =	sand.u32 $0x1FFFFFF0, s26;
	s22 =	sand.u32 $0x1FFFFFF0, s9  }
0xdd: {  	s19 =	sadd.s32 s16, s8;
	(v2sf) =	vpush v1, $0x8;
	s26 =	spop (v2sf);
	s3 =	sadd.s32 s17, s22  }
0xde: {  	(v2sf) =	vpush v2, $0x9;
	s5 =	sand.u32 $0x1FFFFFF0, s26;
	s6 =	spop (v2sf);
	s22 =	rddreg [dreg:$0xa]  }
0xdf: {  	[tilespmem:s0], [sflag:$0x6] =	stream.linear.gather [hbm4b:s19+s12], $0x80, $0x38;
	[tilespmem:$0x10A00] =	vst v63  }
0xe0: {  	s8 =	sadd.s32 s16, s5;
	s9 =	sand.u32 $0x1FFFFFF0, s6;
	s19 =	spop (v2sf)  }
0xe1: {  	(v2sf) =	vpush v1, $0x9;
	[tilespmem:s23], [sflag:$0x6] =	stream.linear.gather [hbm4b:s3+s12], $0x80, $0x38;
	[tilespmem:$0x10A00] =	vst v63  }
0xe2: {  	s23 =	sadd.s32 s17, s9;
	s26 =	sand.u32 $0x1FFFFFF0, s19;
	s0 =	spop (v2sf)  }
0xe3: {  	(v2sf) =	vpush v2, $0xA;
	[tilespmem:s22], [sflag:$0x7] =	stream.linear.gather [hbm4b:s8+s12], $0x80, $0x38;
	[tilespmem:$0x10A00] =	vst v63  }
0xe4: {  	s19 =	rddreg [dreg:$0xd];
	s4 =	sand.u32 $0x1FFFFFF0, s0;
	s5 =	spop (v2sf)  }
0xe5: {  	[tilespmem:s2], [sflag:$0x7] =	stream.linear.gather [hbm4b:s23+s12], $0x80, $0x38;
	[tilespmem:$0x10A00] =	vst v63  }
0xe6: {  	s3 =	sadd.s32 s16, s26;
	s6 =	sadd.s32 s17, s4;
	s8 =	sand.u32 $0x1FFFFFF0, s5  }
0xe7: {  	(v2sf) =	vpush v1, $0xA;
	[tilespmem:s31], [sflag:$0x8] =	stream.linear.gather [hbm4b:s3+s12], $0x80, $0x38;
	[tilespmem:$0x10A00] =	vst v63  }
0xe8: {  	s9 =	spop (v2sf);
	s5 =	rddreg [dreg:$0xb];
	s22 =	sadd.s32 s16, s8  }
0xe9: {  	(v2sf) =	vpush v2, $0xB;
	[tilespmem:s19], [sflag:$0x8] =	stream.linear.gather [hbm4b:s6+s12], $0x80, $0x38;
	[tilespmem:$0x10A00] =	vst v63  }
0xea: {  	s23 =	sand.u32 $0x1FFFFFF0, s9;
	s26 =	spop (v2sf);
	s31 =	rddreg [dreg:$0xc]  }
0xeb: {  	[tilespmem:s31], [sflag:$0x9] =	stream.linear.gather [hbm4b:s22+s12], $0x80, $0x38;
	[tilespmem:$0x10A00] =	vst v63  }
0xec: {  	s1 =	sadd.s32 s17, s23;
	s2 =	sand.u32 $0x1FFFFFF0, s26;
	s4 =	spop (v2sf)  }
0xed: {  	(v2sf) =	vpush v1, $0xB;
	s6 =	sadd.s32 s16, s2;
	s19 =	rddreg [dreg:$0x9];
	s9 =	spop (v2sf)  }
0xee: {  	(v2sf) =	vpush v2, $0xC;
	[tilespmem:s5], [sflag:$0x9] =	stream.linear.gather [hbm4b:s1+s12], $0x80, $0x38;
	[tilespmem:$0x10A00] =	vst v63  }
0xef: {  	s31 =	rddreg [dreg:$0x8];
	s8 =	sand.u32 $0x1FFFFFF0, s4;
	s23 =	sand.u32 $0x1FFFFFF0, s9  }
0xf0: {  	(v2sf) =	vpush v1, $0xC;
	s22 =	sadd.s32 s17, s8;
	s26 =	spop (v2sf);
	s3 =	sadd.s32 s16, s23  }
0xf1: {  	[tilespmem:s19], [sflag:$0x2] =	stream.linear.gather [hbm4b:s6+s12], $0x80, $0x38;
	[tilespmem:$0x10A00] =	vst v63  }
0xf2: {  	s4 =	sand.u32 $0x1FFFFFF0, s26;
	s5 =	spop (v2sf);
	s6 =	rddreg [dreg:$0x5]  }
0xf3: {  	[tilespmem:s31], [sflag:$0x2] =	stream.linear.gather [hbm4b:s22+s12], $0x80, $0x38;
	[tilespmem:$0x10A00] =	vst v63  }
0xf4: {  	s8 =	sadd.s32 s17, s4;
	s4 =	rddreg [dreg:$0x6];
	s9 =	sand.u32 $0x1FFFFFF0, s5  }
0xf5: {  	[tilespmem:s6], [sflag:$0x3] =	stream.linear.gather [hbm4b:s3+s12], $0x80, $0x38;
	[tilespmem:$0x10A00] =	vst v63  }
0xf6: {  	s19 =	spop (v2sf);
	s22 =	rddreg [dreg:$0x7];
	s23 =	sadd.s32 s16, s9  }
0xf7: {  	[tilespmem:s22], [sflag:$0x3] =	stream.linear.gather [hbm4b:s8+s12], $0x80, $0x38;
	[tilespmem:$0x10A00] =	vst v63  }
0xf8: {  	s9 =	rddreg [dreg:$0x3];
	s26 =	sand.u32 $0x1FFFFFF0, s19;
	s31 =	spop (v2sf)  }
0xf9: {  	[tilespmem:s4], [sflag:$0x4] =	stream.linear.gather [hbm4b:s23+s12], $0x80, $0x38;
	[tilespmem:$0x10A00] =	vst v63  }
0xfa: {  	s5 =	sadd.s32 s17, s26;
	s6 =	sand.u32 $0x1FFFFFF0, s31;
	s31 =	rddreg [dreg:$0x4]  }
0xfb: {  	(v2sf) =	vpush v2, $0xD;
	[tilespmem:s9], [sflag:$0x4] =	stream.linear.gather [hbm4b:s5+s12], $0x80, $0x38;
	[tilespmem:$0x10A00] =	vst v63  }
.Ltmp0:
0xfc: {  	s25 =	sadd.s32 $0x980, s7;
	(v2sf) =	vpush v1, $0xD;
	s8 =	spop (v2sf);
	(pc) =	sbr.rel @p1 .LBB2_3-.Ltmp0, $4  }
0xfd: {  	(v2sf) =	vpush v2, $0xE;
	s19 =	sadd.s32 s16, s6;
	s22 =	sand.u32 $0x1FFFFFF0, s8;
	s23 =	spop (v2sf)  }
0xfe: {  	(v2sf) =	vpush v1, $0xE;
	[tilespmem:s25], [sflag:$0x5] =	stream.linear.gather [hbm4b:s19+s12], $0x80, $0x38;
	[tilespmem:$0x10A00] =	vst v63  }
0xff: {  	(v2sf) =	vpush v2, $0xF;
	s26 =	sadd.s32 s17, s22;
	s0 =	sand.u32 $0x1FFFFFF0, s23;
	s1 =	spop (v2sf)  }
0x100: {  	(v2sf) =	vpush v1, $0xF;
	[tilespmem:s31], [sflag:$0x5] =	stream.linear.gather [hbm4b:s26+s12], $0x80, $0x38;
	[tilespmem:$0x10A00] =	vst v63  }
0x101: {  	_ =	sdelay $0x4  }
0x102: {  	s0 =	sadd.s32 s16, s0;
	s1 =	sand.u32 $0x1FFFFFF0, s1  }
0x103: {  	[tilespmem:s15], [sflag:$0x6] =	stream.linear.gather [hbm4b:s0+s12], $0x80, $0x38;
	[tilespmem:$0x10A00] =	vst v63  }
0x104: {  	s19 =	sadd.s32 s17, s1  }
0x105: {  	[tilespmem:s29], [sflag:$0x6] =	stream.linear.gather [hbm4b:s19+s12], $0x80, $0x38;
	[tilespmem:$0x10A00] =	vst v63  }
0x106: {  	s2 =	spop (v2sf)  }
0x107: {  	s22 =	sand.u32 $0x1FFFFFF0, s2;
	s23 =	spop (v2sf)  }
0x108: {  	s24 =	sadd.s32 s16, s22;
	s25 =	sand.u32 $0x1FFFFFF0, s23;
	s26 =	spop (v2sf)  }
0x109: {  	[tilespmem:s30], [sflag:$0x7] =	stream.linear.gather [hbm4b:s24+s12], $0x80, $0x38;
	[tilespmem:$0x10A00] =	vst v63  }
0x10a: {  	s29 =	sadd.s32 s17, s25;
	s30 =	sand.u32 $0x1FFFFFF0, s26;
	s31 =	spop (v2sf)  }
0x10b: {  	[tilespmem:s18], [sflag:$0x7] =	stream.linear.gather [hbm4b:s29+s12], $0x80, $0x38;
	[tilespmem:$0x10A00] =	vst v63  }
0x10c: {  	s1 =	sadd.s32 s16, s30;
	s3 =	sand.u32 $0x1FFFFFF0, s31;
	s4 =	spop (v2sf)  }
0x10d: {  	[tilespmem:s14], [sflag:$0x8] =	stream.linear.gather [hbm4b:s1+s12], $0x80, $0x38;
	[tilespmem:$0x10A00] =	vst v63  }
0x10e: {  	s5 =	sadd.s32 s17, s3;
	s6 =	sand.u32 $0x1FFFFFF0, s4;
	s8 =	spop (v2sf)  }
0x10f: {  	[tilespmem:s13], [sflag:$0x8] =	stream.linear.gather [hbm4b:s5+s12], $0x80, $0x38;
	[tilespmem:$0x10A00] =	vst v63  }
0x110: {  	s9 =	sadd.s32 $0xB80, s7;
	s2 =	sand.u32 $0x1FFFFFF0, s8;
	s1 =	sadd.s32 s16, s6  }
0x111: {  	[tilespmem:s9], [sflag:$0x9] =	stream.linear.gather [hbm4b:s1+s12], $0x80, $0x38;
	[tilespmem:$0x10A00] =	vst v63  }
0x112: {  	s10 =	sadd.s32 $0x8B80, s7;
	s11 =	sadd.s32 s17, s2;
	s13 =	simm.s32 $0x2  }
0x113: {  	[tilespmem:s10], [sflag:$0x9] =	stream.linear.gather [hbm4b:s11+s12], $0x80, $0x38;
	[tilespmem:$0x10A00] =	vst v63  }
0x114: {  	_ =	swait.ge [sflag:s13], $0x2000  }
0x115: {  	[sflag:s13] =	ssyncset.done $0x0  }
0x116: {  	s14 =	simm.s32 $0x3;
	[sflag:s13] =	ssyncadd.s32 $0xFFFFE000  }
0x117: {  	_ =	swait.ge [sflag:s14], $0x2000  }
0x118: {  	[sflag:s14] =	ssyncset.done $0x0  }
0x119: {  	s15 =	simm.s32 $0x4;
	[sflag:s14] =	ssyncadd.s32 $0xFFFFE000  }
0x11a: {  	_ =	swait.ge [sflag:s15], $0x2000  }
0x11b: {  	[sflag:s15] =	ssyncset.done $0x0  }
0x11c: {  	s18 =	simm.s32 $0x5;
	[sflag:s15] =	ssyncadd.s32 $0xFFFFE000  }
0x11d: {  	_ =	swait.ge [sflag:s18], $0x2000  }
0x11e: {  	[sflag:s18] =	ssyncset.done $0x0  }
0x11f: {  	s19 =	simm.s32 $0x6;
	[sflag:s18] =	ssyncadd.s32 $0xFFFFE000  }
0x120: {  	_ =	swait.ge [sflag:s19], $0x2000  }
0x121: {  	[sflag:s19] =	ssyncset.done $0x0  }
0x122: {  	s22 =	simm.s32 $0x7;
	[sflag:s19] =	ssyncadd.s32 $0xFFFFE000  }
0x123: {  	_ =	swait.ge [sflag:s22], $0x2000  }
0x124: {  	[sflag:s22] =	ssyncset.done $0x0  }
0x125: {  	s23 =	simm.s32 $0x0;
	s24 =	simm.s32 $0x8;
	[sflag:s22] =	ssyncadd.s32 $0xFFFFE000  }
0x126: {  	v1 =	vmov s23;
	_ =	swait.ge [sflag:s24], $0x2000  }
0x127: {  	v1 =	vshll.u32 v1, $0x7;
	[sflag:s24] =	ssyncset.done $0x0  }
0x128: {  	s25 =	simm.s32 $0x9;
	v1 =	vor.u32 v0, v1;
	[sflag:s24] =	ssyncadd.s32 $0xFFFFE000  }
0x129: {  	_ =	swait.ge [sflag:s25], $0x2000  }
0x12a: {  	[sflag:s25] =	ssyncset.done $0x0;
	s26 =	rddreg [dreg:$0x1b]  }
0x12b: {  	v2 =	vor.u32 $0x1, v1;
	[sflag:s25] =	ssyncadd.s32 $0xFFFFE000;
	s29 =	sadd.s32 $0x10600, s26  }
0x12c: {  	v3 =	vld [tilespmem:s29+$0x0]  }
0x12d: {  	v4 =	vor.u32 $0x2, v1;
	v5 =	vld.idx.msk [tilespmem:v1+s20+$0x0], $0xffff  }
0x12e: {  	s8 =	sadd.s32 $0x10400, s26;
	v6 =	vld.idx.msk [tilespmem:v1+s21+$0x0], $0xffff  }
0x12f: {  	v7 =	vor.u32 $0x3, v1;
	v8 =	vld [tilespmem:s8+$0x0]  }
0x130: {  	v9 =	vld.idx.msk [tilespmem:v2+s20+$0x0], $0xffff  }
0x131: {  	v10 =	vor.u32 $0x4, v1;
	v2 =	vld.idx.msk [tilespmem:v2+s21+$0x0], $0xffff  }
0x132: {  	v11 =	vld.idx.msk [tilespmem:v4+s20+$0x0], $0xffff  }
0x133: {  	v12 =	vor.u32 $0x5, v1;
	v4 =	vld.idx.msk [tilespmem:v4+s21+$0x0], $0xffff  }
0x134: {  	v13 =	vld.idx.msk [tilespmem:v7+s20+$0x0], $0xffff;
	v3 =	vadd.f32 v3, v8;
	v5 =	vmul.f32 v6, v5  }
0x135: {  	v6 =	vld.idx.msk [tilespmem:v7+s21+$0x0], $0xffff;
	v7 =	vor.u32 $0x6, v1  }
0x136: {  	v56 =	vld.idx.msk [tilespmem:v10+s20+$0x0], $0xffff;
	v2 =	vmul.f32 v2, v9;
	v3 =	vadd.f32 v5, v3  }
0x137: {  	v57 =	vor.u32 $0x7, v1;
	v5 =	vld.idx.msk [tilespmem:v10+s21+$0x0], $0xffff  }
0x138: {  	v58 =	vld.idx.msk [tilespmem:v12+s20+$0x0], $0xffff;
	v2 =	vadd.f32 v2, v3;
	v3 =	vmul.f32 v4, v11  }
0x139: {  	v59 =	vor.u32 $0x8, v1;
	v4 =	vld.idx.msk [tilespmem:v12+s21+$0x0], $0xffff  }
0x13a: {  	v60 =	vld.idx.msk [tilespmem:v7+s20+$0x0], $0xffff;
	v2 =	vadd.f32 v3, v2;
	v3 =	vmul.f32 v6, v13  }
0x13b: {  	v6 =	vld.idx.msk [tilespmem:v7+s21+$0x0], $0xffff;
	v7 =	vor.u32 $0x9, v1  }
0x13c: {  	v61 =	vld.idx.msk [tilespmem:v57+s20+$0x0], $0xffff;
	v2 =	vadd.f32 v3, v2;
	v3 =	vmul.f32 v5, v56  }
0x13d: {  	v62 =	vor.u32 $0xA, v1;
	v5 =	vld.idx.msk [tilespmem:v57+s21+$0x0], $0xffff  }
0x13e: {  	v63 =	vld.idx.msk [tilespmem:v59+s20+$0x0], $0xffff;
	v2 =	vadd.f32 v3, v2;
	v3 =	vmul.f32 v4, v58  }
0x13f: {  	v16 =	vor.u32 $0xB, v1;
	v4 =	vld.idx.msk [tilespmem:v59+s21+$0x0], $0xffff  }
0x140: {  	v17 =	vld.idx.msk [tilespmem:v7+s20+$0x0], $0xffff;
	v2 =	vadd.f32 v3, v2;
	v3 =	vmul.f32 v6, v60  }
0x141: {  	v6 =	vld.idx.msk [tilespmem:v7+s21+$0x0], $0xffff;
	v7 =	vor.u32 $0xC, v1  }
0x142: {  	v18 =	vld.idx.msk [tilespmem:v62+s20+$0x0], $0xffff;
	v2 =	vadd.f32 v3, v2;
	v3 =	vmul.f32 v5, v61  }
0x143: {  	v19 =	vor.u32 $0xD, v1;
	v5 =	vld.idx.msk [tilespmem:v62+s21+$0x0], $0xffff  }
0x144: {  	v20 =	vld.idx.msk [tilespmem:v16+s20+$0x0], $0xffff;
	v2 =	vadd.f32 v3, v2;
	v3 =	vmul.f32 v4, v63  }
0x145: {  	v21 =	vor.u32 $0xE, v1;
	v4 =	vld.idx.msk [tilespmem:v16+s21+$0x0], $0xffff  }
0x146: {  	v22 =	vld.idx.msk [tilespmem:v7+s20+$0x0], $0xffff;
	v2 =	vadd.f32 v3, v2;
	v3 =	vmul.f32 v6, v17  }
0x147: {  	v6 =	vld.idx.msk [tilespmem:v7+s21+$0x0], $0xffff;
	v7 =	vor.u32 $0xF, v1  }
0x148: {  	v23 =	vld.idx.msk [tilespmem:v19+s20+$0x0], $0xffff;
	v2 =	vadd.f32 v3, v2;
	v3 =	vmul.f32 v5, v18  }
0x149: {  	v24 =	vor.u32 $0x10, v1;
	v5 =	vld.idx.msk [tilespmem:v19+s21+$0x0], $0xffff  }
0x14a: {  	v25 =	vld.idx.msk [tilespmem:v21+s20+$0x0], $0xffff;
	v2 =	vadd.f32 v3, v2;
	v3 =	vmul.f32 v4, v20  }
0x14b: {  	v26 =	vor.u32 $0x11, v1;
	v4 =	vld.idx.msk [tilespmem:v21+s21+$0x0], $0xffff  }
0x14c: {  	v27 =	vld.idx.msk [tilespmem:v7+s20+$0x0], $0xffff;
	v2 =	vadd.f32 v3, v2;
	v3 =	vmul.f32 v6, v22  }
0x14d: {  	v6 =	vld.idx.msk [tilespmem:v7+s21+$0x0], $0xffff;
	v7 =	vor.u32 $0x12, v1  }
0x14e: {  	v28 =	vld.idx.msk [tilespmem:v24+s20+$0x0], $0xffff;
	v2 =	vadd.f32 v3, v2;
	v3 =	vmul.f32 v5, v23  }
0x14f: {  	v29 =	vor.u32 $0x13, v1;
	v5 =	vld.idx.msk [tilespmem:v24+s21+$0x0], $0xffff  }
0x150: {  	v30 =	vld.idx.msk [tilespmem:v26+s20+$0x0], $0xffff;
	v2 =	vadd.f32 v3, v2;
	v3 =	vmul.f32 v4, v25  }
0x151: {  	v31 =	vor.u32 $0x14, v1;
	v4 =	vld.idx.msk [tilespmem:v26+s21+$0x0], $0xffff  }
0x152: {  	v32 =	vld.idx.msk [tilespmem:v7+s20+$0x0], $0xffff;
	v2 =	vadd.f32 v3, v2;
	v3 =	vmul.f32 v6, v27  }
0x153: {  	v6 =	vld.idx.msk [tilespmem:v7+s21+$0x0], $0xffff;
	v7 =	vor.u32 $0x15, v1  }
0x154: {  	v33 =	vld.idx.msk [tilespmem:v29+s20+$0x0], $0xffff;
	v2 =	vadd.f32 v3, v2;
	v3 =	vmul.f32 v5, v28  }
0x155: {  	v34 =	vor.u32 $0x16, v1;
	v5 =	vld.idx.msk [tilespmem:v29+s21+$0x0], $0xffff  }
0x156: {  	v35 =	vld.idx.msk [tilespmem:v31+s20+$0x0], $0xffff;
	v2 =	vadd.f32 v3, v2;
	v3 =	vmul.f32 v4, v30  }
0x157: {  	v36 =	vor.u32 $0x17, v1;
	v4 =	vld.idx.msk [tilespmem:v31+s21+$0x0], $0xffff  }
0x158: {  	v37 =	vld.idx.msk [tilespmem:v7+s20+$0x0], $0xffff;
	v2 =	vadd.f32 v3, v2;
	v3 =	vmul.f32 v6, v32  }
0x159: {  	v6 =	vld.idx.msk [tilespmem:v7+s21+$0x0], $0xffff;
	v7 =	vor.u32 $0x18, v1  }
0x15a: {  	v38 =	vld.idx.msk [tilespmem:v34+s20+$0x0], $0xffff;
	v2 =	vadd.f32 v3, v2;
	v3 =	vmul.f32 v5, v33  }
0x15b: {  	v39 =	vor.u32 $0x19, v1;
	v5 =	vld.idx.msk [tilespmem:v34+s21+$0x0], $0xffff  }
0x15c: {  	v40 =	vld.idx.msk [tilespmem:v36+s20+$0x0], $0xffff;
	v2 =	vadd.f32 v3, v2;
	v3 =	vmul.f32 v4, v35  }
0x15d: {  	v41 =	vor.u32 $0x1A, v1;
	v4 =	vld.idx.msk [tilespmem:v36+s21+$0x0], $0xffff  }
0x15e: {  	v42 =	vld.idx.msk [tilespmem:v7+s20+$0x0], $0xffff;
	v2 =	vadd.f32 v3, v2;
	v3 =	vmul.f32 v6, v37  }
0x15f: {  	v6 =	vld.idx.msk [tilespmem:v7+s21+$0x0], $0xffff;
	v7 =	vor.u32 $0x1B, v1  }
0x160: {  	v43 =	vld.idx.msk [tilespmem:v39+s20+$0x0], $0xffff;
	v2 =	vadd.f32 v3, v2;
	v3 =	vmul.f32 v5, v38  }
0x161: {  	v44 =	vor.u32 $0x1C, v1;
	v5 =	vld.idx.msk [tilespmem:v39+s21+$0x0], $0xffff  }
0x162: {  	v45 =	vld.idx.msk [tilespmem:v41+s20+$0x0], $0xffff;
	v2 =	vadd.f32 v3, v2;
	v3 =	vmul.f32 v4, v40  }
0x163: {  	v46 =	vor.u32 $0x1D, v1;
	v4 =	vld.idx.msk [tilespmem:v41+s21+$0x0], $0xffff  }
0x164: {  	v47 =	vld.idx.msk [tilespmem:v7+s20+$0x0], $0xffff;
	v2 =	vadd.f32 v3, v2;
	v3 =	vmul.f32 v6, v42  }
0x165: {  	v6 =	vld.idx.msk [tilespmem:v7+s21+$0x0], $0xffff;
	v7 =	vor.u32 $0x1E, v1  }
0x166: {  	v48 =	vld.idx.msk [tilespmem:v44+s20+$0x0], $0xffff;
	v2 =	vadd.f32 v3, v2;
	v3 =	vmul.f32 v5, v43  }
0x167: {  	v49 =	vor.u32 $0x1F, v1;
	v5 =	vld.idx.msk [tilespmem:v44+s21+$0x0], $0xffff  }
0x168: {  	v50 =	vld.idx.msk [tilespmem:v46+s20+$0x0], $0xffff;
	v2 =	vadd.f32 v3, v2;
	v3 =	vmul.f32 v4, v45  }
0x169: {  	v51 =	vor.u32 $0x20, v1;
	v4 =	vld.idx.msk [tilespmem:v46+s21+$0x0], $0xffff  }
0x16a: {  	v52 =	vld.idx.msk [tilespmem:v7+s20+$0x0], $0xffff;
	v2 =	vadd.f32 v3, v2;
	v3 =	vmul.f32 v6, v47  }
0x16b: {  	v6 =	vld.idx.msk [tilespmem:v7+s21+$0x0], $0xffff;
	v7 =	vor.u32 $0x21, v1  }
0x16c: {  	v53 =	vld.idx.msk [tilespmem:v49+s20+$0x0], $0xffff;
	v2 =	vadd.f32 v3, v2;
	v3 =	vmul.f32 v5, v48  }
0x16d: {  	v54 =	vor.u32 $0x22, v1;
	v5 =	vld.idx.msk [tilespmem:v49+s21+$0x0], $0xffff  }
0x16e: {  	v55 =	vld.idx.msk [tilespmem:v51+s20+$0x0], $0xffff;
	v2 =	vadd.f32 v3, v2;
	v3 =	vmul.f32 v4, v50  }
0x16f: {  	v56 =	vor.u32 $0x23, v1;
	v4 =	vld.idx.msk [tilespmem:v51+s21+$0x0], $0xffff  }
0x170: {  	v57 =	vld.idx.msk [tilespmem:v7+s20+$0x0], $0xffff;
	v2 =	vadd.f32 v3, v2;
	v3 =	vmul.f32 v6, v52  }
0x171: {  	v6 =	vld.idx.msk [tilespmem:v7+s21+$0x0], $0xffff;
	v7 =	vor.u32 $0x24, v1  }
0x172: {  	v58 =	vld.idx.msk [tilespmem:v54+s20+$0x0], $0xffff;
	v2 =	vadd.f32 v3, v2;
	v3 =	vmul.f32 v5, v53  }
0x173: {  	v59 =	vor.u32 $0x25, v1;
	v5 =	vld.idx.msk [tilespmem:v54+s21+$0x0], $0xffff  }
0x174: {  	v60 =	vld.idx.msk [tilespmem:v56+s20+$0x0], $0xffff;
	v2 =	vadd.f32 v3, v2;
	v3 =	vmul.f32 v4, v55  }
0x175: {  	v61 =	vor.u32 $0x26, v1;
	v4 =	vld.idx.msk [tilespmem:v56+s21+$0x0], $0xffff  }
0x176: {  	v62 =	vld.idx.msk [tilespmem:v7+s20+$0x0], $0xffff;
	v2 =	vadd.f32 v3, v2;
	v3 =	vmul.f32 v6, v57  }
0x177: {  	v6 =	vld.idx.msk [tilespmem:v7+s21+$0x0], $0xffff;
	v7 =	vor.u32 $0x27, v1  }
0x178: {  	v63 =	vld.idx.msk [tilespmem:v59+s20+$0x0], $0xffff;
	v2 =	vadd.f32 v3, v2;
	v3 =	vmul.f32 v5, v58  }
0x179: {  	v16 =	vor.u32 $0x28, v1;
	v5 =	vld.idx.msk [tilespmem:v59+s21+$0x0], $0xffff  }
0x17a: {  	v17 =	vld.idx.msk [tilespmem:v61+s20+$0x0], $0xffff;
	v2 =	vadd.f32 v3, v2;
	v3 =	vmul.f32 v4, v60  }
0x17b: {  	v18 =	vor.u32 $0x29, v1;
	v4 =	vld.idx.msk [tilespmem:v61+s21+$0x0], $0xffff  }
0x17c: {  	v19 =	vld.idx.msk [tilespmem:v7+s20+$0x0], $0xffff;
	v2 =	vadd.f32 v3, v2;
	v3 =	vmul.f32 v6, v62  }
0x17d: {  	v6 =	vld.idx.msk [tilespmem:v7+s21+$0x0], $0xffff;
	v7 =	vor.u32 $0x2A, v1  }
0x17e: {  	v20 =	vld.idx.msk [tilespmem:v16+s20+$0x0], $0xffff;
	v2 =	vadd.f32 v3, v2;
	v3 =	vmul.f32 v5, v63  }
0x17f: {  	v21 =	vor.u32 $0x2B, v1;
	v5 =	vld.idx.msk [tilespmem:v16+s21+$0x0], $0xffff  }
0x180: {  	v22 =	vld.idx.msk [tilespmem:v18+s20+$0x0], $0xffff;
	v2 =	vadd.f32 v3, v2;
	v3 =	vmul.f32 v4, v17  }
0x181: {  	v23 =	vor.u32 $0x2C, v1;
	v4 =	vld.idx.msk [tilespmem:v18+s21+$0x0], $0xffff  }
0x182: {  	v24 =	vld.idx.msk [tilespmem:v7+s20+$0x0], $0xffff;
	v2 =	vadd.f32 v3, v2;
	v3 =	vmul.f32 v6, v19  }
0x183: {  	v6 =	vld.idx.msk [tilespmem:v7+s21+$0x0], $0xffff;
	v7 =	vor.u32 $0x2D, v1  }
0x184: {  	v25 =	vld.idx.msk [tilespmem:v21+s20+$0x0], $0xffff;
	v2 =	vadd.f32 v3, v2;
	v3 =	vmul.f32 v5, v20  }
0x185: {  	v26 =	vor.u32 $0x2E, v1;
	v5 =	vld.idx.msk [tilespmem:v21+s21+$0x0], $0xffff  }
0x186: {  	v27 =	vld.idx.msk [tilespmem:v23+s20+$0x0], $0xffff;
	v2 =	vadd.f32 v3, v2;
	v3 =	vmul.f32 v4, v22  }
0x187: {  	v28 =	vor.u32 $0x2F, v1;
	v4 =	vld.idx.msk [tilespmem:v23+s21+$0x0], $0xffff  }
0x188: {  	v29 =	vld.idx.msk [tilespmem:v7+s20+$0x0], $0xffff;
	v2 =	vadd.f32 v3, v2;
	v3 =	vmul.f32 v6, v24  }
0x189: {  	v6 =	vld.idx.msk [tilespmem:v7+s21+$0x0], $0xffff;
	v7 =	vor.u32 $0x30, v1  }
0x18a: {  	v30 =	vld.idx.msk [tilespmem:v26+s20+$0x0], $0xffff;
	v2 =	vadd.f32 v3, v2;
	v3 =	vmul.f32 v5, v25  }
0x18b: {  	v1 =	vor.u32 $0x31, v1;
	v5 =	vld.idx.msk [tilespmem:v26+s21+$0x0], $0xffff  }
0x18c: {  	v31 =	vld.idx.msk [tilespmem:v28+s20+$0x0], $0xffff;
	v2 =	vadd.f32 v3, v2;
	v3 =	vmul.f32 v4, v27  }
0x18d: {  	v4 =	vld.idx.msk [tilespmem:v28+s21+$0x0], $0xffff  }
0x18e: {  	v32 =	vld.idx.msk [tilespmem:v7+s20+$0x0], $0xffff;
	v2 =	vadd.f32 v3, v2;
	v3 =	vmul.f32 v6, v29  }
0x18f: {  	v6 =	vld.idx.msk [tilespmem:v7+s21+$0x0], $0xffff  }
0x190: {  	v7 =	vld.idx.msk [tilespmem:v1+s20+$0x0], $0xffff;
	v2 =	vadd.f32 v3, v2;
	v3 =	vmul.f32 v5, v30  }
0x191: {  	v1 =	vld.idx.msk [tilespmem:v1+s21+$0x0], $0xffff  }
0x192: {  	v2 =	vadd.f32 v3, v2;
	v3 =	vmul.f32 v4, v31;
	_ =	sdelay $0x1  }
0x193: {  	s30 =	simm.s32 $0x10;
	v2 =	vadd.f32 v3, v2;
	v3 =	vmul.f32 v6, v32  }
0x194: {  	v4 =	vmov s30  }
0x195: {  	v4 =	vshll.u32 v4, $0x7;
	v2 =	vadd.f32 v3, v2;
	v3 =	vmul.f32 v1, v7  }
0x196: {  	v1 =	vor.u32 v0, v4  }
0x197: {  	v2 =	vadd.f32 v3, v2  }
0x198: {  	s23 =	sadd.s32 $0x10800, s26  }
0x199: {  	s24 =	sadd.s32 $0x10, s29;
	v3 =	vor.u32 $0x1, v1;
	[tilespmem:s23+$0x0] =	vst v2  }
0x19a: {  	v2 =	vld [tilespmem:s24+$0x0]  }
0x19b: {  	v4 =	vor.u32 $0x2, v1;
	v5 =	vld.idx.msk [tilespmem:v1+s20+$0x0], $0xffff  }
0x19c: {  	s7 =	sadd.s32 $0x10, s8;
	v6 =	vld.idx.msk [tilespmem:v1+s21+$0x0], $0xffff  }
0x19d: {  	v7 =	vor.u32 $0x3, v1;
	v33 =	vld [tilespmem:s7+$0x0]  }
0x19e: {  	v34 =	vld.idx.msk [tilespmem:v3+s20+$0x0], $0xffff  }
0x19f: {  	v35 =	vor.u32 $0x4, v1;
	v3 =	vld.idx.msk [tilespmem:v3+s21+$0x0], $0xffff  }
0x1a0: {  	v36 =	vld.idx.msk [tilespmem:v4+s20+$0x0], $0xffff  }
0x1a1: {  	v37 =	vor.u32 $0x5, v1;
	v4 =	vld.idx.msk [tilespmem:v4+s21+$0x0], $0xffff  }
0x1a2: {  	v38 =	vld.idx.msk [tilespmem:v7+s20+$0x0], $0xffff;
	v2 =	vadd.f32 v2, v33;
	v5 =	vmul.f32 v6, v5  }
0x1a3: {  	v6 =	vld.idx.msk [tilespmem:v7+s21+$0x0], $0xffff;
	v7 =	vor.u32 $0x6, v1  }
0x1a4: {  	v39 =	vld.idx.msk [tilespmem:v35+s20+$0x0], $0xffff;
	v2 =	vadd.f32 v5, v2;
	v3 =	vmul.f32 v3, v34  }
0x1a5: {  	v40 =	vor.u32 $0x7, v1;
	v5 =	vld.idx.msk [tilespmem:v35+s21+$0x0], $0xffff  }
0x1a6: {  	v41 =	vld.idx.msk [tilespmem:v37+s20+$0x0], $0xffff;
	v2 =	vadd.f32 v3, v2;
	v3 =	vmul.f32 v4, v36  }
0x1a7: {  	v42 =	vor.u32 $0x8, v1;
	v4 =	vld.idx.msk [tilespmem:v37+s21+$0x0], $0xffff  }
0x1a8: {  	v43 =	vld.idx.msk [tilespmem:v7+s20+$0x0], $0xffff;
	v2 =	vadd.f32 v3, v2;
	v3 =	vmul.f32 v6, v38  }
0x1a9: {  	v6 =	vld.idx.msk [tilespmem:v7+s21+$0x0], $0xffff;
	v7 =	vor.u32 $0x9, v1  }
0x1aa: {  	v44 =	vld.idx.msk [tilespmem:v40+s20+$0x0], $0xffff;
	v2 =	vadd.f32 v3, v2;
	v3 =	vmul.f32 v5, v39  }
0x1ab: {  	v45 =	vor.u32 $0xA, v1;
	v5 =	vld.idx.msk [tilespmem:v40+s21+$0x0], $0xffff  }
0x1ac: {  	v46 =	vld.idx.msk [tilespmem:v42+s20+$0x0], $0xffff;
	v2 =	vadd.f32 v3, v2;
	v3 =	vmul.f32 v4, v41  }
0x1ad: {  	v47 =	vor.u32 $0xB, v1;
	v4 =	vld.idx.msk [tilespmem:v42+s21+$0x0], $0xffff  }
0x1ae: {  	v48 =	vld.idx.msk [tilespmem:v7+s20+$0x0], $0xffff;
	v2 =	vadd.f32 v3, v2;
	v3 =	vmul.f32 v6, v43  }
0x1af: {  	v6 =	vld.idx.msk [tilespmem:v7+s21+$0x0], $0xffff;
	v7 =	vor.u32 $0xC, v1  }
0x1b0: {  	v49 =	vld.idx.msk [tilespmem:v45+s20+$0x0], $0xffff;
	v2 =	vadd.f32 v3, v2;
	v3 =	vmul.f32 v5, v44  }
0x1b1: {  	v50 =	vor.u32 $0xD, v1;
	v5 =	vld.idx.msk [tilespmem:v45+s21+$0x0], $0xffff  }
0x1b2: {  	v51 =	vld.idx.msk [tilespmem:v47+s20+$0x0], $0xffff;
	v2 =	vadd.f32 v3, v2;
	v3 =	vmul.f32 v4, v46  }
0x1b3: {  	v52 =	vor.u32 $0xE, v1;
	v4 =	vld.idx.msk [tilespmem:v47+s21+$0x0], $0xffff  }
0x1b4: {  	v53 =	vld.idx.msk [tilespmem:v7+s20+$0x0], $0xffff;
	v2 =	vadd.f32 v3, v2;
	v3 =	vmul.f32 v6, v48  }
0x1b5: {  	v6 =	vld.idx.msk [tilespmem:v7+s21+$0x0], $0xffff;
	v7 =	vor.u32 $0xF, v1  }
0x1b6: {  	v54 =	vld.idx.msk [tilespmem:v50+s20+$0x0], $0xffff;
	v2 =	vadd.f32 v3, v2;
	v3 =	vmul.f32 v5, v49  }
0x1b7: {  	v55 =	vor.u32 $0x10, v1;
	v5 =	vld.idx.msk [tilespmem:v50+s21+$0x0], $0xffff  }
0x1b8: {  	v56 =	vld.idx.msk [tilespmem:v52+s20+$0x0], $0xffff;
	v2 =	vadd.f32 v3, v2;
	v3 =	vmul.f32 v4, v51  }
0x1b9: {  	v57 =	vor.u32 $0x11, v1;
	v4 =	vld.idx.msk [tilespmem:v52+s21+$0x0], $0xffff  }
0x1ba: {  	v58 =	vld.idx.msk [tilespmem:v7+s20+$0x0], $0xffff;
	v2 =	vadd.f32 v3, v2;
	v3 =	vmul.f32 v6, v53  }
0x1bb: {  	v6 =	vld.idx.msk [tilespmem:v7+s21+$0x0], $0xffff;
	v7 =	vor.u32 $0x12, v1  }
0x1bc: {  	v59 =	vld.idx.msk [tilespmem:v55+s20+$0x0], $0xffff;
	v2 =	vadd.f32 v3, v2;
	v3 =	vmul.f32 v5, v54  }
0x1bd: {  	v60 =	vor.u32 $0x13, v1;
	v5 =	vld.idx.msk [tilespmem:v55+s21+$0x0], $0xffff  }
0x1be: {  	v61 =	vld.idx.msk [tilespmem:v57+s20+$0x0], $0xffff;
	v2 =	vadd.f32 v3, v2;
	v3 =	vmul.f32 v4, v56  }
0x1bf: {  	v62 =	vor.u32 $0x14, v1;
	v4 =	vld.idx.msk [tilespmem:v57+s21+$0x0], $0xffff  }
0x1c0: {  	v63 =	vld.idx.msk [tilespmem:v7+s20+$0x0], $0xffff;
	v2 =	vadd.f32 v3, v2;
	v3 =	vmul.f32 v6, v58  }
0x1c1: {  	v6 =	vld.idx.msk [tilespmem:v7+s21+$0x0], $0xffff;
	v7 =	vor.u32 $0x15, v1  }
0x1c2: {  	v16 =	vld.idx.msk [tilespmem:v60+s20+$0x0], $0xffff;
	v2 =	vadd.f32 v3, v2;
	v3 =	vmul.f32 v5, v59  }
0x1c3: {  	v17 =	vor.u32 $0x16, v1;
	v5 =	vld.idx.msk [tilespmem:v60+s21+$0x0], $0xffff  }
0x1c4: {  	v18 =	vld.idx.msk [tilespmem:v62+s20+$0x0], $0xffff;
	v2 =	vadd.f32 v3, v2;
	v3 =	vmul.f32 v4, v61  }
0x1c5: {  	v19 =	vor.u32 $0x17, v1;
	v4 =	vld.idx.msk [tilespmem:v62+s21+$0x0], $0xffff  }
0x1c6: {  	v20 =	vld.idx.msk [tilespmem:v7+s20+$0x0], $0xffff;
	v2 =	vadd.f32 v3, v2;
	v3 =	vmul.f32 v6, v63  }
0x1c7: {  	v6 =	vld.idx.msk [tilespmem:v7+s21+$0x0], $0xffff;
	v7 =	vor.u32 $0x18, v1  }
0x1c8: {  	v21 =	vld.idx.msk [tilespmem:v17+s20+$0x0], $0xffff;
	v2 =	vadd.f32 v3, v2;
	v3 =	vmul.f32 v5, v16  }
0x1c9: {  	v22 =	vor.u32 $0x19, v1;
	v5 =	vld.idx.msk [tilespmem:v17+s21+$0x0], $0xffff  }
0x1ca: {  	v23 =	vld.idx.msk [tilespmem:v19+s20+$0x0], $0xffff;
	v2 =	vadd.f32 v3, v2;
	v3 =	vmul.f32 v4, v18  }
0x1cb: {  	v24 =	vor.u32 $0x1A, v1;
	v4 =	vld.idx.msk [tilespmem:v19+s21+$0x0], $0xffff  }
0x1cc: {  	v25 =	vld.idx.msk [tilespmem:v7+s20+$0x0], $0xffff;
	v2 =	vadd.f32 v3, v2;
	v3 =	vmul.f32 v6, v20  }
0x1cd: {  	v6 =	vld.idx.msk [tilespmem:v7+s21+$0x0], $0xffff;
	v7 =	vor.u32 $0x1B, v1  }
0x1ce: {  	v26 =	vld.idx.msk [tilespmem:v22+s20+$0x0], $0xffff;
	v2 =	vadd.f32 v3, v2;
	v3 =	vmul.f32 v5, v21  }
0x1cf: {  	v27 =	vor.u32 $0x1C, v1;
	v5 =	vld.idx.msk [tilespmem:v22+s21+$0x0], $0xffff  }
0x1d0: {  	v28 =	vld.idx.msk [tilespmem:v24+s20+$0x0], $0xffff;
	v2 =	vadd.f32 v3, v2;
	v3 =	vmul.f32 v4, v23  }
0x1d1: {  	v29 =	vor.u32 $0x1D, v1;
	v4 =	vld.idx.msk [tilespmem:v24+s21+$0x0], $0xffff  }
0x1d2: {  	v30 =	vld.idx.msk [tilespmem:v7+s20+$0x0], $0xffff;
	v2 =	vadd.f32 v3, v2;
	v3 =	vmul.f32 v6, v25  }
0x1d3: {  	v6 =	vld.idx.msk [tilespmem:v7+s21+$0x0], $0xffff;
	v7 =	vor.u32 $0x1E, v1  }
0x1d4: {  	v31 =	vld.idx.msk [tilespmem:v27+s20+$0x0], $0xffff;
	v2 =	vadd.f32 v3, v2;
	v3 =	vmul.f32 v5, v26  }
0x1d5: {  	v32 =	vor.u32 $0x1F, v1;
	v5 =	vld.idx.msk [tilespmem:v27+s21+$0x0], $0xffff  }
0x1d6: {  	v33 =	vld.idx.msk [tilespmem:v29+s20+$0x0], $0xffff;
	v2 =	vadd.f32 v3, v2;
	v3 =	vmul.f32 v4, v28  }
0x1d7: {  	v34 =	vor.u32 $0x20, v1;
	v4 =	vld.idx.msk [tilespmem:v29+s21+$0x0], $0xffff  }
0x1d8: {  	v35 =	vld.idx.msk [tilespmem:v7+s20+$0x0], $0xffff;
	v2 =	vadd.f32 v3, v2;
	v3 =	vmul.f32 v6, v30  }
0x1d9: {  	v6 =	vld.idx.msk [tilespmem:v7+s21+$0x0], $0xffff;
	v7 =	vor.u32 $0x21, v1  }
0x1da: {  	v36 =	vld.idx.msk [tilespmem:v32+s20+$0x0], $0xffff;
	v2 =	vadd.f32 v3, v2;
	v3 =	vmul.f32 v5, v31  }
0x1db: {  	v37 =	vor.u32 $0x22, v1;
	v5 =	vld.idx.msk [tilespmem:v32+s21+$0x0], $0xffff  }
0x1dc: {  	v38 =	vld.idx.msk [tilespmem:v34+s20+$0x0], $0xffff;
	v2 =	vadd.f32 v3, v2;
	v3 =	vmul.f32 v4, v33  }
0x1dd: {  	v39 =	vor.u32 $0x23, v1;
	v4 =	vld.idx.msk [tilespmem:v34+s21+$0x0], $0xffff  }
0x1de: {  	v40 =	vld.idx.msk [tilespmem:v7+s20+$0x0], $0xffff;
	v2 =	vadd.f32 v3, v2;
	v3 =	vmul.f32 v6, v35  }
0x1df: {  	v6 =	vld.idx.msk [tilespmem:v7+s21+$0x0], $0xffff;
	v7 =	vor.u32 $0x24, v1  }
0x1e0: {  	v41 =	vld.idx.msk [tilespmem:v37+s20+$0x0], $0xffff;
	v2 =	vadd.f32 v3, v2;
	v3 =	vmul.f32 v5, v36  }
0x1e1: {  	v42 =	vor.u32 $0x25, v1;
	v5 =	vld.idx.msk [tilespmem:v37+s21+$0x0], $0xffff  }
0x1e2: {  	v43 =	vld.idx.msk [tilespmem:v39+s20+$0x0], $0xffff;
	v2 =	vadd.f32 v3, v2;
	v3 =	vmul.f32 v4, v38  }
0x1e3: {  	v44 =	vor.u32 $0x26, v1;
	v4 =	vld.idx.msk [tilespmem:v39+s21+$0x0], $0xffff  }
0x1e4: {  	v45 =	vld.idx.msk [tilespmem:v7+s20+$0x0], $0xffff;
	v2 =	vadd.f32 v3, v2;
	v3 =	vmul.f32 v6, v40  }
0x1e5: {  	v6 =	vld.idx.msk [tilespmem:v7+s21+$0x0], $0xffff;
	v7 =	vor.u32 $0x27, v1  }
0x1e6: {  	v46 =	vld.idx.msk [tilespmem:v42+s20+$0x0], $0xffff;
	v2 =	vadd.f32 v3, v2;
	v3 =	vmul.f32 v5, v41  }
0x1e7: {  	v47 =	vor.u32 $0x28, v1;
	v5 =	vld.idx.msk [tilespmem:v42+s21+$0x0], $0xffff  }
0x1e8: {  	v48 =	vld.idx.msk [tilespmem:v44+s20+$0x0], $0xffff;
	v2 =	vadd.f32 v3, v2;
	v3 =	vmul.f32 v4, v43  }
0x1e9: {  	v49 =	vor.u32 $0x29, v1;
	v4 =	vld.idx.msk [tilespmem:v44+s21+$0x0], $0xffff  }
0x1ea: {  	v50 =	vld.idx.msk [tilespmem:v7+s20+$0x0], $0xffff;
	v2 =	vadd.f32 v3, v2;
	v3 =	vmul.f32 v6, v45  }
0x1eb: {  	v6 =	vld.idx.msk [tilespmem:v7+s21+$0x0], $0xffff;
	v7 =	vor.u32 $0x2A, v1  }
0x1ec: {  	v51 =	vld.idx.msk [tilespmem:v47+s20+$0x0], $0xffff;
	v2 =	vadd.f32 v3, v2;
	v3 =	vmul.f32 v5, v46  }
0x1ed: {  	v52 =	vor.u32 $0x2B, v1;
	v5 =	vld.idx.msk [tilespmem:v47+s21+$0x0], $0xffff  }
0x1ee: {  	v53 =	vld.idx.msk [tilespmem:v49+s20+$0x0], $0xffff;
	v2 =	vadd.f32 v3, v2;
	v3 =	vmul.f32 v4, v48  }
0x1ef: {  	v54 =	vor.u32 $0x2C, v1;
	v4 =	vld.idx.msk [tilespmem:v49+s21+$0x0], $0xffff  }
0x1f0: {  	v55 =	vld.idx.msk [tilespmem:v7+s20+$0x0], $0xffff;
	v2 =	vadd.f32 v3, v2;
	v3 =	vmul.f32 v6, v50  }
0x1f1: {  	v6 =	vld.idx.msk [tilespmem:v7+s21+$0x0], $0xffff;
	v7 =	vor.u32 $0x2D, v1  }
0x1f2: {  	v56 =	vld.idx.msk [tilespmem:v52+s20+$0x0], $0xffff;
	v2 =	vadd.f32 v3, v2;
	v3 =	vmul.f32 v5, v51  }
0x1f3: {  	v57 =	vor.u32 $0x2E, v1;
	v5 =	vld.idx.msk [tilespmem:v52+s21+$0x0], $0xffff  }
0x1f4: {  	v58 =	vld.idx.msk [tilespmem:v54+s20+$0x0], $0xffff;
	v2 =	vadd.f32 v3, v2;
	v3 =	vmul.f32 v4, v53  }
0x1f5: {  	v59 =	vor.u32 $0x2F, v1;
	v4 =	vld.idx.msk [tilespmem:v54+s21+$0x0], $0xffff  }
0x1f6: {  	v60 =	vld.idx.msk [tilespmem:v7+s20+$0x0], $0xffff;
	v2 =	vadd.f32 v3, v2;
	v3 =	vmul.f32 v6, v55  }
0x1f7: {  	v6 =	vld.idx.msk [tilespmem:v7+s21+$0x0], $0xffff;
	v7 =	vor.u32 $0x30, v1  }
0x1f8: {  	v61 =	vld.idx.msk [tilespmem:v57+s20+$0x0], $0xffff;
	v2 =	vadd.f32 v3, v2;
	v3 =	vmul.f32 v5, v56  }
0x1f9: {  	v1 =	vor.u32 $0x31, v1;
	v5 =	vld.idx.msk [tilespmem:v57+s21+$0x0], $0xffff  }
0x1fa: {  	v62 =	vld.idx.msk [tilespmem:v59+s20+$0x0], $0xffff;
	v2 =	vadd.f32 v3, v2;
	v3 =	vmul.f32 v4, v58  }
0x1fb: {  	v4 =	vld.idx.msk [tilespmem:v59+s21+$0x0], $0xffff  }
0x1fc: {  	v63 =	vld.idx.msk [tilespmem:v7+s20+$0x0], $0xffff;
	v2 =	vadd.f32 v3, v2;
	v3 =	vmul.f32 v6, v60  }
0x1fd: {  	v6 =	vld.idx.msk [tilespmem:v7+s21+$0x0], $0xffff  }
0x1fe: {  	v7 =	vld.idx.msk [tilespmem:v1+s20+$0x0], $0xffff;
	v2 =	vadd.f32 v3, v2;
	v3 =	vmul.f32 v5, v61  }
0x1ff: {  	v5 =	vld.idx.msk [tilespmem:v1+s21+$0x0], $0xffff  }
0x200: {  	s31 =	simm.s32 $0x20;
	v1 =	vadd.f32 v3, v2;
	v2 =	vmul.f32 v4, v62  }
0x201: {  	v3 =	vmov s31  }
0x202: {  	v3 =	vshll.u32 v3, $0x7;
	v6 =	vmul.f32 v6, v63;
	v4 =	vadd.f32 v2, v1  }
0x203: {  	v1 =	vor.u32 v0, v3  }
0x204: {  	v2 =	vor.u32 $0x1, v1;
	v3 =	vadd.f32 v6, v4;
	v4 =	vmul.f32 v5, v7  }
0x205: {  	s8 =	simm.s32 $0x30  }
.LBB2_5:
0x206: {  	p1 =	sne.s32 s8, $0xF0;
	v3 =	vadd.f32 v4, v3  }
0x207: {  	s23 =	sadd.s32 $0x10, s23  }
0x208: {  	[tilespmem:s23+$0x0] =	vst v3  }
0x209: {  	s24 =	sadd.s32 $0x10, s24;
	v3 =	vld.idx.msk [tilespmem:v2+s20+$0x0], $0xffff  }
0x20a: {  	v5 =	vor.u32 $0x2, v1;
	v4 =	vld [tilespmem:s24+$0x0]  }
0x20b: {  	v6 =	vld.idx.msk [tilespmem:v1+s20+$0x0], $0xffff  }
0x20c: {  	v8 =	vor.u32 $0x3, v1;
	s7 =	sadd.s32 $0x10, s7;
	v7 =	vld.idx.msk [tilespmem:v1+s21+$0x0], $0xffff  }
0x20d: {  	v9 =	vld [tilespmem:s7+$0x0]  }
0x20e: {  	v10 =	vor.u32 $0x4, v1;
	v2 =	vld.idx.msk [tilespmem:v2+s21+$0x0], $0xffff  }
0x20f: {  	v11 =	vld.idx.msk [tilespmem:v5+s20+$0x0], $0xffff  }
0x210: {  	v12 =	vor.u32 $0x5, v1;
	v5 =	vld.idx.msk [tilespmem:v5+s21+$0x0], $0xffff  }
0x211: {  	v13 =	vld.idx.msk [tilespmem:v8+s20+$0x0], $0xffff  }
0x212: {  	v6 =	vmul.f32 v7, v6;
	v4 =	vadd.f32 v4, v9;
	v7 =	vld.idx.msk [tilespmem:v8+s21+$0x0], $0xffff;
	v8 =	vor.u32 $0x6, v1  }
0x213: {  	v9 =	vld.idx.msk [tilespmem:v10+s20+$0x0], $0xffff  }
0x214: {  	v2 =	vmul.f32 v2, v3;
	v4 =	vadd.f32 v6, v4;
	v3 =	vld.idx.msk [tilespmem:v10+s21+$0x0], $0xffff;
	v6 =	vor.u32 $0x7, v1  }
0x215: {  	v10 =	vld.idx.msk [tilespmem:v12+s20+$0x0], $0xffff  }
0x216: {  	v2 =	vadd.f32 v2, v4;
	v4 =	vmul.f32 v5, v11;
	v5 =	vld.idx.msk [tilespmem:v12+s21+$0x0], $0xffff;
	v11 =	vor.u32 $0x8, v1  }
0x217: {  	v12 =	vld.idx.msk [tilespmem:v8+s20+$0x0], $0xffff  }
0x218: {  	v2 =	vadd.f32 v4, v2;
	v4 =	vmul.f32 v7, v13;
	v7 =	vld.idx.msk [tilespmem:v8+s21+$0x0], $0xffff;
	v8 =	vor.u32 $0x9, v1  }
0x219: {  	v13 =	vld.idx.msk [tilespmem:v6+s20+$0x0], $0xffff  }
0x21a: {  	v3 =	vmul.f32 v3, v9;
	v2 =	vadd.f32 v4, v2;
	v4 =	vld.idx.msk [tilespmem:v6+s21+$0x0], $0xffff;
	v6 =	vor.u32 $0xA, v1  }
0x21b: {  	v9 =	vld.idx.msk [tilespmem:v11+s20+$0x0], $0xffff  }
0x21c: {  	v2 =	vadd.f32 v3, v2;
	v3 =	vmul.f32 v5, v10;
	v5 =	vld.idx.msk [tilespmem:v11+s21+$0x0], $0xffff;
	v10 =	vor.u32 $0xB, v1  }
0x21d: {  	v11 =	vld.idx.msk [tilespmem:v8+s20+$0x0], $0xffff  }
0x21e: {  	v2 =	vadd.f32 v3, v2;
	v3 =	vmul.f32 v7, v12;
	v7 =	vld.idx.msk [tilespmem:v8+s21+$0x0], $0xffff;
	v8 =	vor.u32 $0xC, v1  }
0x21f: {  	v12 =	vld.idx.msk [tilespmem:v6+s20+$0x0], $0xffff  }
0x220: {  	v2 =	vadd.f32 v3, v2;
	v3 =	vmul.f32 v4, v13;
	v4 =	vld.idx.msk [tilespmem:v6+s21+$0x0], $0xffff;
	v6 =	vor.u32 $0xD, v1  }
0x221: {  	v13 =	vld.idx.msk [tilespmem:v10+s20+$0x0], $0xffff  }
0x222: {  	v2 =	vadd.f32 v3, v2;
	v3 =	vmul.f32 v5, v9;
	v5 =	vld.idx.msk [tilespmem:v10+s21+$0x0], $0xffff;
	v9 =	vor.u32 $0xE, v1  }
0x223: {  	v10 =	vld.idx.msk [tilespmem:v8+s20+$0x0], $0xffff  }
0x224: {  	v2 =	vadd.f32 v3, v2;
	v3 =	vmul.f32 v7, v11;
	v7 =	vld.idx.msk [tilespmem:v8+s21+$0x0], $0xffff;
	v8 =	vor.u32 $0xF, v1  }
0x225: {  	v11 =	vld.idx.msk [tilespmem:v6+s20+$0x0], $0xffff  }
0x226: {  	v2 =	vadd.f32 v3, v2;
	v3 =	vmul.f32 v4, v12;
	v4 =	vld.idx.msk [tilespmem:v6+s21+$0x0], $0xffff;
	v6 =	vor.u32 $0x10, v1  }
0x227: {  	v12 =	vld.idx.msk [tilespmem:v9+s20+$0x0], $0xffff  }
0x228: {  	v2 =	vadd.f32 v3, v2;
	v3 =	vmul.f32 v5, v13;
	v5 =	vld.idx.msk [tilespmem:v9+s21+$0x0], $0xffff;
	v9 =	vor.u32 $0x11, v1  }
0x229: {  	v13 =	vld.idx.msk [tilespmem:v8+s20+$0x0], $0xffff  }
0x22a: {  	v2 =	vadd.f32 v3, v2;
	v3 =	vmul.f32 v7, v10;
	v7 =	vld.idx.msk [tilespmem:v8+s21+$0x0], $0xffff;
	v8 =	vor.u32 $0x12, v1  }
0x22b: {  	v10 =	vld.idx.msk [tilespmem:v6+s20+$0x0], $0xffff  }
0x22c: {  	v2 =	vadd.f32 v3, v2;
	v3 =	vmul.f32 v4, v11;
	v4 =	vld.idx.msk [tilespmem:v6+s21+$0x0], $0xffff;
	v6 =	vor.u32 $0x13, v1  }
0x22d: {  	v11 =	vld.idx.msk [tilespmem:v9+s20+$0x0], $0xffff  }
0x22e: {  	v2 =	vadd.f32 v3, v2;
	v3 =	vmul.f32 v5, v12;
	v5 =	vld.idx.msk [tilespmem:v9+s21+$0x0], $0xffff;
	v9 =	vor.u32 $0x14, v1  }
0x22f: {  	v12 =	vld.idx.msk [tilespmem:v8+s20+$0x0], $0xffff  }
0x230: {  	v2 =	vadd.f32 v3, v2;
	v3 =	vmul.f32 v7, v13;
	v7 =	vld.idx.msk [tilespmem:v8+s21+$0x0], $0xffff;
	v8 =	vor.u32 $0x15, v1  }
0x231: {  	v13 =	vld.idx.msk [tilespmem:v6+s20+$0x0], $0xffff  }
0x232: {  	v2 =	vadd.f32 v3, v2;
	v3 =	vmul.f32 v4, v10;
	v4 =	vld.idx.msk [tilespmem:v6+s21+$0x0], $0xffff;
	v6 =	vor.u32 $0x16, v1  }
0x233: {  	v10 =	vld.idx.msk [tilespmem:v9+s20+$0x0], $0xffff  }
0x234: {  	v2 =	vadd.f32 v3, v2;
	v3 =	vmul.f32 v5, v11;
	v5 =	vld.idx.msk [tilespmem:v9+s21+$0x0], $0xffff;
	v9 =	vor.u32 $0x17, v1  }
0x235: {  	v11 =	vld.idx.msk [tilespmem:v8+s20+$0x0], $0xffff  }
0x236: {  	v2 =	vadd.f32 v3, v2;
	v3 =	vmul.f32 v7, v12;
	v7 =	vld.idx.msk [tilespmem:v8+s21+$0x0], $0xffff;
	v8 =	vor.u32 $0x18, v1  }
0x237: {  	v12 =	vld.idx.msk [tilespmem:v6+s20+$0x0], $0xffff  }
0x238: {  	v2 =	vadd.f32 v3, v2;
	v3 =	vmul.f32 v4, v13;
	v4 =	vld.idx.msk [tilespmem:v6+s21+$0x0], $0xffff;
	v6 =	vor.u32 $0x19, v1  }
0x239: {  	v13 =	vld.idx.msk [tilespmem:v9+s20+$0x0], $0xffff  }
0x23a: {  	v2 =	vadd.f32 v3, v2;
	v3 =	vmul.f32 v5, v10;
	v5 =	vld.idx.msk [tilespmem:v9+s21+$0x0], $0xffff;
	v9 =	vor.u32 $0x1A, v1  }
0x23b: {  	v10 =	vld.idx.msk [tilespmem:v8+s20+$0x0], $0xffff  }
0x23c: {  	v2 =	vadd.f32 v3, v2;
	v3 =	vmul.f32 v7, v11;
	v7 =	vld.idx.msk [tilespmem:v8+s21+$0x0], $0xffff;
	v8 =	vor.u32 $0x1B, v1  }
0x23d: {  	v11 =	vld.idx.msk [tilespmem:v6+s20+$0x0], $0xffff  }
0x23e: {  	v2 =	vadd.f32 v3, v2;
	v3 =	vmul.f32 v4, v12;
	v4 =	vld.idx.msk [tilespmem:v6+s21+$0x0], $0xffff;
	v6 =	vor.u32 $0x1C, v1  }
0x23f: {  	v12 =	vld.idx.msk [tilespmem:v9+s20+$0x0], $0xffff  }
0x240: {  	v2 =	vadd.f32 v3, v2;
	v3 =	vmul.f32 v5, v13;
	v5 =	vld.idx.msk [tilespmem:v9+s21+$0x0], $0xffff;
	v9 =	vor.u32 $0x1D, v1  }
0x241: {  	v13 =	vld.idx.msk [tilespmem:v8+s20+$0x0], $0xffff  }
0x242: {  	v2 =	vadd.f32 v3, v2;
	v3 =	vmul.f32 v7, v10;
	v7 =	vld.idx.msk [tilespmem:v8+s21+$0x0], $0xffff;
	v8 =	vor.u32 $0x1E, v1  }
0x243: {  	v10 =	vld.idx.msk [tilespmem:v6+s20+$0x0], $0xffff  }
0x244: {  	v2 =	vadd.f32 v3, v2;
	v3 =	vmul.f32 v4, v11;
	v4 =	vld.idx.msk [tilespmem:v6+s21+$0x0], $0xffff;
	v6 =	vor.u32 $0x1F, v1  }
0x245: {  	v11 =	vld.idx.msk [tilespmem:v9+s20+$0x0], $0xffff  }
0x246: {  	v2 =	vadd.f32 v3, v2;
	v3 =	vmul.f32 v5, v12;
	v5 =	vld.idx.msk [tilespmem:v9+s21+$0x0], $0xffff;
	v9 =	vor.u32 $0x20, v1  }
0x247: {  	v12 =	vld.idx.msk [tilespmem:v8+s20+$0x0], $0xffff  }
0x248: {  	v2 =	vadd.f32 v3, v2;
	v3 =	vmul.f32 v7, v13;
	v7 =	vld.idx.msk [tilespmem:v8+s21+$0x0], $0xffff;
	v8 =	vor.u32 $0x21, v1  }
0x249: {  	v13 =	vld.idx.msk [tilespmem:v6+s20+$0x0], $0xffff  }
0x24a: {  	v2 =	vadd.f32 v3, v2;
	v3 =	vmul.f32 v4, v10;
	v4 =	vld.idx.msk [tilespmem:v6+s21+$0x0], $0xffff;
	v6 =	vor.u32 $0x22, v1  }
0x24b: {  	v10 =	vld.idx.msk [tilespmem:v9+s20+$0x0], $0xffff  }
0x24c: {  	v2 =	vadd.f32 v3, v2;
	v3 =	vmul.f32 v5, v11;
	v5 =	vld.idx.msk [tilespmem:v9+s21+$0x0], $0xffff;
	v9 =	vor.u32 $0x23, v1  }
0x24d: {  	v11 =	vld.idx.msk [tilespmem:v8+s20+$0x0], $0xffff  }
0x24e: {  	v2 =	vadd.f32 v3, v2;
	v3 =	vmul.f32 v7, v12;
	v7 =	vld.idx.msk [tilespmem:v8+s21+$0x0], $0xffff;
	v8 =	vor.u32 $0x24, v1  }
0x24f: {  	v12 =	vld.idx.msk [tilespmem:v6+s20+$0x0], $0xffff  }
0x250: {  	v2 =	vadd.f32 v3, v2;
	v3 =	vmul.f32 v4, v13;
	v4 =	vld.idx.msk [tilespmem:v6+s21+$0x0], $0xffff;
	v6 =	vor.u32 $0x25, v1  }
0x251: {  	v13 =	vld.idx.msk [tilespmem:v9+s20+$0x0], $0xffff  }
0x252: {  	v2 =	vadd.f32 v3, v2;
	v3 =	vmul.f32 v5, v10;
	v5 =	vld.idx.msk [tilespmem:v9+s21+$0x0], $0xffff;
	v9 =	vor.u32 $0x26, v1  }
0x253: {  	v10 =	vld.idx.msk [tilespmem:v8+s20+$0x0], $0xffff  }
0x254: {  	v2 =	vadd.f32 v3, v2;
	v3 =	vmul.f32 v7, v11;
	v7 =	vld.idx.msk [tilespmem:v8+s21+$0x0], $0xffff;
	v8 =	vor.u32 $0x27, v1  }
0x255: {  	v11 =	vld.idx.msk [tilespmem:v6+s20+$0x0], $0xffff  }
0x256: {  	v2 =	vadd.f32 v3, v2;
	v3 =	vmul.f32 v4, v12;
	v4 =	vld.idx.msk [tilespmem:v6+s21+$0x0], $0xffff;
	v6 =	vor.u32 $0x28, v1  }
0x257: {  	v12 =	vld.idx.msk [tilespmem:v9+s20+$0x0], $0xffff  }
0x258: {  	v2 =	vadd.f32 v3, v2;
	v3 =	vmul.f32 v5, v13;
	v5 =	vld.idx.msk [tilespmem:v9+s21+$0x0], $0xffff;
	v9 =	vor.u32 $0x29, v1  }
0x259: {  	v13 =	vld.idx.msk [tilespmem:v8+s20+$0x0], $0xffff  }
0x25a: {  	v2 =	vadd.f32 v3, v2;
	v3 =	vmul.f32 v7, v10;
	v7 =	vld.idx.msk [tilespmem:v8+s21+$0x0], $0xffff;
	v8 =	vor.u32 $0x2A, v1  }
0x25b: {  	v10 =	vld.idx.msk [tilespmem:v6+s20+$0x0], $0xffff  }
0x25c: {  	v2 =	vadd.f32 v3, v2;
	v3 =	vmul.f32 v4, v11;
	v4 =	vld.idx.msk [tilespmem:v6+s21+$0x0], $0xffff;
	v6 =	vor.u32 $0x2B, v1  }
0x25d: {  	v11 =	vld.idx.msk [tilespmem:v9+s20+$0x0], $0xffff  }
0x25e: {  	v2 =	vadd.f32 v3, v2;
	v3 =	vmul.f32 v5, v12;
	v5 =	vld.idx.msk [tilespmem:v9+s21+$0x0], $0xffff;
	v9 =	vor.u32 $0x2C, v1  }
0x25f: {  	v12 =	vld.idx.msk [tilespmem:v8+s20+$0x0], $0xffff  }
0x260: {  	v2 =	vadd.f32 v3, v2;
	v3 =	vmul.f32 v7, v13;
	v7 =	vld.idx.msk [tilespmem:v8+s21+$0x0], $0xffff;
	v8 =	vor.u32 $0x2D, v1  }
0x261: {  	v13 =	vld.idx.msk [tilespmem:v6+s20+$0x0], $0xffff  }
0x262: {  	v2 =	vadd.f32 v3, v2;
	v3 =	vmul.f32 v4, v10;
	v4 =	vld.idx.msk [tilespmem:v6+s21+$0x0], $0xffff;
	v6 =	vor.u32 $0x2E, v1  }
0x263: {  	v10 =	vld.idx.msk [tilespmem:v9+s20+$0x0], $0xffff  }
0x264: {  	v2 =	vadd.f32 v3, v2;
	v3 =	vmul.f32 v5, v11;
	v5 =	vld.idx.msk [tilespmem:v9+s21+$0x0], $0xffff;
	v9 =	vor.u32 $0x2F, v1  }
0x265: {  	v11 =	vld.idx.msk [tilespmem:v8+s20+$0x0], $0xffff  }
0x266: {  	v2 =	vadd.f32 v3, v2;
	v3 =	vmul.f32 v7, v12;
	v7 =	vld.idx.msk [tilespmem:v8+s21+$0x0], $0xffff;
	v8 =	vor.u32 $0x30, v1  }
0x267: {  	v12 =	vld.idx.msk [tilespmem:v6+s20+$0x0], $0xffff  }
0x268: {  	v1 =	vor.u32 $0x31, v1;
	v2 =	vadd.f32 v3, v2;
	v3 =	vmul.f32 v4, v13;
	v4 =	vld.idx.msk [tilespmem:v6+s21+$0x0], $0xffff  }
0x269: {  	v6 =	vld.idx.msk [tilespmem:v9+s20+$0x0], $0xffff  }
0x26a: {  	v2 =	vadd.f32 v3, v2;
	v3 =	vmul.f32 v5, v10;
	v5 =	vld.idx.msk [tilespmem:v9+s21+$0x0], $0xffff  }
0x26b: {  	v9 =	vld.idx.msk [tilespmem:v8+s20+$0x0], $0xffff  }
0x26c: {  	v2 =	vadd.f32 v3, v2;
	v3 =	vmul.f32 v7, v11;
	v7 =	vld.idx.msk [tilespmem:v8+s21+$0x0], $0xffff  }
0x26d: {  	v8 =	vld.idx.msk [tilespmem:v1+s20+$0x0], $0xffff  }
0x26e: {  	v2 =	vadd.f32 v3, v2;
	v3 =	vmul.f32 v4, v12;
	v4 =	vld.idx.msk [tilespmem:v1+s21+$0x0], $0xffff;
	_ =	sdelay $0x1  }
0x26f: {  	v1 =	vadd.f32 v3, v2;
	v2 =	vmul.f32 v5, v6  }
.Ltmp1:
0x270: {  	v3 =	vmov s8;
	(pc) =	sbr.rel @p1 .LBB2_5-.Ltmp1, $4  }
0x271: {  	v3 =	vshll.u32 v3, $0x7;
	v6 =	vmul.f32 v7, v9;
	v5 =	vadd.f32 v2, v1  }
0x272: {  	v1 =	vor.u32 v0, v3  }
0x273: {  	v2 =	vor.u32 $0x1, v1;
	v4 =	vmul.f32 v4, v8;
	v3 =	vadd.f32 v6, v5  }
0x274: {  	s8 =	sadd.s32 $0x10, s8  }
0x275: {  	v3 =	vadd.f32 v4, v3  }
0x276: {  	s8 =	sadd.s32 $0x10, s23  }
0x277: {  	s0 =	sadd.s32 $0x10, s24;
	[tilespmem:s8+$0x0] =	vst v3  }
0x278: {  	v3 =	vld [tilespmem:s0+$0x0]  }
0x279: {  	v24 =	vor.u32 $0x2, v1;
	v5 =	vld.idx.msk [tilespmem:v1+s20+$0x0], $0xffff  }
0x27a: {  	s30 =	sadd.s32 $0x10, s7;
	v6 =	vld.idx.msk [tilespmem:v1+s21+$0x0], $0xffff  }
0x27b: {  	v7 =	vor.u32 $0x3, v1;
	v8 =	vld [tilespmem:s30+$0x0]  }
0x27c: {  	v9 =	vld.idx.msk [tilespmem:v2+s20+$0x0], $0xffff  }
0x27d: {  	v10 =	vor.u32 $0x4, v1;
	v2 =	vld.idx.msk [tilespmem:v2+s21+$0x0], $0xffff  }
0x27e: {  	v11 =	vld.idx.msk [tilespmem:v24+s20+$0x0], $0xffff  }
0x27f: {  	v12 =	vor.u32 $0x5, v1;
	v4 =	vld.idx.msk [tilespmem:v24+s21+$0x0], $0xffff  }
0x280: {  	v13 =	vld.idx.msk [tilespmem:v7+s20+$0x0], $0xffff;
	v3 =	vadd.f32 v3, v8;
	v5 =	vmul.f32 v6, v5  }
0x281: {  	v26 =	vor.u32 $0x6, v1;
	v25 =	vld.idx.msk [tilespmem:v7+s21+$0x0], $0xffff  }
0x282: {  	v27 =	vld.idx.msk [tilespmem:v10+s20+$0x0], $0xffff;
	v2 =	vmul.f32 v2, v9;
	v3 =	vadd.f32 v5, v3  }
0x283: {  	v29 =	vor.u32 $0x7, v1;
	v28 =	vld.idx.msk [tilespmem:v10+s21+$0x0], $0xffff  }
0x284: {  	v30 =	vld.idx.msk [tilespmem:v12+s20+$0x0], $0xffff;
	v2 =	vadd.f32 v2, v3;
	v3 =	vmul.f32 v4, v11  }
0x285: {  	v32 =	vor.u32 $0x8, v1;
	v31 =	vld.idx.msk [tilespmem:v12+s21+$0x0], $0xffff  }
0x286: {  	v33 =	vld.idx.msk [tilespmem:v26+s20+$0x0], $0xffff;
	v2 =	vadd.f32 v3, v2;
	v3 =	vmul.f32 v25, v13  }
0x287: {  	v35 =	vor.u32 $0x9, v1;
	v34 =	vld.idx.msk [tilespmem:v26+s21+$0x0], $0xffff  }
0x288: {  	v36 =	vld.idx.msk [tilespmem:v29+s20+$0x0], $0xffff;
	v2 =	vadd.f32 v3, v2;
	v3 =	vmul.f32 v28, v27  }
0x289: {  	v38 =	vor.u32 $0xA, v1;
	v37 =	vld.idx.msk [tilespmem:v29+s21+$0x0], $0xffff  }
0x28a: {  	v39 =	vld.idx.msk [tilespmem:v32+s20+$0x0], $0xffff;
	v2 =	vadd.f32 v3, v2;
	v3 =	vmul.f32 v31, v30  }
0x28b: {  	v41 =	vor.u32 $0xB, v1;
	v40 =	vld.idx.msk [tilespmem:v32+s21+$0x0], $0xffff  }
0x28c: {  	v42 =	vld.idx.msk [tilespmem:v35+s20+$0x0], $0xffff;
	v2 =	vadd.f32 v3, v2;
	v3 =	vmul.f32 v34, v33  }
0x28d: {  	v44 =	vor.u32 $0xC, v1;
	v43 =	vld.idx.msk [tilespmem:v35+s21+$0x0], $0xffff  }
0x28e: {  	v45 =	vld.idx.msk [tilespmem:v38+s20+$0x0], $0xffff;
	v2 =	vadd.f32 v3, v2;
	v3 =	vmul.f32 v37, v36  }
0x28f: {  	v47 =	vor.u32 $0xD, v1;
	v46 =	vld.idx.msk [tilespmem:v38+s21+$0x0], $0xffff  }
0x290: {  	v48 =	vld.idx.msk [tilespmem:v41+s20+$0x0], $0xffff;
	v2 =	vadd.f32 v3, v2;
	v3 =	vmul.f32 v40, v39  }
0x291: {  	v50 =	vor.u32 $0xE, v1;
	v49 =	vld.idx.msk [tilespmem:v41+s21+$0x0], $0xffff  }
0x292: {  	v51 =	vld.idx.msk [tilespmem:v44+s20+$0x0], $0xffff;
	v2 =	vadd.f32 v3, v2;
	v3 =	vmul.f32 v43, v42  }
0x293: {  	v53 =	vor.u32 $0xF, v1;
	v52 =	vld.idx.msk [tilespmem:v44+s21+$0x0], $0xffff  }
0x294: {  	v54 =	vld.idx.msk [tilespmem:v47+s20+$0x0], $0xffff;
	v2 =	vadd.f32 v3, v2;
	v3 =	vmul.f32 v46, v45  }
0x295: {  	v56 =	vor.u32 $0x10, v1;
	v55 =	vld.idx.msk [tilespmem:v47+s21+$0x0], $0xffff  }
0x296: {  	v57 =	vld.idx.msk [tilespmem:v50+s20+$0x0], $0xffff;
	v2 =	vadd.f32 v3, v2;
	v3 =	vmul.f32 v49, v48  }
0x297: {  	v59 =	vor.u32 $0x11, v1;
	v58 =	vld.idx.msk [tilespmem:v50+s21+$0x0], $0xffff  }
0x298: {  	v60 =	vld.idx.msk [tilespmem:v53+s20+$0x0], $0xffff;
	v2 =	vadd.f32 v3, v2;
	v3 =	vmul.f32 v52, v51  }
0x299: {  	v62 =	vor.u32 $0x12, v1;
	v61 =	vld.idx.msk [tilespmem:v53+s21+$0x0], $0xffff  }
0x29a: {  	v63 =	vld.idx.msk [tilespmem:v56+s20+$0x0], $0xffff;
	v2 =	vadd.f32 v3, v2;
	v3 =	vmul.f32 v55, v54  }
0x29b: {  	v17 =	vor.u32 $0x13, v1;
	v16 =	vld.idx.msk [tilespmem:v56+s21+$0x0], $0xffff  }
0x29c: {  	v18 =	vld.idx.msk [tilespmem:v59+s20+$0x0], $0xffff;
	v2 =	vadd.f32 v3, v2;
	v3 =	vmul.f32 v58, v57  }
0x29d: {  	v20 =	vor.u32 $0x14, v1;
	v19 =	vld.idx.msk [tilespmem:v59+s21+$0x0], $0xffff  }
0x29e: {  	v21 =	vld.idx.msk [tilespmem:v62+s20+$0x0], $0xffff;
	v2 =	vadd.f32 v3, v2;
	v3 =	vmul.f32 v61, v60  }
0x29f: {  	v23 =	vor.u32 $0x15, v1;
	v22 =	vld.idx.msk [tilespmem:v62+s21+$0x0], $0xffff  }
0x2a0: {  	v24 =	vld.idx.msk [tilespmem:v17+s20+$0x0], $0xffff;
	v2 =	vadd.f32 v3, v2;
	v3 =	vmul.f32 v16, v63  }
0x2a1: {  	v26 =	vor.u32 $0x16, v1;
	v25 =	vld.idx.msk [tilespmem:v17+s21+$0x0], $0xffff  }
0x2a2: {  	v27 =	vld.idx.msk [tilespmem:v20+s20+$0x0], $0xffff;
	v2 =	vadd.f32 v3, v2;
	v3 =	vmul.f32 v19, v18  }
0x2a3: {  	v29 =	vor.u32 $0x17, v1;
	v28 =	vld.idx.msk [tilespmem:v20+s21+$0x0], $0xffff  }
0x2a4: {  	v30 =	vld.idx.msk [tilespmem:v23+s20+$0x0], $0xffff;
	v2 =	vadd.f32 v3, v2;
	v3 =	vmul.f32 v22, v21  }
0x2a5: {  	v32 =	vor.u32 $0x18, v1;
	v31 =	vld.idx.msk [tilespmem:v23+s21+$0x0], $0xffff  }
0x2a6: {  	v33 =	vld.idx.msk [tilespmem:v26+s20+$0x0], $0xffff;
	v2 =	vadd.f32 v3, v2;
	v3 =	vmul.f32 v25, v24  }
0x2a7: {  	v35 =	vor.u32 $0x19, v1;
	v34 =	vld.idx.msk [tilespmem:v26+s21+$0x0], $0xffff  }
0x2a8: {  	v36 =	vld.idx.msk [tilespmem:v29+s20+$0x0], $0xffff;
	v2 =	vadd.f32 v3, v2;
	v3 =	vmul.f32 v28, v27  }
0x2a9: {  	v38 =	vor.u32 $0x1A, v1;
	v37 =	vld.idx.msk [tilespmem:v29+s21+$0x0], $0xffff  }
0x2aa: {  	v39 =	vld.idx.msk [tilespmem:v32+s20+$0x0], $0xffff;
	v2 =	vadd.f32 v3, v2;
	v3 =	vmul.f32 v31, v30  }
0x2ab: {  	v41 =	vor.u32 $0x1B, v1;
	v40 =	vld.idx.msk [tilespmem:v32+s21+$0x0], $0xffff  }
0x2ac: {  	v42 =	vld.idx.msk [tilespmem:v35+s20+$0x0], $0xffff;
	v2 =	vadd.f32 v3, v2;
	v3 =	vmul.f32 v34, v33  }
0x2ad: {  	v44 =	vor.u32 $0x1C, v1;
	v43 =	vld.idx.msk [tilespmem:v35+s21+$0x0], $0xffff  }
0x2ae: {  	v45 =	vld.idx.msk [tilespmem:v38+s20+$0x0], $0xffff;
	v2 =	vadd.f32 v3, v2;
	v3 =	vmul.f32 v37, v36  }
0x2af: {  	v47 =	vor.u32 $0x1D, v1;
	v46 =	vld.idx.msk [tilespmem:v38+s21+$0x0], $0xffff  }
0x2b0: {  	v48 =	vld.idx.msk [tilespmem:v41+s20+$0x0], $0xffff;
	v2 =	vadd.f32 v3, v2;
	v3 =	vmul.f32 v40, v39  }
0x2b1: {  	v50 =	vor.u32 $0x1E, v1;
	v49 =	vld.idx.msk [tilespmem:v41+s21+$0x0], $0xffff  }
0x2b2: {  	v51 =	vld.idx.msk [tilespmem:v44+s20+$0x0], $0xffff;
	v2 =	vadd.f32 v3, v2;
	v3 =	vmul.f32 v43, v42  }
0x2b3: {  	v53 =	vor.u32 $0x1F, v1;
	v52 =	vld.idx.msk [tilespmem:v44+s21+$0x0], $0xffff  }
0x2b4: {  	v54 =	vld.idx.msk [tilespmem:v47+s20+$0x0], $0xffff;
	v2 =	vadd.f32 v3, v2;
	v3 =	vmul.f32 v46, v45  }
0x2b5: {  	v56 =	vor.u32 $0x20, v1;
	v55 =	vld.idx.msk [tilespmem:v47+s21+$0x0], $0xffff  }
0x2b6: {  	v57 =	vld.idx.msk [tilespmem:v50+s20+$0x0], $0xffff;
	v2 =	vadd.f32 v3, v2;
	v3 =	vmul.f32 v49, v48  }
0x2b7: {  	v59 =	vor.u32 $0x21, v1;
	v58 =	vld.idx.msk [tilespmem:v50+s21+$0x0], $0xffff  }
0x2b8: {  	v60 =	vld.idx.msk [tilespmem:v53+s20+$0x0], $0xffff;
	v2 =	vadd.f32 v3, v2;
	v3 =	vmul.f32 v52, v51  }
0x2b9: {  	v62 =	vor.u32 $0x22, v1;
	v61 =	vld.idx.msk [tilespmem:v53+s21+$0x0], $0xffff  }
0x2ba: {  	v63 =	vld.idx.msk [tilespmem:v56+s20+$0x0], $0xffff;
	v2 =	vadd.f32 v3, v2;
	v3 =	vmul.f32 v55, v54  }
0x2bb: {  	v17 =	vor.u32 $0x23, v1;
	v16 =	vld.idx.msk [tilespmem:v56+s21+$0x0], $0xffff  }
0x2bc: {  	v18 =	vld.idx.msk [tilespmem:v59+s20+$0x0], $0xffff;
	v2 =	vadd.f32 v3, v2;
	v3 =	vmul.f32 v58, v57  }
0x2bd: {  	v20 =	vor.u32 $0x24, v1;
	v19 =	vld.idx.msk [tilespmem:v59+s21+$0x0], $0xffff  }
0x2be: {  	v21 =	vld.idx.msk [tilespmem:v62+s20+$0x0], $0xffff;
	v2 =	vadd.f32 v3, v2;
	v3 =	vmul.f32 v61, v60  }
0x2bf: {  	v23 =	vor.u32 $0x25, v1;
	v22 =	vld.idx.msk [tilespmem:v62+s21+$0x0], $0xffff  }
0x2c0: {  	v24 =	vld.idx.msk [tilespmem:v17+s20+$0x0], $0xffff;
	v2 =	vadd.f32 v3, v2;
	v3 =	vmul.f32 v16, v63  }
0x2c1: {  	v26 =	vor.u32 $0x26, v1;
	v25 =	vld.idx.msk [tilespmem:v17+s21+$0x0], $0xffff  }
0x2c2: {  	v27 =	vld.idx.msk [tilespmem:v20+s20+$0x0], $0xffff;
	v2 =	vadd.f32 v3, v2;
	v3 =	vmul.f32 v19, v18  }
0x2c3: {  	v29 =	vor.u32 $0x27, v1;
	v28 =	vld.idx.msk [tilespmem:v20+s21+$0x0], $0xffff  }
0x2c4: {  	v30 =	vld.idx.msk [tilespmem:v23+s20+$0x0], $0xffff;
	v2 =	vadd.f32 v3, v2;
	v3 =	vmul.f32 v22, v21  }
0x2c5: {  	v32 =	vor.u32 $0x28, v1;
	v31 =	vld.idx.msk [tilespmem:v23+s21+$0x0], $0xffff  }
0x2c6: {  	v33 =	vld.idx.msk [tilespmem:v26+s20+$0x0], $0xffff;
	v2 =	vadd.f32 v3, v2;
	v3 =	vmul.f32 v25, v24  }
0x2c7: {  	v35 =	vor.u32 $0x29, v1;
	v34 =	vld.idx.msk [tilespmem:v26+s21+$0x0], $0xffff  }
0x2c8: {  	v36 =	vld.idx.msk [tilespmem:v29+s20+$0x0], $0xffff;
	v2 =	vadd.f32 v3, v2;
	v3 =	vmul.f32 v28, v27  }
0x2c9: {  	v38 =	vor.u32 $0x2A, v1;
	v37 =	vld.idx.msk [tilespmem:v29+s21+$0x0], $0xffff  }
0x2ca: {  	v39 =	vld.idx.msk [tilespmem:v32+s20+$0x0], $0xffff;
	v2 =	vadd.f32 v3, v2;
	v3 =	vmul.f32 v31, v30  }
0x2cb: {  	v41 =	vor.u32 $0x2B, v1;
	v40 =	vld.idx.msk [tilespmem:v32+s21+$0x0], $0xffff  }
0x2cc: {  	v42 =	vld.idx.msk [tilespmem:v35+s20+$0x0], $0xffff;
	v2 =	vadd.f32 v3, v2;
	v3 =	vmul.f32 v34, v33  }
0x2cd: {  	v44 =	vor.u32 $0x2C, v1;
	v43 =	vld.idx.msk [tilespmem:v35+s21+$0x0], $0xffff  }
0x2ce: {  	v45 =	vld.idx.msk [tilespmem:v38+s20+$0x0], $0xffff;
	v2 =	vadd.f32 v3, v2;
	v3 =	vmul.f32 v37, v36  }
0x2cf: {  	v47 =	vor.u32 $0x2D, v1;
	v46 =	vld.idx.msk [tilespmem:v38+s21+$0x0], $0xffff  }
0x2d0: {  	v48 =	vld.idx.msk [tilespmem:v41+s20+$0x0], $0xffff;
	v2 =	vadd.f32 v3, v2;
	v3 =	vmul.f32 v40, v39  }
0x2d1: {  	v50 =	vor.u32 $0x2E, v1;
	v49 =	vld.idx.msk [tilespmem:v41+s21+$0x0], $0xffff  }
0x2d2: {  	v51 =	vld.idx.msk [tilespmem:v44+s20+$0x0], $0xffff;
	v2 =	vadd.f32 v3, v2;
	v3 =	vmul.f32 v43, v42  }
0x2d3: {  	v53 =	vor.u32 $0x2F, v1;
	v52 =	vld.idx.msk [tilespmem:v44+s21+$0x0], $0xffff  }
0x2d4: {  	v54 =	vld.idx.msk [tilespmem:v47+s20+$0x0], $0xffff;
	v2 =	vadd.f32 v3, v2;
	v3 =	vmul.f32 v46, v45  }
0x2d5: {  	v56 =	vor.u32 $0x30, v1;
	v55 =	vld.idx.msk [tilespmem:v47+s21+$0x0], $0xffff  }
0x2d6: {  	v57 =	vld.idx.msk [tilespmem:v50+s20+$0x0], $0xffff;
	v2 =	vadd.f32 v3, v2;
	v3 =	vmul.f32 v49, v48  }
0x2d7: {  	v1 =	vor.u32 $0x31, v1;
	v58 =	vld.idx.msk [tilespmem:v50+s21+$0x0], $0xffff  }
0x2d8: {  	v59 =	vld.idx.msk [tilespmem:v53+s20+$0x0], $0xffff;
	v2 =	vadd.f32 v3, v2;
	v3 =	vmul.f32 v52, v51  }
0x2d9: {  	v60 =	vld.idx.msk [tilespmem:v53+s21+$0x0], $0xffff  }
0x2da: {  	v62 =	vld.idx.msk [tilespmem:v56+s21+$0x0], $0xffff;
	v2 =	vadd.f32 v3, v2;
	v3 =	vmul.f32 v55, v54  }
0x2db: {  	v61 =	vld.idx.msk [tilespmem:v56+s20+$0x0], $0xffff  }
0x2dc: {  	v63 =	vld.idx.msk [tilespmem:v1+s20+$0x0], $0xffff;
	v2 =	vadd.f32 v3, v2;
	v3 =	vmul.f32 v58, v57  }
0x2dd: {  	v1 =	vld.idx.msk [tilespmem:v1+s21+$0x0], $0xffff  }
0x2de: {  	v2 =	vadd.f32 v3, v2;
	v3 =	vmul.f32 v60, v59;
	_ =	sdelay $0x1  }
0x2df: {  	v2 =	vadd.f32 v3, v2;
	v3 =	vmul.f32 v62, v61;
	_ =	sdelay $0x1  }
.Ltmp2:
0x2e0: {  	v1 =	vmul.f32 v1, v63;
	v2 =	vadd.f32 v3, v2;
	(pc) =	sbr.rel @p0 .LBB2_2-.Ltmp2, $4  }
0x2e1: {  	_ = 	snop  }
0x2e2: {  	v1 =	vadd.f32 v1, v2  }
0x2e3: {  	s31 =	sadd.s32 $0x10, s8  }
0x2e4: {  	p1 =	por $0x0, $0x0;
	s0 =	simm.s32 $0x100;
	[tilespmem:s31+$0x0] =	vst v1  }
0x2e5: {  	s0 =	rddreg [dreg:$0x18];
	s1 =	simm.s32 $0x10800  }
0x2e6: {  	[hbm4b:s0+s12] =	stream.linear.scatter [tilespmem:s1], [sflag:$0xA], $0x200, $0x38;
	[tilespmem:$0x10A00] =	vst v63  }
0x2e7: {  	s1 =	simm.s32 $0xA  }
0x2e8: {  	_ =	swait.ge [sflag:s1], $0x200  }
0x2e9: {  	s2 =	rddreg [dreg:$0x1a]  }
0x2ea: {  	s31 =	rddreg [dreg:$0x19];
	s2 =	sadd.s32 $0x1, s2  }
0x2eb: {  	p0 =	sne.s32 s2, s31  }
.Ltmp3:
0x2ec: {  	_ = 	snop;
	(pc) =	sbr.rel @p0 .LBB2_1-.Ltmp3, $3  }
0x2ed: {  	_ =	sdelay $0x1  }
0x2ee: {  	[sflag:s1] =	ssyncset.done $0x0  }
0x2ef: {  	[sflag:s1] =	ssyncadd.s32 $0xFFFFFE00  }
0x2f0: {  	_ =	sfence.sel $0x180000  }
0x2f1: {  	[bflag:$0x0] =	sbarrier.arrive $0xFFFF  }
0x2f2: {  	_ =	strace $0x90000047  }
0x2f3: {  	s0 =	stileid.u32;
	[bflag:$0x2] =	sbarrier.arrive $0xFFFF  }
0x2f4: {  	p0 =	sne.s32 s0, $0x0;
	s0 =	rddreg [dreg:$0x2]  }
0x2f5: {  	s0 =	sadd.s32 @!p0 $0x100000, s0  }
0x2f6: {  	[sflag:s0] =	ssyncadd.tile.s32 @!p0 $0x1;
	_ =	shalt  }
.Lfunc_end2:
_tile_overlayer_lowered:
.L_overlay_start_2:
0x2f7: {  	(tag) =	ssettag $0x2  }
0x2f8: {  	s0 =	rddreg [dreg:$0x0];
	s2 =	stileid.u32  }
0x2f9: {  	s1 =	rddreg [dreg:$0x1];
	p0 =	sne.s32 s2, $0x0  }
0x2fa: {  	s3 =	rddreg [dreg:$0x2];
	[bflag:$0x3] =	sbarrier.arrive $0xFFFF;
	s2 =	simm.s32 @!p0 $0x1C0A  }
0x2fb: {  	[timem:s3], [sflag:s2] =	dma.local @!p0 [hbm:s0], s1  }
0x2fc: {  	s0 =	simm.s32 @!p0 $0xA  }
0x2fd: {  	_ =	swait.ge @!p0 [sflag:s0], s1  }
0x2fe: {  	s1 =	ssub.s32 @!p0 $0x0, s1;
	[sflag:s0] =	ssyncset.done @!p0 $0x0  }
0x2ff: {  	[sflag:s0] =	ssyncadd.s32 @!p0 s1  }
0x300: {  	[bflag:$0x3] =	sbarrier.arrive $0xFFFF  }
0x301: {  	_ =	shalt  }

</sc_bundles>
